<compile_context>
chip_gen: v7x
topology: tpu7x:2x2x1
jax: 0.10.2.dev20260603
libtpu: 0.0.44.dev20260713+nightly
codegen_flags: <defaults>
</compile_context>

<pallas_src>
import functools

import jax
import jax.numpy as jnp
from jax import lax
from jax.experimental import pallas as pl
from jax.experimental.pallas import tpu as pltpu
from jax.experimental.pallas import tpu_sc as plsc

N = 10000
E = 160000
D = 256
SCALE = 0.8
NC = 2
NS = 16
JUNK = N

H = 128

A_BATCHES = 40
A_SLOTS = A_BATCHES * 128
A_TOTAL = NC * NS * A_SLOTS
DEG_LEN = NC * NS * 640

EPT = E // NS
C_B = 80
C_NB = EPT // C_B
PASS_ROWS = 5000
ACC_ROWS = PASS_ROWS + 8
RPT = 312
TAIL_R0 = NS * RPT
TAIL = PASS_ROWS - TAIL_R0

_mesh = plsc.VectorSubcoreMesh(core_axis_name="c", subcore_axis_name="s")


@functools.partial(
    pl.kernel,
    mesh=_mesh,
    out_type=[jax.ShapeDtypeStruct((N,), jnp.float32),
              jax.ShapeDtypeStruct((N,), jnp.float32)],
    scratch_types=[
        pltpu.VMEM((A_BATCHES, 128), jnp.int32),
        pltpu.VMEM((128,), jnp.float32),
        pltpu.VMEM((640,), jnp.float32),
        pltpu.VMEM((N,), jnp.float32),
        pltpu.VMEM_SHARED((DEG_LEN,), jnp.float32),
    ],
)
def _deg_kernel(dstA, counts0, counts1, idx_v, ones_v, zb_v, cnt_v, deg):
    c = lax.axis_index("c")
    t = lax.axis_index("s")
    wid = t * NC + c
    pltpu.sync_copy(dstA.at[wid], idx_v)
    for i in range(8):
        ones_v[pl.ds(i * 16, 16)] = jnp.full((16,), 1.0, jnp.float32)
    for i in range(40):
        zb_v[pl.ds(i * 16, 16)] = jnp.zeros((16,), jnp.float32)
    pltpu.sync_copy(zb_v, deg.at[pl.ds(t * 640, 640)])
    plsc.subcore_barrier()

    def body(j, carry):
        pltpu.sync_copy(ones_v, deg.at[idx_v.at[j]], add=True)
        return carry

    lax.fori_loop(0, A_BATCHES, body, 0)
    plsc.subcore_barrier()

    @pl.when((t == 0) & (c == 0))
    def _():
        pltpu.sync_copy(deg.at[pl.ds(0, N)], cnt_v)
        pltpu.sync_copy(cnt_v, counts0)

    @pl.when((t == 0) & (c == 1))
    def _():
        pltpu.sync_copy(deg.at[pl.ds(0, N)], cnt_v)
        pltpu.sync_copy(cnt_v, counts1)


def _lin_body(x_ref, w1_ref, b1_ref, w2_ref, b2_ref, deg_ref,
              zp1_ref, zp2_ref):
    xb = x_ref[...]
    dinv = lax.rsqrt(deg_ref[...])
    y1 = lax.dot_general(xb, w1_ref[...], (((1,), (1,)), ((), ())),
                         preferred_element_type=jnp.float32) + b1_ref[...]
    z1 = y1 * dinv
    zp1_ref[0] = z1[:, :H]
    zp1_ref[1] = z1[:, H:]
    h = lax.dot_general(xb, w2_ref[...], (((1,), (1,)), ((), ())),
                        preferred_element_type=jnp.float32) + b2_ref[...]
    nrm = jnp.sqrt(jnp.sum(h * h, axis=1, keepdims=True))
    z2 = h * (SCALE / jnp.maximum(nrm, 1e-12)) * dinv
    zp2_ref[0] = z2[:, :H]
    zp2_ref[1] = z2[:, H:]


_lin = pl.pallas_call(
    _lin_body,
    grid=(25,),
    in_specs=[
        pl.BlockSpec((400, D), lambda i: (i, 0)),
        pl.BlockSpec((D, D), lambda i: (0, 0)),
        pl.BlockSpec((1, D), lambda i: (0, 0)),
        pl.BlockSpec((D, D), lambda i: (0, 0)),
        pl.BlockSpec((1, D), lambda i: (0, 0)),
        pl.BlockSpec((400, 1), lambda i: (i, 0)),
    ],
    out_specs=[pl.BlockSpec((NC, 400, H), lambda i: (0, i, 0))] * 2,
    out_shape=[jax.ShapeDtypeStruct((NC, N, H), jnp.float32)] * 2,
)


@functools.partial(
    pl.kernel,
    mesh=_mesh,
    out_type=[jax.ShapeDtypeStruct((NC, N, H), jnp.float32),
              jax.ShapeDtypeStruct((NC, N, H), jnp.float32)],
    scratch_types=[
        pltpu.VMEM((C_NB, C_B), jnp.int32),
        pltpu.VMEM((C_NB, C_B), jnp.int32),
        pltpu.VMEM((C_NB, C_B), jnp.int32),
        pltpu.VMEM((C_NB, C_B), jnp.int32),
        pltpu.VMEM((2, C_B, H), jnp.float32),
        pltpu.VMEM_SHARED((ACC_ROWS, H), jnp.float32),
        pltpu.SemaphoreType.DMA,
        pltpu.SemaphoreType.DMA,
    ],
)
def _prop_kernel(srcP, dstP, z1S, z2S, s1_out, s2_out,
                 src_v, dst_v, rem0, rem1, gbuf, acc, sem0, sem1):
    c = lax.axis_index("c")
    t = lax.axis_index("s")
    pltpu.sync_copy(srcP.at[c, t], src_v)
    pltpu.sync_copy(dstP.at[t], dst_v)
    sems = (sem0, sem1)

    def rm_body(i, carry):
        for k in range(C_B // 16):
            d = dst_v[i, pl.ds(16 * k, 16)]
            rem0[i, pl.ds(16 * k, 16)] = jnp.where(
                d < PASS_ROWS, d, PASS_ROWS)
            rem1[i, pl.ds(16 * k, 16)] = jnp.where(
                d >= PASS_ROWS, d - PASS_ROWS, PASS_ROWS)
        return carry

    lax.fori_loop(0, C_NB, rm_body, 0)

    def sweep(zS, s_out, base, rem):
        def g_start(j, b):
            pltpu.make_async_copy(zS.at[src_v.at[j]], gbuf.at[b],
                                  sems[b]).start()

        def g_wait(j, b):
            pltpu.make_async_copy(zS.at[src_v.at[j]], gbuf.at[b],
                                  sems[b]).wait()

        g_start(0, 0)
        g_start(1, 1)
        pltpu.sync_copy(zS.at[pl.ds(c * N + base + t * RPT, RPT)],
                        acc.at[pl.ds(t * RPT, RPT)])

        @pl.when(t == 0)
        def _():
            pltpu.sync_copy(zS.at[pl.ds(c * N + base + TAIL_R0, TAIL)],
                            acc.at[pl.ds(TAIL_R0, TAIL)])

        plsc.subcore_barrier()

        def body(i, carry):
            j0 = 2 * i
            for b in range(2):
                j = j0 + b

                @pl.when(j < C_NB)
                def _():
                    g_wait(j, b)
                    pltpu.sync_copy(gbuf.at[b], acc.at[rem.at[j]], add=True)

                    @pl.when(j + 2 < C_NB)
                    def _():
                        g_start(j + 2, b)

            return carry

        lax.fori_loop(0, (C_NB + 1) // 2, body, 0)
        plsc.subcore_barrier()
        pltpu.sync_copy(acc.at[pl.ds(t * RPT, RPT)],
                        s_out.at[c, pl.ds(base + t * RPT, RPT)])

        @pl.when(t == 0)
        def _():
            pltpu.sync_copy(acc.at[pl.ds(TAIL_R0, TAIL)],
                            s_out.at[c, pl.ds(base + TAIL_R0, TAIL)])

    sweep(z1S, s1_out, 0, rem0)
    sweep(z1S, s1_out, PASS_ROWS, rem1)
    sweep(z2S, s2_out, 0, rem0)
    sweep(z2S, s2_out, PASS_ROWS, rem1)


def _out_body(s1_ref, s2_ref, deg_ref, h_ref, x_ref):
    dinv = lax.rsqrt(deg_ref[...])
    s1 = s1_ref[...]
    s2 = s2_ref[...]
    x_ref[...] = jnp.concatenate([s1[0], s1[1]], axis=1) * dinv
    h_ref[...] = jnp.concatenate([s2[0], s2[1]], axis=1) * dinv


_out = pl.pallas_call(
    _out_body,
    grid=(25,),
    in_specs=[
        pl.BlockSpec((NC, 400, H), lambda i: (0, i, 0)),
        pl.BlockSpec((NC, 400, H), lambda i: (0, i, 0)),
        pl.BlockSpec((400, 1), lambda i: (i, 0)),
    ],
    out_specs=[pl.BlockSpec((400, D), lambda i: (i, 0))] * 2,
    out_shape=[jax.ShapeDtypeStruct((N, D), jnp.float32)] * 2,
)


def kernel(x, edge_index, W1, b1, W2, b2):
    src = edge_index[0]
    dst = edge_index[1]
    padA = jnp.full((A_TOTAL - E,), JUNK, jnp.int32)
    dstA = jnp.concatenate([dst, padA]).reshape(NC * NS, A_BATCHES, 128)
    c0, c1 = _deg_kernel(dstA)
    deg_col = (c0 + c1 + 1.0).reshape(N, 1)
    zp1, zp2 = _lin(x, W1, b1.reshape(1, D), W2, b2.reshape(1, D), deg_col)
    srcG = src.reshape(NS, C_NB, C_B)
    srcP = jnp.stack([srcG, srcG + N])
    dstP = dst.reshape(NS, C_NB, C_B)
    s1, s2 = _prop_kernel(srcP, dstP, zp1.reshape(NC * N, H),
                          zp2.reshape(NC * N, H))
    h, x_ = _out(s1, s2, deg_col)
    return (h, x_)

# --- scband reference (transcript-rebuilt; emitter-appended) ---
"""Pipeline reference for scband-vgaeencoder1-10823317586225 (READ-ONLY COPY).

The authoritative reference and input builder live on the scoring server;
editing this copy changes nothing except your own understanding.
"""

import jax, jax.numpy as jnp
import numpy as np

N = 10000
E = 160000
D_IN = 256
D_OUT = 256
SC = 0.8


def setup_inputs(seed: int = 0) -> dict:
    key = jax.random.key(seed)
    ks = jax.random.split(key, 6)
    x = jax.random.normal(ks[0], (N, D_IN), dtype=jnp.float32)
    edge_index = jax.random.randint(ks[1], (2, E), 0, N, dtype=jnp.int32)
    bound1 = 1.0 / np.sqrt(D_IN)
    W1 = jax.random.uniform(ks[2], (D_OUT, D_IN), minval=-bound1, maxval=bound1, dtype=jnp.float32)
    b1 = jax.random.uniform(ks[3], (D_OUT,), minval=-bound1, maxval=bound1, dtype=jnp.float32)
    W2 = jax.random.uniform(ks[4], (D_OUT, D_IN), minval=-bound1, maxval=bound1, dtype=jnp.float32)
    b2 = jax.random.uniform(ks[5], (D_OUT,), minval=-bound1, maxval=bound1, dtype=jnp.float32)
    return {"x": x, "edge_index": edge_index, "W1": W1, "b1": b1, "W2": W2, "b2": b2}


def appnp_k1(x, edge_index):
    # APPNP with K=1, alpha=0 reduces to one GCN-normalized propagation step:
    # out = D^{-1/2} (A + I) D^{-1/2} x  (self-loops added, symmetric norm)
    src = edge_index[0]
    dst = edge_index[1]
    loop = jnp.arange(N, dtype=edge_index.dtype)
    src = jnp.concatenate([src, loop])
    dst = jnp.concatenate([dst, loop])
    ones = jnp.ones(src.shape[0], dtype=x.dtype)
    deg = jnp.zeros((N,), dtype=x.dtype).at[dst].add(ones)
    deg_inv_sqrt = jnp.where(deg > 0, jax.lax.rsqrt(jnp.maximum(deg, 1e-12)), 0.0)
    norm = deg_inv_sqrt[src] * deg_inv_sqrt[dst]
    msg = x[src] * norm[:, None]
    out = jnp.zeros((N, x.shape[1]), dtype=x.dtype).at[dst].add(msg)
    return out


def reference(x, edge_index, W1, b1, W2, b2):
    x_ = x @ W1.T + b1
    x_ = appnp_k1(x_, edge_index)
    h = x @ W2.T + b2
    nrm = jnp.sqrt(jnp.sum(h * h, axis=1, keepdims=True))
    h = h / jnp.maximum(nrm, 1e-12) * SC
    h = appnp_k1(h, edge_index)
    return (h, x_)

if __name__ == "__main__":
    import jax
    _d = setup_inputs()
    print(jax.jit(kernel)(*tuple(_d.values())))

</pallas_src>

<mosaic_0001>
#map = affine_map<(d0, d1) -> (0, 0, 0, 0)>
#map1 = affine_map<(d0, d1) -> (0, 0, 0)>
#map2 = affine_map<(d0, d1) -> (0, 0)>
module attributes {stable_mosaic.version = 14 : i64} {
  func.func @_prop_kernel(%arg0: i32, %arg1: i32, %arg2: memref<2x16x125x80xi32, #tpu.memory_space<hbm>>, %arg3: memref<16x125x80xi32, #tpu.memory_space<hbm>>, %arg4: memref<20000x128xf32, #tpu.memory_space<hbm>>, %arg5: memref<20000x128xf32, #tpu.memory_space<hbm>>, %arg6: memref<2x10000x128xf32, #tpu.memory_space<hbm>>, %arg7: memref<2x10000x128xf32, #tpu.memory_space<hbm>>, %arg8: memref<125x80xi32, #tpu.memory_space<vmem>>, %arg9: memref<125x80xi32, #tpu.memory_space<vmem>>, %arg10: memref<125x80xi32, #tpu.memory_space<vmem>>, %arg11: memref<125x80xi32, #tpu.memory_space<vmem>>, %arg12: memref<2x80x128xf32, #tpu.memory_space<vmem>>, %arg13: memref<5008x128xf32, #tpu.memory_space<vmem_shared>>, %arg14: memref<!tpu.dma_semaphore, #tpu.memory_space<semaphore_mem>>, %arg15: memref<!tpu.dma_semaphore, #tpu.memory_space<semaphore_mem>>) attributes {dimension_semantics = [#tpu.dimension_semantics<core_parallel>, #tpu.dimension_semantics<subcore_parallel>], iteration_bounds = array<i64: 2, 16>, scalar_prefetch = 0 : i64, scratch_operands = 8 : i64, tpu.core_type = #tpu.core_type<sc_vector_subcore>, window_params = [{transform_indices = #map}, {transform_indices = #map1}, {transform_indices = #map2}, {transform_indices = #map2}, {transform_indices = #map1}, {transform_indices = #map1}]} {
    "tpu.region"() ({
      %run_scoped3A = tpu.sem_alloc : memref<!tpu.dma_semaphore, #tpu.memory_space<semaphore_mem>>
      %dma_start3A_226 = arith.constant 0 : i32
      %dma_start3A_227 = arith.constant 0 : i32
      %dma_start3A_228 = tpu.memref_slice %arg2[%arg0, %arg1, %dma_start3A_226, %dma_start3A_227] : memref<2x16x125x80xi32, #tpu.memory_space<hbm>> -> memref<1x1x125x80xi32, #tpu.memory_space<hbm>>
      %dma_start3A_229 = tpu.memref_squeeze %dma_start3A_228 : memref<1x1x125x80xi32, #tpu.memory_space<hbm>> -> memref<125x80xi32, #tpu.memory_space<hbm>>
      %dma_start3A_230 = arith.constant 0 : i32
      %dma_start3A_231 = arith.constant 0 : i32
      %dma_start3A_232 = tpu.memref_slice %arg2[%arg0, %arg1, %dma_start3A_230, %dma_start3A_231] : memref<2x16x125x80xi32, #tpu.memory_space<hbm>> -> memref<1x1x125x80xi32, #tpu.memory_space<hbm>>
      %dma_start3A_233 = tpu.memref_squeeze %dma_start3A_232 : memref<1x1x125x80xi32, #tpu.memory_space<hbm>> -> memref<125x80xi32, #tpu.memory_space<hbm>>
      tpu.enqueue_dma source(%dma_start3A_233 : memref<125x80xi32, #tpu.memory_space<hbm>>) target(%arg8 : memref<125x80xi32, #tpu.memory_space<vmem>>) target_semaphore(%run_scoped3A : memref<!tpu.dma_semaphore, #tpu.memory_space<semaphore_mem>>)
      %dma_wait3A = arith.constant 0 : i32
      %dma_wait3A_234 = arith.constant 0 : i32
      %dma_wait3A_235 = tpu.memref_slice %arg2[%arg0, %arg1, %dma_wait3A, %dma_wait3A_234] : memref<2x16x125x80xi32, #tpu.memory_space<hbm>> -> memref<1x1x125x80xi32, #tpu.memory_space<hbm>>
      %dma_wait3A_236 = tpu.memref_squeeze %dma_wait3A_235 : memref<1x1x125x80xi32, #tpu.memory_space<hbm>> -> memref<125x80xi32, #tpu.memory_space<hbm>>
      %dma_wait3A_237 = arith.constant 0 : i32
      %dma_wait3A_238 = arith.constant 0 : i32
      %dma_wait3A_239 = tpu.memref_slice %arg2[%arg0, %arg1, %dma_wait3A_237, %dma_wait3A_238] : memref<2x16x125x80xi32, #tpu.memory_space<hbm>> -> memref<1x1x125x80xi32, #tpu.memory_space<hbm>>
      %dma_wait3A_240 = tpu.memref_squeeze %dma_wait3A_239 : memref<1x1x125x80xi32, #tpu.memory_space<hbm>> -> memref<125x80xi32, #tpu.memory_space<hbm>>
      tpu.wait_dma2 semaphore(%run_scoped3A : memref<!tpu.dma_semaphore, #tpu.memory_space<semaphore_mem>>) src(%dma_wait3A_240 : memref<125x80xi32, #tpu.memory_space<hbm>>) dst(%arg8 : memref<125x80xi32, #tpu.memory_space<vmem>>)
      tpu.yield
    }) : () -> ()
    "tpu.region"() ({
      %run_scoped3A = tpu.sem_alloc : memref<!tpu.dma_semaphore, #tpu.memory_space<semaphore_mem>>
      %dma_start3A_226 = arith.constant 0 : i32
      %dma_start3A_227 = arith.constant 0 : i32
      %dma_start3A_228 = tpu.memref_slice %arg3[%arg1, %dma_start3A_226, %dma_start3A_227] : memref<16x125x80xi32, #tpu.memory_space<hbm>> -> memref<1x125x80xi32, #tpu.memory_space<hbm>>
      %dma_start3A_229 = tpu.memref_squeeze %dma_start3A_228 : memref<1x125x80xi32, #tpu.memory_space<hbm>> -> memref<125x80xi32, #tpu.memory_space<hbm>>
      %dma_start3A_230 = arith.constant 0 : i32
      %dma_start3A_231 = arith.constant 0 : i32
      %dma_start3A_232 = tpu.memref_slice %arg3[%arg1, %dma_start3A_230, %dma_start3A_231] : memref<16x125x80xi32, #tpu.memory_space<hbm>> -> memref<1x125x80xi32, #tpu.memory_space<hbm>>
      %dma_start3A_233 = tpu.memref_squeeze %dma_start3A_232 : memref<1x125x80xi32, #tpu.memory_space<hbm>> -> memref<125x80xi32, #tpu.memory_space<hbm>>
      tpu.enqueue_dma source(%dma_start3A_233 : memref<125x80xi32, #tpu.memory_space<hbm>>) target(%arg9 : memref<125x80xi32, #tpu.memory_space<vmem>>) target_semaphore(%run_scoped3A : memref<!tpu.dma_semaphore, #tpu.memory_space<semaphore_mem>>)
      %dma_wait3A = arith.constant 0 : i32
      %dma_wait3A_234 = arith.constant 0 : i32
      %dma_wait3A_235 = tpu.memref_slice %arg3[%arg1, %dma_wait3A, %dma_wait3A_234] : memref<16x125x80xi32, #tpu.memory_space<hbm>> -> memref<1x125x80xi32, #tpu.memory_space<hbm>>
      %dma_wait3A_236 = tpu.memref_squeeze %dma_wait3A_235 : memref<1x125x80xi32, #tpu.memory_space<hbm>> -> memref<125x80xi32, #tpu.memory_space<hbm>>
      %dma_wait3A_237 = arith.constant 0 : i32
      %dma_wait3A_238 = arith.constant 0 : i32
      %dma_wait3A_239 = tpu.memref_slice %arg3[%arg1, %dma_wait3A_237, %dma_wait3A_238] : memref<16x125x80xi32, #tpu.memory_space<hbm>> -> memref<1x125x80xi32, #tpu.memory_space<hbm>>
      %dma_wait3A_240 = tpu.memref_squeeze %dma_wait3A_239 : memref<1x125x80xi32, #tpu.memory_space<hbm>> -> memref<125x80xi32, #tpu.memory_space<hbm>>
      tpu.wait_dma2 semaphore(%run_scoped3A : memref<!tpu.dma_semaphore, #tpu.memory_space<semaphore_mem>>) src(%dma_wait3A_240 : memref<125x80xi32, #tpu.memory_space<hbm>>) dst(%arg9 : memref<125x80xi32, #tpu.memory_space<vmem>>)
      tpu.yield
    }) : () -> ()
    %scan3A = arith.constant 0 : i32
    %scan3A_0 = arith.constant 0 : i32
    %scan3A_1 = arith.constant 125 : i32
    %scan3A_2 = arith.addi %scan3A_0, %scan3A_1 : i32
    %scan3A_3 = arith.constant 1 : i32
    scf.for %scan3A_226 = %scan3A_0 to %scan3A_2 step %scan3A_3  : i32 {
      %get3A = arith.index_cast %scan3A_226 : i32 to index
      %get3A_227 = arith.constant 0 : index
      %get3A_228 = tpu.vector_load %arg9[%get3A, %get3A_227] {strides = array<i32>} : memref<125x80xi32, #tpu.memory_space<vmem>>, vector<1x16xi32>,
      %get3A_229 = vector.shape_cast %get3A_228 : vector<1x16xi32> to vector<16xi32>
      %lt3A = arith.constant 5000 : i32
      %lt3A_230 = vector.broadcast %lt3A : i32 to vector<16xi32>
      %lt3A_231 = arith.cmpi slt, %get3A_229, %lt3A_230 : vector<16xi32>
      %jit3A = arith.constant 5000 : i32
      %broadcast_in_dim3A = vector.broadcast %jit3A : i32 to vector<16xi32>
      %select_n3A = arith.select %lt3A_231, %get3A_229, %broadcast_in_dim3A : vector<16xi1>, vector<16xi32>
      %swap3A = arith.index_cast %scan3A_226 : i32 to index
      %swap3A_232 = arith.constant 0 : index
      %swap3A_233 = tpu.vector_load %arg10[%swap3A, %swap3A_232] {strides = array<i32>} : memref<125x80xi32, #tpu.memory_space<vmem>>, vector<1x16xi32>,
      %swap3A_234 = vector.shape_cast %swap3A_233 : vector<1x16xi32> to vector<16xi32>
      %swap3A_235 = vector.shape_cast %select_n3A : vector<16xi32> to vector<1x16xi32>
      tpu.vector_store %arg10[%swap3A, %swap3A_232], %swap3A_235 {strides = array<i32>} : memref<125x80xi32, #tpu.memory_space<vmem>>, vector<1x16xi32>,
      %ge3A = arith.constant 5000 : i32
      %ge3A_236 = vector.broadcast %ge3A : i32 to vector<16xi32>
      %ge3A_237 = arith.cmpi sge, %get3A_229, %ge3A_236 : vector<16xi32>
      %sub3A = arith.constant 5000 : i32
      %sub3A_238 = vector.broadcast %sub3A : i32 to vector<16xi32>
      %sub3A_239 = arith.subi %get3A_229, %sub3A_238 : vector<16xi32>
      %jit3A_240 = arith.constant 5000 : i32
      %broadcast_in_dim3A_241 = vector.broadcast %jit3A_240 : i32 to vector<16xi32>
      %select_n3A_242 = arith.select %ge3A_237, %sub3A_239, %broadcast_in_dim3A_241 : vector<16xi1>, vector<16xi32>
      %swap3A_243 = arith.index_cast %scan3A_226 : i32 to index
      %swap3A_244 = arith.constant 0 : index
      %swap3A_245 = tpu.vector_load %arg11[%swap3A_243, %swap3A_244] {strides = array<i32>} : memref<125x80xi32, #tpu.memory_space<vmem>>, vector<1x16xi32>,
      %swap3A_246 = vector.shape_cast %swap3A_245 : vector<1x16xi32> to vector<16xi32>
      %swap3A_247 = vector.shape_cast %select_n3A_242 : vector<16xi32> to vector<1x16xi32>
      tpu.vector_store %arg11[%swap3A_243, %swap3A_244], %swap3A_247 {strides = array<i32>} : memref<125x80xi32, #tpu.memory_space<vmem>>, vector<1x16xi32>,
      %get3A_248 = arith.index_cast %scan3A_226 : i32 to index
      %get3A_249 = arith.constant 16 : index
      %get3A_250 = tpu.vector_load %arg9[%get3A_248, %get3A_249] {strides = array<i32>} : memref<125x80xi32, #tpu.memory_space<vmem>>, vector<1x16xi32>,
      %get3A_251 = vector.shape_cast %get3A_250 : vector<1x16xi32> to vector<16xi32>
      %lt3A_252 = arith.constant 5000 : i32
      %lt3A_253 = vector.broadcast %lt3A_252 : i32 to vector<16xi32>
      %lt3A_254 = arith.cmpi slt, %get3A_251, %lt3A_253 : vector<16xi32>
      %jit3A_255 = arith.constant 5000 : i32
      %broadcast_in_dim3A_256 = vector.broadcast %jit3A_255 : i32 to vector<16xi32>
      %select_n3A_257 = arith.select %lt3A_254, %get3A_251, %broadcast_in_dim3A_256 : vector<16xi1>, vector<16xi32>
      %swap3A_258 = arith.index_cast %scan3A_226 : i32 to index
      %swap3A_259 = arith.constant 16 : index
      %swap3A_260 = tpu.vector_load %arg10[%swap3A_258, %swap3A_259] {strides = array<i32>} : memref<125x80xi32, #tpu.memory_space<vmem>>, vector<1x16xi32>,
      %swap3A_261 = vector.shape_cast %swap3A_260 : vector<1x16xi32> to vector<16xi32>
      %swap3A_262 = vector.shape_cast %select_n3A_257 : vector<16xi32> to vector<1x16xi32>
      tpu.vector_store %arg10[%swap3A_258, %swap3A_259], %swap3A_262 {strides = array<i32>} : memref<125x80xi32, #tpu.memory_space<vmem>>, vector<1x16xi32>,
      %ge3A_263 = arith.constant 5000 : i32
      %ge3A_264 = vector.broadcast %ge3A_263 : i32 to vector<16xi32>
      %ge3A_265 = arith.cmpi sge, %get3A_251, %ge3A_264 : vector<16xi32>
      %sub3A_266 = arith.constant 5000 : i32
      %sub3A_267 = vector.broadcast %sub3A_266 : i32 to vector<16xi32>
      %sub3A_268 = arith.subi %get3A_251, %sub3A_267 : vector<16xi32>
      %jit3A_269 = arith.constant 5000 : i32
      %broadcast_in_dim3A_270 = vector.broadcast %jit3A_269 : i32 to vector<16xi32>
      %select_n3A_271 = arith.select %ge3A_265, %sub3A_268, %broadcast_in_dim3A_270 : vector<16xi1>, vector<16xi32>
      %swap3A_272 = arith.index_cast %scan3A_226 : i32 to index
      %swap3A_273 = arith.constant 16 : index
      %swap3A_274 = tpu.vector_load %arg11[%swap3A_272, %swap3A_273] {strides = array<i32>} : memref<125x80xi32, #tpu.memory_space<vmem>>, vector<1x16xi32>,
      %swap3A_275 = vector.shape_cast %swap3A_274 : vector<1x16xi32> to vector<16xi32>
      %swap3A_276 = vector.shape_cast %select_n3A_271 : vector<16xi32> to vector<1x16xi32>
      tpu.vector_store %arg11[%swap3A_272, %swap3A_273], %swap3A_276 {strides = array<i32>} : memref<125x80xi32, #tpu.memory_space<vmem>>, vector<1x16xi32>,
      %get3A_277 = arith.index_cast %scan3A_226 : i32 to index
      %get3A_278 = arith.constant 32 : index
      %get3A_279 = tpu.vector_load %arg9[%get3A_277, %get3A_278] {strides = array<i32>} : memref<125x80xi32, #tpu.memory_space<vmem>>, vector<1x16xi32>,
      %get3A_280 = vector.shape_cast %get3A_279 : vector<1x16xi32> to vector<16xi32>
      %lt3A_281 = arith.constant 5000 : i32
      %lt3A_282 = vector.broadcast %lt3A_281 : i32 to vector<16xi32>
      %lt3A_283 = arith.cmpi slt, %get3A_280, %lt3A_282 : vector<16xi32>
      %jit3A_284 = arith.constant 5000 : i32
      %broadcast_in_dim3A_285 = vector.broadcast %jit3A_284 : i32 to vector<16xi32>
      %select_n3A_286 = arith.select %lt3A_283, %get3A_280, %broadcast_in_dim3A_285 : vector<16xi1>, vector<16xi32>
      %swap3A_287 = arith.index_cast %scan3A_226 : i32 to index
      %swap3A_288 = arith.constant 32 : index
      %swap3A_289 = tpu.vector_load %arg10[%swap3A_287, %swap3A_288] {strides = array<i32>} : memref<125x80xi32, #tpu.memory_space<vmem>>, vector<1x16xi32>,
      %swap3A_290 = vector.shape_cast %swap3A_289 : vector<1x16xi32> to vector<16xi32>
      %swap3A_291 = vector.shape_cast %select_n3A_286 : vector<16xi32> to vector<1x16xi32>
      tpu.vector_store %arg10[%swap3A_287, %swap3A_288], %swap3A_291 {strides = array<i32>} : memref<125x80xi32, #tpu.memory_space<vmem>>, vector<1x16xi32>,
      %ge3A_292 = arith.constant 5000 : i32
      %ge3A_293 = vector.broadcast %ge3A_292 : i32 to vector<16xi32>
      %ge3A_294 = arith.cmpi sge, %get3A_280, %ge3A_293 : vector<16xi32>
      %sub3A_295 = arith.constant 5000 : i32
      %sub3A_296 = vector.broadcast %sub3A_295 : i32 to vector<16xi32>
      %sub3A_297 = arith.subi %get3A_280, %sub3A_296 : vector<16xi32>
      %jit3A_298 = arith.constant 5000 : i32
      %broadcast_in_dim3A_299 = vector.broadcast %jit3A_298 : i32 to vector<16xi32>
      %select_n3A_300 = arith.select %ge3A_294, %sub3A_297, %broadcast_in_dim3A_299 : vector<16xi1>, vector<16xi32>
      %swap3A_301 = arith.index_cast %scan3A_226 : i32 to index
      %swap3A_302 = arith.constant 32 : index
      %swap3A_303 = tpu.vector_load %arg11[%swap3A_301, %swap3A_302] {strides = array<i32>} : memref<125x80xi32, #tpu.memory_space<vmem>>, vector<1x16xi32>,
      %swap3A_304 = vector.shape_cast %swap3A_303 : vector<1x16xi32> to vector<16xi32>
      %swap3A_305 = vector.shape_cast %select_n3A_300 : vector<16xi32> to vector<1x16xi32>
      tpu.vector_store %arg11[%swap3A_301, %swap3A_302], %swap3A_305 {strides = array<i32>} : memref<125x80xi32, #tpu.memory_space<vmem>>, vector<1x16xi32>,
      %get3A_306 = arith.index_cast %scan3A_226 : i32 to index
      %get3A_307 = arith.constant 48 : index
      %get3A_308 = tpu.vector_load %arg9[%get3A_306, %get3A_307] {strides = array<i32>} : memref<125x80xi32, #tpu.memory_space<vmem>>, vector<1x16xi32>,
      %get3A_309 = vector.shape_cast %get3A_308 : vector<1x16xi32> to vector<16xi32>
      %lt3A_310 = arith.constant 5000 : i32
      %lt3A_311 = vector.broadcast %lt3A_310 : i32 to vector<16xi32>
      %lt3A_312 = arith.cmpi slt, %get3A_309, %lt3A_311 : vector<16xi32>
      %jit3A_313 = arith.constant 5000 : i32
      %broadcast_in_dim3A_314 = vector.broadcast %jit3A_313 : i32 to vector<16xi32>
      %select_n3A_315 = arith.select %lt3A_312, %get3A_309, %broadcast_in_dim3A_314 : vector<16xi1>, vector<16xi32>
      %swap3A_316 = arith.index_cast %scan3A_226 : i32 to index
      %swap3A_317 = arith.constant 48 : index
      %swap3A_318 = tpu.vector_load %arg10[%swap3A_316, %swap3A_317] {strides = array<i32>} : memref<125x80xi32, #tpu.memory_space<vmem>>, vector<1x16xi32>,
      %swap3A_319 = vector.shape_cast %swap3A_318 : vector<1x16xi32> to vector<16xi32>
      %swap3A_320 = vector.shape_cast %select_n3A_315 : vector<16xi32> to vector<1x16xi32>
      tpu.vector_store %arg10[%swap3A_316, %swap3A_317], %swap3A_320 {strides = array<i32>} : memref<125x80xi32, #tpu.memory_space<vmem>>, vector<1x16xi32>,
      %ge3A_321 = arith.constant 5000 : i32
      %ge3A_322 = vector.broadcast %ge3A_321 : i32 to vector<16xi32>
      %ge3A_323 = arith.cmpi sge, %get3A_309, %ge3A_322 : vector<16xi32>
      %sub3A_324 = arith.constant 5000 : i32
      %sub3A_325 = vector.broadcast %sub3A_324 : i32 to vector<16xi32>
      %sub3A_326 = arith.subi %get3A_309, %sub3A_325 : vector<16xi32>
      %jit3A_327 = arith.constant 5000 : i32
      %broadcast_in_dim3A_328 = vector.broadcast %jit3A_327 : i32 to vector<16xi32>
      %select_n3A_329 = arith.select %ge3A_323, %sub3A_326, %broadcast_in_dim3A_328 : vector<16xi1>, vector<16xi32>
      %swap3A_330 = arith.index_cast %scan3A_226 : i32 to index
      %swap3A_331 = arith.constant 48 : index
      %swap3A_332 = tpu.vector_load %arg11[%swap3A_330, %swap3A_331] {strides = array<i32>} : memref<125x80xi32, #tpu.memory_space<vmem>>, vector<1x16xi32>,
      %swap3A_333 = vector.shape_cast %swap3A_332 : vector<1x16xi32> to vector<16xi32>
      %swap3A_334 = vector.shape_cast %select_n3A_329 : vector<16xi32> to vector<1x16xi32>
      tpu.vector_store %arg11[%swap3A_330, %swap3A_331], %swap3A_334 {strides = array<i32>} : memref<125x80xi32, #tpu.memory_space<vmem>>, vector<1x16xi32>,
      %get3A_335 = arith.index_cast %scan3A_226 : i32 to index
      %get3A_336 = arith.constant 64 : index
      %get3A_337 = tpu.vector_load %arg9[%get3A_335, %get3A_336] {strides = array<i32>} : memref<125x80xi32, #tpu.memory_space<vmem>>, vector<1x16xi32>,
      %get3A_338 = vector.shape_cast %get3A_337 : vector<1x16xi32> to vector<16xi32>
      %lt3A_339 = arith.constant 5000 : i32
      %lt3A_340 = vector.broadcast %lt3A_339 : i32 to vector<16xi32>
      %lt3A_341 = arith.cmpi slt, %get3A_338, %lt3A_340 : vector<16xi32>
      %jit3A_342 = arith.constant 5000 : i32
      %broadcast_in_dim3A_343 = vector.broadcast %jit3A_342 : i32 to vector<16xi32>
      %select_n3A_344 = arith.select %lt3A_341, %get3A_338, %broadcast_in_dim3A_343 : vector<16xi1>, vector<16xi32>
      %swap3A_345 = arith.index_cast %scan3A_226 : i32 to index
      %swap3A_346 = arith.constant 64 : index
      %swap3A_347 = tpu.vector_load %arg10[%swap3A_345, %swap3A_346] {strides = array<i32>} : memref<125x80xi32, #tpu.memory_space<vmem>>, vector<1x16xi32>,
      %swap3A_348 = vector.shape_cast %swap3A_347 : vector<1x16xi32> to vector<16xi32>
      %swap3A_349 = vector.shape_cast %select_n3A_344 : vector<16xi32> to vector<1x16xi32>
      tpu.vector_store %arg10[%swap3A_345, %swap3A_346], %swap3A_349 {strides = array<i32>} : memref<125x80xi32, #tpu.memory_space<vmem>>, vector<1x16xi32>,
      %ge3A_350 = arith.constant 5000 : i32
      %ge3A_351 = vector.broadcast %ge3A_350 : i32 to vector<16xi32>
      %ge3A_352 = arith.cmpi sge, %get3A_338, %ge3A_351 : vector<16xi32>
      %sub3A_353 = arith.constant 5000 : i32
      %sub3A_354 = vector.broadcast %sub3A_353 : i32 to vector<16xi32>
      %sub3A_355 = arith.subi %get3A_338, %sub3A_354 : vector<16xi32>
      %jit3A_356 = arith.constant 5000 : i32
      %broadcast_in_dim3A_357 = vector.broadcast %jit3A_356 : i32 to vector<16xi32>
      %select_n3A_358 = arith.select %ge3A_352, %sub3A_355, %broadcast_in_dim3A_357 : vector<16xi1>, vector<16xi32>
      %swap3A_359 = arith.index_cast %scan3A_226 : i32 to index
      %swap3A_360 = arith.constant 64 : index
      %swap3A_361 = tpu.vector_load %arg11[%swap3A_359, %swap3A_360] {strides = array<i32>} : memref<125x80xi32, #tpu.memory_space<vmem>>, vector<1x16xi32>,
      %swap3A_362 = vector.shape_cast %swap3A_361 : vector<1x16xi32> to vector<16xi32>
      %swap3A_363 = vector.shape_cast %select_n3A_358 : vector<16xi32> to vector<1x16xi32>
      tpu.vector_store %arg11[%swap3A_359, %swap3A_360], %swap3A_363 {strides = array<i32>} : memref<125x80xi32, #tpu.memory_space<vmem>>, vector<1x16xi32>,
    }
    %scan3A_4 = arith.constant 125 : i32
    %dma_start3A = arith.constant 0 : i32
    %dma_start3A_5 = arith.constant 0 : i32
    %dma_start3A_6 = arith.constant 0 : i32
    %dma_start3A_7 = arith.constant 0 : i32
    %dma_start3A_8 = tpu.memref_slice %arg12[%dma_start3A_5, %dma_start3A_6, %dma_start3A_7] : memref<2x80x128xf32, #tpu.memory_space<vmem>> -> memref<1x80x128xf32, #tpu.memory_space<vmem>>
    %dma_start3A_9 = tpu.memref_squeeze %dma_start3A_8 : memref<1x80x128xf32, #tpu.memory_space<vmem>> -> memref<80x128xf32, #tpu.memory_space<vmem>>
    %dma_start3A_10 = arith.constant 0 : i32
    %dma_start3A_11 = tpu.memref_slice %arg8[%dma_start3A, %dma_start3A_10] : memref<125x80xi32, #tpu.memory_space<vmem>> -> memref<1x80xi32, #tpu.memory_space<vmem>>
    %dma_start3A_12 = tpu.memref_squeeze %dma_start3A_11 : memref<1x80xi32, #tpu.memory_space<vmem>> -> memref<80xi32, #tpu.memory_space<vmem>>
    %dma_start3A_13 = arith.constant 0 : i32
    %dma_start3A_14 = arith.constant 0 : i32
    %dma_start3A_15 = tpu.memref_slice %arg4[%dma_start3A_13, %dma_start3A_14] : memref<20000x128xf32, #tpu.memory_space<hbm>> -> memref<20000x128xf32, #tpu.memory_space<hbm>>
    tpu.enqueue_indirect_dma source(%dma_start3A_15 : memref<20000x128xf32, #tpu.memory_space<hbm>>) target(%dma_start3A_9 : memref<80x128xf32, #tpu.memory_space<vmem>>) offsets(%dma_start3A_12 : memref<80xi32, #tpu.memory_space<vmem>>) semaphore(%arg14 : memref<!tpu.dma_semaphore, #tpu.memory_space<semaphore_mem>>)
    %dma_start3A_16 = arith.constant 1 : i32
    %dma_start3A_17 = arith.constant 1 : i32
    %dma_start3A_18 = arith.constant 0 : i32
    %dma_start3A_19 = arith.constant 0 : i32
    %dma_start3A_20 = tpu.memref_slice %arg12[%dma_start3A_17, %dma_start3A_18, %dma_start3A_19] : memref<2x80x128xf32, #tpu.memory_space<vmem>> -> memref<1x80x128xf32, #tpu.memory_space<vmem>>
    %dma_start3A_21 = tpu.memref_squeeze %dma_start3A_20 : memref<1x80x128xf32, #tpu.memory_space<vmem>> -> memref<80x128xf32, #tpu.memory_space<vmem>>
    %dma_start3A_22 = arith.constant 0 : i32
    %dma_start3A_23 = tpu.memref_slice %arg8[%dma_start3A_16, %dma_start3A_22] : memref<125x80xi32, #tpu.memory_space<vmem>> -> memref<1x80xi32, #tpu.memory_space<vmem>>
    %dma_start3A_24 = tpu.memref_squeeze %dma_start3A_23 : memref<1x80xi32, #tpu.memory_space<vmem>> -> memref<80xi32, #tpu.memory_space<vmem>>
    %dma_start3A_25 = arith.constant 0 : i32
    %dma_start3A_26 = arith.constant 0 : i32
    %dma_start3A_27 = tpu.memref_slice %arg4[%dma_start3A_25, %dma_start3A_26] : memref<20000x128xf32, #tpu.memory_space<hbm>> -> memref<20000x128xf32, #tpu.memory_space<hbm>>
    tpu.enqueue_indirect_dma source(%dma_start3A_27 : memref<20000x128xf32, #tpu.memory_space<hbm>>) target(%dma_start3A_21 : memref<80x128xf32, #tpu.memory_space<vmem>>) offsets(%dma_start3A_24 : memref<80xi32, #tpu.memory_space<vmem>>) semaphore(%arg15 : memref<!tpu.dma_semaphore, #tpu.memory_space<semaphore_mem>>)
    %mul3A = arith.constant 10000 : i32
    %mul3A_28 = arith.muli %arg0, %mul3A : i32
    %add3A = arith.constant 0 : i32
    %add3A_29 = arith.addi %mul3A_28, %add3A : i32
    %mul3A_30 = arith.constant 312 : i32
    %mul3A_31 = arith.muli %arg1, %mul3A_30 : i32
    %add3A_32 = arith.addi %add3A_29, %mul3A_31 : i32
    %mul3A_33 = arith.constant 312 : i32
    %mul3A_34 = arith.muli %arg1, %mul3A_33 : i32
    "tpu.region"() ({
      %run_scoped3A = tpu.sem_alloc : memref<!tpu.dma_semaphore, #tpu.memory_space<semaphore_mem>>
      %dma_start3A_226 = arith.constant 0 : i32
      %dma_start3A_227 = tpu.memref_slice %arg13[%mul3A_34, %dma_start3A_226] : memref<5008x128xf32, #tpu.memory_space<vmem_shared>> -> memref<312x128xf32, #tpu.memory_space<vmem_shared>>
      %dma_start3A_228 = arith.constant 0 : i32
      %dma_start3A_229 = tpu.memref_slice %arg4[%add3A_32, %dma_start3A_228] : memref<20000x128xf32, #tpu.memory_space<hbm>> -> memref<312x128xf32, #tpu.memory_space<hbm>>
      tpu.enqueue_dma source(%dma_start3A_229 : memref<312x128xf32, #tpu.memory_space<hbm>>) target(%dma_start3A_227 : memref<312x128xf32, #tpu.memory_space<vmem_shared>>) target_semaphore(%run_scoped3A : memref<!tpu.dma_semaphore, #tpu.memory_space<semaphore_mem>>)
      %dma_wait3A = arith.constant 0 : i32
      %dma_wait3A_230 = tpu.memref_slice %arg13[%mul3A_34, %dma_wait3A] : memref<5008x128xf32, #tpu.memory_space<vmem_shared>> -> memref<312x128xf32, #tpu.memory_space<vmem_shared>>
      %dma_wait3A_231 = arith.constant 0 : i32
      %dma_wait3A_232 = tpu.memref_slice %arg4[%add3A_32, %dma_wait3A_231] : memref<20000x128xf32, #tpu.memory_space<hbm>> -> memref<312x128xf32, #tpu.memory_space<hbm>>
      tpu.wait_dma2 semaphore(%run_scoped3A : memref<!tpu.dma_semaphore, #tpu.memory_space<semaphore_mem>>) src(%dma_wait3A_232 : memref<312x128xf32, #tpu.memory_space<hbm>>) dst(%dma_wait3A_230 : memref<312x128xf32, #tpu.memory_space<vmem_shared>>)
      tpu.yield
    }) : () -> ()
    %eq3A = arith.constant 0 : i32
    %eq3A_35 = arith.cmpi eq, %arg1, %eq3A : i32
    %convert_element_type3A = arith.extui %eq3A_35 : i1 to i32
    %cond3A = arith.constant 0 : i32
    %cond3A_36 = arith.cmpi ne, %convert_element_type3A, %cond3A : i32
    scf.if %cond3A_36 {
      %mul3A_226 = arith.constant 10000 : i32
      %mul3A_227 = arith.muli %arg0, %mul3A_226 : i32
      %add3A_228 = arith.constant 0 : i32
      %add3A_229 = arith.addi %mul3A_227, %add3A_228 : i32
      %add3A_230 = arith.constant 4992 : i32
      %add3A_231 = arith.addi %add3A_229, %add3A_230 : i32
      "tpu.region"() ({
        %run_scoped3A = tpu.sem_alloc : memref<!tpu.dma_semaphore, #tpu.memory_space<semaphore_mem>>
        %dma_start3A_232 = arith.constant 4992 : i32
        %dma_start3A_233 = arith.constant 0 : i32
        %dma_start3A_234 = tpu.memref_slice %arg13[%dma_start3A_232, %dma_start3A_233] : memref<5008x128xf32, #tpu.memory_space<vmem_shared>> -> memref<8x128xf32, #tpu.memory_space<vmem_shared>>
        %dma_start3A_235 = arith.constant 0 : i32
        %dma_start3A_236 = tpu.memref_slice %arg4[%add3A_231, %dma_start3A_235] : memref<20000x128xf32, #tpu.memory_space<hbm>> -> memref<8x128xf32, #tpu.memory_space<hbm>>
        tpu.enqueue_dma source(%dma_start3A_236 : memref<8x128xf32, #tpu.memory_space<hbm>>) target(%dma_start3A_234 : memref<8x128xf32, #tpu.memory_space<vmem_shared>>) target_semaphore(%run_scoped3A : memref<!tpu.dma_semaphore, #tpu.memory_space<semaphore_mem>>)
        %dma_wait3A = arith.constant 4992 : i32
        %dma_wait3A_237 = arith.constant 0 : i32
        %dma_wait3A_238 = tpu.memref_slice %arg13[%dma_wait3A, %dma_wait3A_237] : memref<5008x128xf32, #tpu.memory_space<vmem_shared>> -> memref<8x128xf32, #tpu.memory_space<vmem_shared>>
        %dma_wait3A_239 = arith.constant 0 : i32
        %dma_wait3A_240 = tpu.memref_slice %arg4[%add3A_231, %dma_wait3A_239] : memref<20000x128xf32, #tpu.memory_space<hbm>> -> memref<8x128xf32, #tpu.memory_space<hbm>>
        tpu.wait_dma2 semaphore(%run_scoped3A : memref<!tpu.dma_semaphore, #tpu.memory_space<semaphore_mem>>) src(%dma_wait3A_240 : memref<8x128xf32, #tpu.memory_space<hbm>>) dst(%dma_wait3A_238 : memref<8x128xf32, #tpu.memory_space<vmem_shared>>)
        tpu.yield
      }) : () -> ()
    } else {
    }
    %barrier3A = arith.constant 0 : index
    tpu.barrier barrier_id(%barrier3A)
    %scan3A_37 = arith.constant 0 : i32
    %scan3A_38 = arith.constant 0 : i32
    %scan3A_39 = arith.constant 63 : i32
    %scan3A_40 = arith.addi %scan3A_38, %scan3A_39 : i32
    %scan3A_41 = arith.constant 1 : i32
    scf.for %scan3A_226 = %scan3A_38 to %scan3A_40 step %scan3A_41  : i32 {
      %mul3A_227 = arith.constant 2 : i32
      %mul3A_228 = arith.muli %mul3A_227, %scan3A_226 : i32
      %add3A_229 = arith.constant 0 : i32
      %add3A_230 = arith.addi %mul3A_228, %add3A_229 : i32
      %lt3A = arith.constant 125 : i32
      %lt3A_231 = arith.cmpi slt, %add3A_230, %lt3A : i32
      %convert_element_type3A_232 = arith.extui %lt3A_231 : i1 to i32
      %cond3A_233 = arith.constant 0 : i32
      %cond3A_234 = arith.cmpi ne, %convert_element_type3A_232, %cond3A_233 : i32
      scf.if %cond3A_234 {
        %dma_wait3A = arith.constant 0 : i32
        %dma_wait3A_242 = arith.constant 0 : i32
        %dma_wait3A_243 = arith.constant 0 : i32
        %dma_wait3A_244 = tpu.memref_slice %arg12[%dma_wait3A, %dma_wait3A_242, %dma_wait3A_243] : memref<2x80x128xf32, #tpu.memory_space<vmem>> -> memref<1x80x128xf32, #tpu.memory_space<vmem>>
        %dma_wait3A_245 = tpu.memref_squeeze %dma_wait3A_244 : memref<1x80x128xf32, #tpu.memory_space<vmem>> -> memref<80x128xf32, #tpu.memory_space<vmem>>
        %dma_wait3A_246 = arith.constant 0 : i32
        %dma_wait3A_247 = tpu.memref_slice %arg8[%add3A_230, %dma_wait3A_246] : memref<125x80xi32, #tpu.memory_space<vmem>> -> memref<1x80xi32, #tpu.memory_space<vmem>>
        %dma_wait3A_248 = tpu.memref_squeeze %dma_wait3A_247 : memref<1x80xi32, #tpu.memory_space<vmem>> -> memref<80xi32, #tpu.memory_space<vmem>>
        %dma_wait3A_249 = arith.constant 0 : i32
        %dma_wait3A_250 = arith.constant 0 : i32
        %dma_wait3A_251 = tpu.memref_slice %arg4[%dma_wait3A_249, %dma_wait3A_250] : memref<20000x128xf32, #tpu.memory_space<hbm>> -> memref<20000x128xf32, #tpu.memory_space<hbm>>
        tpu.wait_indirect_dma semaphore(%arg14 : memref<!tpu.dma_semaphore, #tpu.memory_space<semaphore_mem>>) src(%dma_wait3A_251 : memref<20000x128xf32, #tpu.memory_space<hbm>>) dst(%dma_wait3A_245 : memref<80x128xf32, #tpu.memory_space<vmem>>)
        %run_scoped3A = arith.constant 0 : i32
        "tpu.region"() ({
          %run_scoped3A_259 = tpu.sem_alloc : memref<!tpu.dma_semaphore, #tpu.memory_space<semaphore_mem>>
          %dma_start3A_260 = arith.constant 0 : i32
          %dma_start3A_261 = arith.constant 0 : i32
          %dma_start3A_262 = tpu.memref_slice %arg12[%run_scoped3A, %dma_start3A_260, %dma_start3A_261] : memref<2x80x128xf32, #tpu.memory_space<vmem>> -> memref<1x80x128xf32, #tpu.memory_space<vmem>>
          %dma_start3A_263 = tpu.memref_squeeze %dma_start3A_262 : memref<1x80x128xf32, #tpu.memory_space<vmem>> -> memref<80x128xf32, #tpu.memory_space<vmem>>
          %dma_start3A_264 = arith.constant 0 : i32
          %dma_start3A_265 = tpu.memref_slice %arg10[%add3A_230, %dma_start3A_264] : memref<125x80xi32, #tpu.memory_space<vmem>> -> memref<1x80xi32, #tpu.memory_space<vmem>>
          %dma_start3A_266 = tpu.memref_squeeze %dma_start3A_265 : memref<1x80xi32, #tpu.memory_space<vmem>> -> memref<80xi32, #tpu.memory_space<vmem>>
          %dma_start3A_267 = arith.constant 0 : i32
          %dma_start3A_268 = arith.constant 0 : i32
          %dma_start3A_269 = tpu.memref_slice %arg13[%dma_start3A_267, %dma_start3A_268] : memref<5008x128xf32, #tpu.memory_space<vmem_shared>> -> memref<5008x128xf32, #tpu.memory_space<vmem_shared>>
          tpu.enqueue_indirect_dma source(%dma_start3A_263 : memref<80x128xf32, #tpu.memory_space<vmem>>) target(%dma_start3A_269 : memref<5008x128xf32, #tpu.memory_space<vmem_shared>>) offsets(%dma_start3A_266 : memref<80xi32, #tpu.memory_space<vmem>>) semaphore(%run_scoped3A_259 : memref<!tpu.dma_semaphore, #tpu.memory_space<semaphore_mem>>) {add = true}
          %dma_wait3A_270 = arith.constant 0 : i32
          %dma_wait3A_271 = arith.constant 0 : i32
          %dma_wait3A_272 = tpu.memref_slice %arg12[%run_scoped3A, %dma_wait3A_270, %dma_wait3A_271] : memref<2x80x128xf32, #tpu.memory_space<vmem>> -> memref<1x80x128xf32, #tpu.memory_space<vmem>>
          %dma_wait3A_273 = tpu.memref_squeeze %dma_wait3A_272 : memref<1x80x128xf32, #tpu.memory_space<vmem>> -> memref<80x128xf32, #tpu.memory_space<vmem>>
          %dma_wait3A_274 = arith.constant 0 : i32
          %dma_wait3A_275 = tpu.memref_slice %arg10[%add3A_230, %dma_wait3A_274] : memref<125x80xi32, #tpu.memory_space<vmem>> -> memref<1x80xi32, #tpu.memory_space<vmem>>
          %dma_wait3A_276 = tpu.memref_squeeze %dma_wait3A_275 : memref<1x80xi32, #tpu.memory_space<vmem>> -> memref<80xi32, #tpu.memory_space<vmem>>
          %dma_wait3A_277 = arith.constant 0 : i32
          %dma_wait3A_278 = arith.constant 0 : i32
          %dma_wait3A_279 = tpu.memref_slice %arg13[%dma_wait3A_277, %dma_wait3A_278] : memref<5008x128xf32, #tpu.memory_space<vmem_shared>> -> memref<5008x128xf32, #tpu.memory_space<vmem_shared>>
          tpu.wait_indirect_dma semaphore(%run_scoped3A_259 : memref<!tpu.dma_semaphore, #tpu.memory_space<semaphore_mem>>) src(%dma_wait3A_273 : memref<80x128xf32, #tpu.memory_space<vmem>>) dst(%dma_wait3A_279 : memref<5008x128xf32, #tpu.memory_space<vmem_shared>>)
          tpu.yield
        }) : () -> ()
        %add3A_252 = arith.constant 2 : i32
        %add3A_253 = arith.addi %add3A_230, %add3A_252 : i32
        %lt3A_254 = arith.constant 125 : i32
        %lt3A_255 = arith.cmpi slt, %add3A_253, %lt3A_254 : i32
        %convert_element_type3A_256 = arith.extui %lt3A_255 : i1 to i32
        %cond3A_257 = arith.constant 0 : i32
        %cond3A_258 = arith.cmpi ne, %convert_element_type3A_256, %cond3A_257 : i32
        scf.if %cond3A_258 {
          %add3A_259 = arith.constant 2 : i32
          %add3A_260 = arith.addi %add3A_230, %add3A_259 : i32
          %dma_start3A_261 = arith.constant 0 : i32
          %dma_start3A_262 = arith.constant 0 : i32
          %dma_start3A_263 = arith.constant 0 : i32
          %dma_start3A_264 = tpu.memref_slice %arg12[%dma_start3A_261, %dma_start3A_262, %dma_start3A_263] : memref<2x80x128xf32, #tpu.memory_space<vmem>> -> memref<1x80x128xf32, #tpu.memory_space<vmem>>
          %dma_start3A_265 = tpu.memref_squeeze %dma_start3A_264 : memref<1x80x128xf32, #tpu.memory_space<vmem>> -> memref<80x128xf32, #tpu.memory_space<vmem>>
          %dma_start3A_266 = arith.constant 0 : i32
          %dma_start3A_267 = tpu.memref_slice %arg8[%add3A_260, %dma_start3A_266] : memref<125x80xi32, #tpu.memory_space<vmem>> -> memref<1x80xi32, #tpu.memory_space<vmem>>
          %dma_start3A_268 = tpu.memref_squeeze %dma_start3A_267 : memref<1x80xi32, #tpu.memory_space<vmem>> -> memref<80xi32, #tpu.memory_space<vmem>>
          %dma_start3A_269 = arith.constant 0 : i32
          %dma_start3A_270 = arith.constant 0 : i32
          %dma_start3A_271 = tpu.memref_slice %arg4[%dma_start3A_269, %dma_start3A_270] : memref<20000x128xf32, #tpu.memory_space<hbm>> -> memref<20000x128xf32, #tpu.memory_space<hbm>>
          tpu.enqueue_indirect_dma source(%dma_start3A_271 : memref<20000x128xf32, #tpu.memory_space<hbm>>) target(%dma_start3A_265 : memref<80x128xf32, #tpu.memory_space<vmem>>) offsets(%dma_start3A_268 : memref<80xi32, #tpu.memory_space<vmem>>) semaphore(%arg14 : memref<!tpu.dma_semaphore, #tpu.memory_space<semaphore_mem>>)
        } else {
        }
      } else {
      }
      %add3A_235 = arith.constant 1 : i32
      %add3A_236 = arith.addi %mul3A_228, %add3A_235 : i32
      %lt3A_237 = arith.constant 125 : i32
      %lt3A_238 = arith.cmpi slt, %add3A_236, %lt3A_237 : i32
      %convert_element_type3A_239 = arith.extui %lt3A_238 : i1 to i32
      %cond3A_240 = arith.constant 0 : i32
      %cond3A_241 = arith.cmpi ne, %convert_element_type3A_239, %cond3A_240 : i32
      scf.if %cond3A_241 {
        %dma_wait3A = arith.constant 1 : i32
        %dma_wait3A_242 = arith.constant 0 : i32
        %dma_wait3A_243 = arith.constant 0 : i32
        %dma_wait3A_244 = tpu.memref_slice %arg12[%dma_wait3A, %dma_wait3A_242, %dma_wait3A_243] : memref<2x80x128xf32, #tpu.memory_space<vmem>> -> memref<1x80x128xf32, #tpu.memory_space<vmem>>
        %dma_wait3A_245 = tpu.memref_squeeze %dma_wait3A_244 : memref<1x80x128xf32, #tpu.memory_space<vmem>> -> memref<80x128xf32, #tpu.memory_space<vmem>>
        %dma_wait3A_246 = arith.constant 0 : i32
        %dma_wait3A_247 = tpu.memref_slice %arg8[%add3A_236, %dma_wait3A_246] : memref<125x80xi32, #tpu.memory_space<vmem>> -> memref<1x80xi32, #tpu.memory_space<vmem>>
        %dma_wait3A_248 = tpu.memref_squeeze %dma_wait3A_247 : memref<1x80xi32, #tpu.memory_space<vmem>> -> memref<80xi32, #tpu.memory_space<vmem>>
        %dma_wait3A_249 = arith.constant 0 : i32
        %dma_wait3A_250 = arith.constant 0 : i32
        %dma_wait3A_251 = tpu.memref_slice %arg4[%dma_wait3A_249, %dma_wait3A_250] : memref<20000x128xf32, #tpu.memory_space<hbm>> -> memref<20000x128xf32, #tpu.memory_space<hbm>>
        tpu.wait_indirect_dma semaphore(%arg15 : memref<!tpu.dma_semaphore, #tpu.memory_space<semaphore_mem>>) src(%dma_wait3A_251 : memref<20000x128xf32, #tpu.memory_space<hbm>>) dst(%dma_wait3A_245 : memref<80x128xf32, #tpu.memory_space<vmem>>)
        %run_scoped3A = arith.constant 1 : i32
        "tpu.region"() ({
          %run_scoped3A_259 = tpu.sem_alloc : memref<!tpu.dma_semaphore, #tpu.memory_space<semaphore_mem>>
          %dma_start3A_260 = arith.constant 0 : i32
          %dma_start3A_261 = arith.constant 0 : i32
          %dma_start3A_262 = tpu.memref_slice %arg12[%run_scoped3A, %dma_start3A_260, %dma_start3A_261] : memref<2x80x128xf32, #tpu.memory_space<vmem>> -> memref<1x80x128xf32, #tpu.memory_space<vmem>>
          %dma_start3A_263 = tpu.memref_squeeze %dma_start3A_262 : memref<1x80x128xf32, #tpu.memory_space<vmem>> -> memref<80x128xf32, #tpu.memory_space<vmem>>
          %dma_start3A_264 = arith.constant 0 : i32
          %dma_start3A_265 = tpu.memref_slice %arg10[%add3A_236, %dma_start3A_264] : memref<125x80xi32, #tpu.memory_space<vmem>> -> memref<1x80xi32, #tpu.memory_space<vmem>>
          %dma_start3A_266 = tpu.memref_squeeze %dma_start3A_265 : memref<1x80xi32, #tpu.memory_space<vmem>> -> memref<80xi32, #tpu.memory_space<vmem>>
          %dma_start3A_267 = arith.constant 0 : i32
          %dma_start3A_268 = arith.constant 0 : i32
          %dma_start3A_269 = tpu.memref_slice %arg13[%dma_start3A_267, %dma_start3A_268] : memref<5008x128xf32, #tpu.memory_space<vmem_shared>> -> memref<5008x128xf32, #tpu.memory_space<vmem_shared>>
          tpu.enqueue_indirect_dma source(%dma_start3A_263 : memref<80x128xf32, #tpu.memory_space<vmem>>) target(%dma_start3A_269 : memref<5008x128xf32, #tpu.memory_space<vmem_shared>>) offsets(%dma_start3A_266 : memref<80xi32, #tpu.memory_space<vmem>>) semaphore(%run_scoped3A_259 : memref<!tpu.dma_semaphore, #tpu.memory_space<semaphore_mem>>) {add = true}
          %dma_wait3A_270 = arith.constant 0 : i32
          %dma_wait3A_271 = arith.constant 0 : i32
          %dma_wait3A_272 = tpu.memref_slice %arg12[%run_scoped3A, %dma_wait3A_270, %dma_wait3A_271] : memref<2x80x128xf32, #tpu.memory_space<vmem>> -> memref<1x80x128xf32, #tpu.memory_space<vmem>>
          %dma_wait3A_273 = tpu.memref_squeeze %dma_wait3A_272 : memref<1x80x128xf32, #tpu.memory_space<vmem>> -> memref<80x128xf32, #tpu.memory_space<vmem>>
          %dma_wait3A_274 = arith.constant 0 : i32
          %dma_wait3A_275 = tpu.memref_slice %arg10[%add3A_236, %dma_wait3A_274] : memref<125x80xi32, #tpu.memory_space<vmem>> -> memref<1x80xi32, #tpu.memory_space<vmem>>
          %dma_wait3A_276 = tpu.memref_squeeze %dma_wait3A_275 : memref<1x80xi32, #tpu.memory_space<vmem>> -> memref<80xi32, #tpu.memory_space<vmem>>
          %dma_wait3A_277 = arith.constant 0 : i32
          %dma_wait3A_278 = arith.constant 0 : i32
          %dma_wait3A_279 = tpu.memref_slice %arg13[%dma_wait3A_277, %dma_wait3A_278] : memref<5008x128xf32, #tpu.memory_space<vmem_shared>> -> memref<5008x128xf32, #tpu.memory_space<vmem_shared>>
          tpu.wait_indirect_dma semaphore(%run_scoped3A_259 : memref<!tpu.dma_semaphore, #tpu.memory_space<semaphore_mem>>) src(%dma_wait3A_273 : memref<80x128xf32, #tpu.memory_space<vmem>>) dst(%dma_wait3A_279 : memref<5008x128xf32, #tpu.memory_space<vmem_shared>>)
          tpu.yield
        }) : () -> ()
        %add3A_252 = arith.constant 2 : i32
        %add3A_253 = arith.addi %add3A_236, %add3A_252 : i32
        %lt3A_254 = arith.constant 125 : i32
        %lt3A_255 = arith.cmpi slt, %add3A_253, %lt3A_254 : i32
        %convert_element_type3A_256 = arith.extui %lt3A_255 : i1 to i32
        %cond3A_257 = arith.constant 0 : i32
        %cond3A_258 = arith.cmpi ne, %convert_element_type3A_256, %cond3A_257 : i32
        scf.if %cond3A_258 {
          %add3A_259 = arith.constant 2 : i32
          %add3A_260 = arith.addi %add3A_236, %add3A_259 : i32
          %dma_start3A_261 = arith.constant 1 : i32
          %dma_start3A_262 = arith.constant 0 : i32
          %dma_start3A_263 = arith.constant 0 : i32
          %dma_start3A_264 = tpu.memref_slice %arg12[%dma_start3A_261, %dma_start3A_262, %dma_start3A_263] : memref<2x80x128xf32, #tpu.memory_space<vmem>> -> memref<1x80x128xf32, #tpu.memory_space<vmem>>
          %dma_start3A_265 = tpu.memref_squeeze %dma_start3A_264 : memref<1x80x128xf32, #tpu.memory_space<vmem>> -> memref<80x128xf32, #tpu.memory_space<vmem>>
          %dma_start3A_266 = arith.constant 0 : i32
          %dma_start3A_267 = tpu.memref_slice %arg8[%add3A_260, %dma_start3A_266] : memref<125x80xi32, #tpu.memory_space<vmem>> -> memref<1x80xi32, #tpu.memory_space<vmem>>
          %dma_start3A_268 = tpu.memref_squeeze %dma_start3A_267 : memref<1x80xi32, #tpu.memory_space<vmem>> -> memref<80xi32, #tpu.memory_space<vmem>>
          %dma_start3A_269 = arith.constant 0 : i32
          %dma_start3A_270 = arith.constant 0 : i32
          %dma_start3A_271 = tpu.memref_slice %arg4[%dma_start3A_269, %dma_start3A_270] : memref<20000x128xf32, #tpu.memory_space<hbm>> -> memref<20000x128xf32, #tpu.memory_space<hbm>>
          tpu.enqueue_indirect_dma source(%dma_start3A_271 : memref<20000x128xf32, #tpu.memory_space<hbm>>) target(%dma_start3A_265 : memref<80x128xf32, #tpu.memory_space<vmem>>) offsets(%dma_start3A_268 : memref<80xi32, #tpu.memory_space<vmem>>) semaphore(%arg15 : memref<!tpu.dma_semaphore, #tpu.memory_space<semaphore_mem>>)
        } else {
        }
      } else {
      }
    }
    %scan3A_42 = arith.constant 63 : i32
    %barrier3A_43 = arith.constant 0 : index
    tpu.barrier barrier_id(%barrier3A_43)
    %mul3A_44 = arith.constant 312 : i32
    %mul3A_45 = arith.muli %arg1, %mul3A_44 : i32
    %mul3A_46 = arith.constant 312 : i32
    %mul3A_47 = arith.muli %arg1, %mul3A_46 : i32
    %add3A_48 = arith.constant 0 : i32
    %add3A_49 = arith.addi %add3A_48, %mul3A_47 : i32
    "tpu.region"() ({
      %run_scoped3A = tpu.sem_alloc : memref<!tpu.dma_semaphore, #tpu.memory_space<semaphore_mem>>
      %dma_start3A_226 = arith.constant 0 : i32
      %dma_start3A_227 = tpu.memref_slice %arg6[%arg0, %add3A_49, %dma_start3A_226] : memref<2x10000x128xf32, #tpu.memory_space<hbm>> -> memref<1x312x128xf32, #tpu.memory_space<hbm>>
      %dma_start3A_228 = tpu.memref_squeeze %dma_start3A_227 : memref<1x312x128xf32, #tpu.memory_space<hbm>> -> memref<312x128xf32, #tpu.memory_space<hbm>>
      %dma_start3A_229 = arith.constant 0 : i32
      %dma_start3A_230 = tpu.memref_slice %arg13[%mul3A_45, %dma_start3A_229] : memref<5008x128xf32, #tpu.memory_space<vmem_shared>> -> memref<312x128xf32, #tpu.memory_space<vmem_shared>>
      tpu.enqueue_dma source(%dma_start3A_230 : memref<312x128xf32, #tpu.memory_space<vmem_shared>>) target(%dma_start3A_228 : memref<312x128xf32, #tpu.memory_space<hbm>>) target_semaphore(%run_scoped3A : memref<!tpu.dma_semaphore, #tpu.memory_space<semaphore_mem>>)
      %dma_wait3A = arith.constant 0 : i32
      %dma_wait3A_231 = tpu.memref_slice %arg6[%arg0, %add3A_49, %dma_wait3A] : memref<2x10000x128xf32, #tpu.memory_space<hbm>> -> memref<1x312x128xf32, #tpu.memory_space<hbm>>
      %dma_wait3A_232 = tpu.memref_squeeze %dma_wait3A_231 : memref<1x312x128xf32, #tpu.memory_space<hbm>> -> memref<312x128xf32, #tpu.memory_space<hbm>>
      %dma_wait3A_233 = arith.constant 0 : i32
      %dma_wait3A_234 = tpu.memref_slice %arg13[%mul3A_45, %dma_wait3A_233] : memref<5008x128xf32, #tpu.memory_space<vmem_shared>> -> memref<312x128xf32, #tpu.memory_space<vmem_shared>>
      tpu.wait_dma2 semaphore(%run_scoped3A : memref<!tpu.dma_semaphore, #tpu.memory_space<semaphore_mem>>) src(%dma_wait3A_234 : memref<312x128xf32, #tpu.memory_space<vmem_shared>>) dst(%dma_wait3A_232 : memref<312x128xf32, #tpu.memory_space<hbm>>)
      tpu.yield
    }) : () -> ()
    %eq3A_50 = arith.constant 0 : i32
    %eq3A_51 = arith.cmpi eq, %arg1, %eq3A_50 : i32
    %convert_element_type3A_52 = arith.extui %eq3A_51 : i1 to i32
    %cond3A_53 = arith.constant 0 : i32
    %cond3A_54 = arith.cmpi ne, %convert_element_type3A_52, %cond3A_53 : i32
    scf.if %cond3A_54 {
      "tpu.region"() ({
        %run_scoped3A = tpu.sem_alloc : memref<!tpu.dma_semaphore, #tpu.memory_space<semaphore_mem>>
        %dma_start3A_226 = arith.constant 4992 : i32
        %dma_start3A_227 = arith.constant 0 : i32
        %dma_start3A_228 = tpu.memref_slice %arg6[%arg0, %dma_start3A_226, %dma_start3A_227] : memref<2x10000x128xf32, #tpu.memory_space<hbm>> -> memref<1x8x128xf32, #tpu.memory_space<hbm>>
        %dma_start3A_229 = tpu.memref_squeeze %dma_start3A_228 : memref<1x8x128xf32, #tpu.memory_space<hbm>> -> memref<8x128xf32, #tpu.memory_space<hbm>>
        %dma_start3A_230 = arith.constant 4992 : i32
        %dma_start3A_231 = arith.constant 0 : i32
        %dma_start3A_232 = tpu.memref_slice %arg13[%dma_start3A_230, %dma_start3A_231] : memref<5008x128xf32, #tpu.memory_space<vmem_shared>> -> memref<8x128xf32, #tpu.memory_space<vmem_shared>>
        tpu.enqueue_dma source(%dma_start3A_232 : memref<8x128xf32, #tpu.memory_space<vmem_shared>>) target(%dma_start3A_229 : memref<8x128xf32, #tpu.memory_space<hbm>>) target_semaphore(%run_scoped3A : memref<!tpu.dma_semaphore, #tpu.memory_space<semaphore_mem>>)
        %dma_wait3A = arith.constant 4992 : i32
        %dma_wait3A_233 = arith.constant 0 : i32
        %dma_wait3A_234 = tpu.memref_slice %arg6[%arg0, %dma_wait3A, %dma_wait3A_233] : memref<2x10000x128xf32, #tpu.memory_space<hbm>> -> memref<1x8x128xf32, #tpu.memory_space<hbm>>
        %dma_wait3A_235 = tpu.memref_squeeze %dma_wait3A_234 : memref<1x8x128xf32, #tpu.memory_space<hbm>> -> memref<8x128xf32, #tpu.memory_space<hbm>>
        %dma_wait3A_236 = arith.constant 4992 : i32
        %dma_wait3A_237 = arith.constant 0 : i32
        %dma_wait3A_238 = tpu.memref_slice %arg13[%dma_wait3A_236, %dma_wait3A_237] : memref<5008x128xf32, #tpu.memory_space<vmem_shared>> -> memref<8x128xf32, #tpu.memory_space<vmem_shared>>
        tpu.wait_dma2 semaphore(%run_scoped3A : memref<!tpu.dma_semaphore, #tpu.memory_space<semaphore_mem>>) src(%dma_wait3A_238 : memref<8x128xf32, #tpu.memory_space<vmem_shared>>) dst(%dma_wait3A_235 : memref<8x128xf32, #tpu.memory_space<hbm>>)
        tpu.yield
      }) : () -> ()
    } else {
    }
    %dma_start3A_55 = arith.constant 0 : i32
    %dma_start3A_56 = arith.constant 0 : i32
    %dma_start3A_57 = arith.constant 0 : i32
    %dma_start3A_58 = arith.constant 0 : i32
    %dma_start3A_59 = tpu.memref_slice %arg12[%dma_start3A_56, %dma_start3A_57, %dma_start3A_58] : memref<2x80x128xf32, #tpu.memory_space<vmem>> -> memref<1x80x128xf32, #tpu.memory_space<vmem>>
    %dma_start3A_60 = tpu.memref_squeeze %dma_start3A_59 : memref<1x80x128xf32, #tpu.memory_space<vmem>> -> memref<80x128xf32, #tpu.memory_space<vmem>>
    %dma_start3A_61 = arith.constant 0 : i32
    %dma_start3A_62 = tpu.memref_slice %arg8[%dma_start3A_55, %dma_start3A_61] : memref<125x80xi32, #tpu.memory_space<vmem>> -> memref<1x80xi32, #tpu.memory_space<vmem>>
    %dma_start3A_63 = tpu.memref_squeeze %dma_start3A_62 : memref<1x80xi32, #tpu.memory_space<vmem>> -> memref<80xi32, #tpu.memory_space<vmem>>
    %dma_start3A_64 = arith.constant 0 : i32
    %dma_start3A_65 = arith.constant 0 : i32
    %dma_start3A_66 = tpu.memref_slice %arg4[%dma_start3A_64, %dma_start3A_65] : memref<20000x128xf32, #tpu.memory_space<hbm>> -> memref<20000x128xf32, #tpu.memory_space<hbm>>
    tpu.enqueue_indirect_dma source(%dma_start3A_66 : memref<20000x128xf32, #tpu.memory_space<hbm>>) target(%dma_start3A_60 : memref<80x128xf32, #tpu.memory_space<vmem>>) offsets(%dma_start3A_63 : memref<80xi32, #tpu.memory_space<vmem>>) semaphore(%arg14 : memref<!tpu.dma_semaphore, #tpu.memory_space<semaphore_mem>>)
    %dma_start3A_67 = arith.constant 1 : i32
    %dma_start3A_68 = arith.constant 1 : i32
    %dma_start3A_69 = arith.constant 0 : i32
    %dma_start3A_70 = arith.constant 0 : i32
    %dma_start3A_71 = tpu.memref_slice %arg12[%dma_start3A_68, %dma_start3A_69, %dma_start3A_70] : memref<2x80x128xf32, #tpu.memory_space<vmem>> -> memref<1x80x128xf32, #tpu.memory_space<vmem>>
    %dma_start3A_72 = tpu.memref_squeeze %dma_start3A_71 : memref<1x80x128xf32, #tpu.memory_space<vmem>> -> memref<80x128xf32, #tpu.memory_space<vmem>>
    %dma_start3A_73 = arith.constant 0 : i32
    %dma_start3A_74 = tpu.memref_slice %arg8[%dma_start3A_67, %dma_start3A_73] : memref<125x80xi32, #tpu.memory_space<vmem>> -> memref<1x80xi32, #tpu.memory_space<vmem>>
    %dma_start3A_75 = tpu.memref_squeeze %dma_start3A_74 : memref<1x80xi32, #tpu.memory_space<vmem>> -> memref<80xi32, #tpu.memory_space<vmem>>
    %dma_start3A_76 = arith.constant 0 : i32
    %dma_start3A_77 = arith.constant 0 : i32
    %dma_start3A_78 = tpu.memref_slice %arg4[%dma_start3A_76, %dma_start3A_77] : memref<20000x128xf32, #tpu.memory_space<hbm>> -> memref<20000x128xf32, #tpu.memory_space<hbm>>
    tpu.enqueue_indirect_dma source(%dma_start3A_78 : memref<20000x128xf32, #tpu.memory_space<hbm>>) target(%dma_start3A_72 : memref<80x128xf32, #tpu.memory_space<vmem>>) offsets(%dma_start3A_75 : memref<80xi32, #tpu.memory_space<vmem>>) semaphore(%arg15 : memref<!tpu.dma_semaphore, #tpu.memory_space<semaphore_mem>>)
    %mul3A_79 = arith.constant 10000 : i32
    %mul3A_80 = arith.muli %arg0, %mul3A_79 : i32
    %add3A_81 = arith.constant 5000 : i32
    %add3A_82 = arith.addi %mul3A_80, %add3A_81 : i32
    %mul3A_83 = arith.constant 312 : i32
    %mul3A_84 = arith.muli %arg1, %mul3A_83 : i32
    %add3A_85 = arith.addi %add3A_82, %mul3A_84 : i32
    %mul3A_86 = arith.constant 312 : i32
    %mul3A_87 = arith.muli %arg1, %mul3A_86 : i32
    "tpu.region"() ({
      %run_scoped3A = tpu.sem_alloc : memref<!tpu.dma_semaphore, #tpu.memory_space<semaphore_mem>>
      %dma_start3A_226 = arith.constant 0 : i32
      %dma_start3A_227 = tpu.memref_slice %arg13[%mul3A_87, %dma_start3A_226] : memref<5008x128xf32, #tpu.memory_space<vmem_shared>> -> memref<312x128xf32, #tpu.memory_space<vmem_shared>>
      %dma_start3A_228 = arith.constant 0 : i32
      %dma_start3A_229 = tpu.memref_slice %arg4[%add3A_85, %dma_start3A_228] : memref<20000x128xf32, #tpu.memory_space<hbm>> -> memref<312x128xf32, #tpu.memory_space<hbm>>
      tpu.enqueue_dma source(%dma_start3A_229 : memref<312x128xf32, #tpu.memory_space<hbm>>) target(%dma_start3A_227 : memref<312x128xf32, #tpu.memory_space<vmem_shared>>) target_semaphore(%run_scoped3A : memref<!tpu.dma_semaphore, #tpu.memory_space<semaphore_mem>>)
      %dma_wait3A = arith.constant 0 : i32
      %dma_wait3A_230 = tpu.memref_slice %arg13[%mul3A_87, %dma_wait3A] : memref<5008x128xf32, #tpu.memory_space<vmem_shared>> -> memref<312x128xf32, #tpu.memory_space<vmem_shared>>
      %dma_wait3A_231 = arith.constant 0 : i32
      %dma_wait3A_232 = tpu.memref_slice %arg4[%add3A_85, %dma_wait3A_231] : memref<20000x128xf32, #tpu.memory_space<hbm>> -> memref<312x128xf32, #tpu.memory_space<hbm>>
      tpu.wait_dma2 semaphore(%run_scoped3A : memref<!tpu.dma_semaphore, #tpu.memory_space<semaphore_mem>>) src(%dma_wait3A_232 : memref<312x128xf32, #tpu.memory_space<hbm>>) dst(%dma_wait3A_230 : memref<312x128xf32, #tpu.memory_space<vmem_shared>>)
      tpu.yield
    }) : () -> ()
    %eq3A_88 = arith.constant 0 : i32
    %eq3A_89 = arith.cmpi eq, %arg1, %eq3A_88 : i32
    %convert_element_type3A_90 = arith.extui %eq3A_89 : i1 to i32
    %cond3A_91 = arith.constant 0 : i32
    %cond3A_92 = arith.cmpi ne, %convert_element_type3A_90, %cond3A_91 : i32
    scf.if %cond3A_92 {
      %mul3A_226 = arith.constant 10000 : i32
      %mul3A_227 = arith.muli %arg0, %mul3A_226 : i32
      %add3A_228 = arith.constant 5000 : i32
      %add3A_229 = arith.addi %mul3A_227, %add3A_228 : i32
      %add3A_230 = arith.constant 4992 : i32
      %add3A_231 = arith.addi %add3A_229, %add3A_230 : i32
      "tpu.region"() ({
        %run_scoped3A = tpu.sem_alloc : memref<!tpu.dma_semaphore, #tpu.memory_space<semaphore_mem>>
        %dma_start3A_232 = arith.constant 4992 : i32
        %dma_start3A_233 = arith.constant 0 : i32
        %dma_start3A_234 = tpu.memref_slice %arg13[%dma_start3A_232, %dma_start3A_233] : memref<5008x128xf32, #tpu.memory_space<vmem_shared>> -> memref<8x128xf32, #tpu.memory_space<vmem_shared>>
        %dma_start3A_235 = arith.constant 0 : i32
        %dma_start3A_236 = tpu.memref_slice %arg4[%add3A_231, %dma_start3A_235] : memref<20000x128xf32, #tpu.memory_space<hbm>> -> memref<8x128xf32, #tpu.memory_space<hbm>>
        tpu.enqueue_dma source(%dma_start3A_236 : memref<8x128xf32, #tpu.memory_space<hbm>>) target(%dma_start3A_234 : memref<8x128xf32, #tpu.memory_space<vmem_shared>>) target_semaphore(%run_scoped3A : memref<!tpu.dma_semaphore, #tpu.memory_space<semaphore_mem>>)
        %dma_wait3A = arith.constant 4992 : i32
        %dma_wait3A_237 = arith.constant 0 : i32
        %dma_wait3A_238 = tpu.memref_slice %arg13[%dma_wait3A, %dma_wait3A_237] : memref<5008x128xf32, #tpu.memory_space<vmem_shared>> -> memref<8x128xf32, #tpu.memory_space<vmem_shared>>
        %dma_wait3A_239 = arith.constant 0 : i32
        %dma_wait3A_240 = tpu.memref_slice %arg4[%add3A_231, %dma_wait3A_239] : memref<20000x128xf32, #tpu.memory_space<hbm>> -> memref<8x128xf32, #tpu.memory_space<hbm>>
        tpu.wait_dma2 semaphore(%run_scoped3A : memref<!tpu.dma_semaphore, #tpu.memory_space<semaphore_mem>>) src(%dma_wait3A_240 : memref<8x128xf32, #tpu.memory_space<hbm>>) dst(%dma_wait3A_238 : memref<8x128xf32, #tpu.memory_space<vmem_shared>>)
        tpu.yield
      }) : () -> ()
    } else {
    }
    %barrier3A_93 = arith.constant 0 : index
    tpu.barrier barrier_id(%barrier3A_93)
    %scan3A_94 = arith.constant 0 : i32
    %scan3A_95 = arith.constant 0 : i32
    %scan3A_96 = arith.constant 63 : i32
    %scan3A_97 = arith.addi %scan3A_95, %scan3A_96 : i32
    %scan3A_98 = arith.constant 1 : i32
    scf.for %scan3A_226 = %scan3A_95 to %scan3A_97 step %scan3A_98  : i32 {
      %mul3A_227 = arith.constant 2 : i32
      %mul3A_228 = arith.muli %mul3A_227, %scan3A_226 : i32
      %add3A_229 = arith.constant 0 : i32
      %add3A_230 = arith.addi %mul3A_228, %add3A_229 : i32
      %lt3A = arith.constant 125 : i32
      %lt3A_231 = arith.cmpi slt, %add3A_230, %lt3A : i32
      %convert_element_type3A_232 = arith.extui %lt3A_231 : i1 to i32
      %cond3A_233 = arith.constant 0 : i32
      %cond3A_234 = arith.cmpi ne, %convert_element_type3A_232, %cond3A_233 : i32
      scf.if %cond3A_234 {
        %dma_wait3A = arith.constant 0 : i32
        %dma_wait3A_242 = arith.constant 0 : i32
        %dma_wait3A_243 = arith.constant 0 : i32
        %dma_wait3A_244 = tpu.memref_slice %arg12[%dma_wait3A, %dma_wait3A_242, %dma_wait3A_243] : memref<2x80x128xf32, #tpu.memory_space<vmem>> -> memref<1x80x128xf32, #tpu.memory_space<vmem>>
        %dma_wait3A_245 = tpu.memref_squeeze %dma_wait3A_244 : memref<1x80x128xf32, #tpu.memory_space<vmem>> -> memref<80x128xf32, #tpu.memory_space<vmem>>
        %dma_wait3A_246 = arith.constant 0 : i32
        %dma_wait3A_247 = tpu.memref_slice %arg8[%add3A_230, %dma_wait3A_246] : memref<125x80xi32, #tpu.memory_space<vmem>> -> memref<1x80xi32, #tpu.memory_space<vmem>>
        %dma_wait3A_248 = tpu.memref_squeeze %dma_wait3A_247 : memref<1x80xi32, #tpu.memory_space<vmem>> -> memref<80xi32, #tpu.memory_space<vmem>>
        %dma_wait3A_249 = arith.constant 0 : i32
        %dma_wait3A_250 = arith.constant 0 : i32
        %dma_wait3A_251 = tpu.memref_slice %arg4[%dma_wait3A_249, %dma_wait3A_250] : memref<20000x128xf32, #tpu.memory_space<hbm>> -> memref<20000x128xf32, #tpu.memory_space<hbm>>
        tpu.wait_indirect_dma semaphore(%arg14 : memref<!tpu.dma_semaphore, #tpu.memory_space<semaphore_mem>>) src(%dma_wait3A_251 : memref<20000x128xf32, #tpu.memory_space<hbm>>) dst(%dma_wait3A_245 : memref<80x128xf32, #tpu.memory_space<vmem>>)
        %run_scoped3A = arith.constant 0 : i32
        "tpu.region"() ({
          %run_scoped3A_259 = tpu.sem_alloc : memref<!tpu.dma_semaphore, #tpu.memory_space<semaphore_mem>>
          %dma_start3A_260 = arith.constant 0 : i32
          %dma_start3A_261 = arith.constant 0 : i32
          %dma_start3A_262 = tpu.memref_slice %arg12[%run_scoped3A, %dma_start3A_260, %dma_start3A_261] : memref<2x80x128xf32, #tpu.memory_space<vmem>> -> memref<1x80x128xf32, #tpu.memory_space<vmem>>
          %dma_start3A_263 = tpu.memref_squeeze %dma_start3A_262 : memref<1x80x128xf32, #tpu.memory_space<vmem>> -> memref<80x128xf32, #tpu.memory_space<vmem>>
          %dma_start3A_264 = arith.constant 0 : i32
          %dma_start3A_265 = tpu.memref_slice %arg11[%add3A_230, %dma_start3A_264] : memref<125x80xi32, #tpu.memory_space<vmem>> -> memref<1x80xi32, #tpu.memory_space<vmem>>
          %dma_start3A_266 = tpu.memref_squeeze %dma_start3A_265 : memref<1x80xi32, #tpu.memory_space<vmem>> -> memref<80xi32, #tpu.memory_space<vmem>>
          %dma_start3A_267 = arith.constant 0 : i32
          %dma_start3A_268 = arith.constant 0 : i32
          %dma_start3A_269 = tpu.memref_slice %arg13[%dma_start3A_267, %dma_start3A_268] : memref<5008x128xf32, #tpu.memory_space<vmem_shared>> -> memref<5008x128xf32, #tpu.memory_space<vmem_shared>>
          tpu.enqueue_indirect_dma source(%dma_start3A_263 : memref<80x128xf32, #tpu.memory_space<vmem>>) target(%dma_start3A_269 : memref<5008x128xf32, #tpu.memory_space<vmem_shared>>) offsets(%dma_start3A_266 : memref<80xi32, #tpu.memory_space<vmem>>) semaphore(%run_scoped3A_259 : memref<!tpu.dma_semaphore, #tpu.memory_space<semaphore_mem>>) {add = true}
          %dma_wait3A_270 = arith.constant 0 : i32
          %dma_wait3A_271 = arith.constant 0 : i32
          %dma_wait3A_272 = tpu.memref_slice %arg12[%run_scoped3A, %dma_wait3A_270, %dma_wait3A_271] : memref<2x80x128xf32, #tpu.memory_space<vmem>> -> memref<1x80x128xf32, #tpu.memory_space<vmem>>
          %dma_wait3A_273 = tpu.memref_squeeze %dma_wait3A_272 : memref<1x80x128xf32, #tpu.memory_space<vmem>> -> memref<80x128xf32, #tpu.memory_space<vmem>>
          %dma_wait3A_274 = arith.constant 0 : i32
          %dma_wait3A_275 = tpu.memref_slice %arg11[%add3A_230, %dma_wait3A_274] : memref<125x80xi32, #tpu.memory_space<vmem>> -> memref<1x80xi32, #tpu.memory_space<vmem>>
          %dma_wait3A_276 = tpu.memref_squeeze %dma_wait3A_275 : memref<1x80xi32, #tpu.memory_space<vmem>> -> memref<80xi32, #tpu.memory_space<vmem>>
          %dma_wait3A_277 = arith.constant 0 : i32
          %dma_wait3A_278 = arith.constant 0 : i32
          %dma_wait3A_279 = tpu.memref_slice %arg13[%dma_wait3A_277, %dma_wait3A_278] : memref<5008x128xf32, #tpu.memory_space<vmem_shared>> -> memref<5008x128xf32, #tpu.memory_space<vmem_shared>>
          tpu.wait_indirect_dma semaphore(%run_scoped3A_259 : memref<!tpu.dma_semaphore, #tpu.memory_space<semaphore_mem>>) src(%dma_wait3A_273 : memref<80x128xf32, #tpu.memory_space<vmem>>) dst(%dma_wait3A_279 : memref<5008x128xf32, #tpu.memory_space<vmem_shared>>)
          tpu.yield
        }) : () -> ()
        %add3A_252 = arith.constant 2 : i32
        %add3A_253 = arith.addi %add3A_230, %add3A_252 : i32
        %lt3A_254 = arith.constant 125 : i32
        %lt3A_255 = arith.cmpi slt, %add3A_253, %lt3A_254 : i32
        %convert_element_type3A_256 = arith.extui %lt3A_255 : i1 to i32
        %cond3A_257 = arith.constant 0 : i32
        %cond3A_258 = arith.cmpi ne, %convert_element_type3A_256, %cond3A_257 : i32
        scf.if %cond3A_258 {
          %add3A_259 = arith.constant 2 : i32
          %add3A_260 = arith.addi %add3A_230, %add3A_259 : i32
          %dma_start3A_261 = arith.constant 0 : i32
          %dma_start3A_262 = arith.constant 0 : i32
          %dma_start3A_263 = arith.constant 0 : i32
          %dma_start3A_264 = tpu.memref_slice %arg12[%dma_start3A_261, %dma_start3A_262, %dma_start3A_263] : memref<2x80x128xf32, #tpu.memory_space<vmem>> -> memref<1x80x128xf32, #tpu.memory_space<vmem>>
          %dma_start3A_265 = tpu.memref_squeeze %dma_start3A_264 : memref<1x80x128xf32, #tpu.memory_space<vmem>> -> memref<80x128xf32, #tpu.memory_space<vmem>>
          %dma_start3A_266 = arith.constant 0 : i32
          %dma_start3A_267 = tpu.memref_slice %arg8[%add3A_260, %dma_start3A_266] : memref<125x80xi32, #tpu.memory_space<vmem>> -> memref<1x80xi32, #tpu.memory_space<vmem>>
          %dma_start3A_268 = tpu.memref_squeeze %dma_start3A_267 : memref<1x80xi32, #tpu.memory_space<vmem>> -> memref<80xi32, #tpu.memory_space<vmem>>
          %dma_start3A_269 = arith.constant 0 : i32
          %dma_start3A_270 = arith.constant 0 : i32
          %dma_start3A_271 = tpu.memref_slice %arg4[%dma_start3A_269, %dma_start3A_270] : memref<20000x128xf32, #tpu.memory_space<hbm>> -> memref<20000x128xf32, #tpu.memory_space<hbm>>
          tpu.enqueue_indirect_dma source(%dma_start3A_271 : memref<20000x128xf32, #tpu.memory_space<hbm>>) target(%dma_start3A_265 : memref<80x128xf32, #tpu.memory_space<vmem>>) offsets(%dma_start3A_268 : memref<80xi32, #tpu.memory_space<vmem>>) semaphore(%arg14 : memref<!tpu.dma_semaphore, #tpu.memory_space<semaphore_mem>>)
        } else {
        }
      } else {
      }
      %add3A_235 = arith.constant 1 : i32
      %add3A_236 = arith.addi %mul3A_228, %add3A_235 : i32
      %lt3A_237 = arith.constant 125 : i32
      %lt3A_238 = arith.cmpi slt, %add3A_236, %lt3A_237 : i32
      %convert_element_type3A_239 = arith.extui %lt3A_238 : i1 to i32
      %cond3A_240 = arith.constant 0 : i32
      %cond3A_241 = arith.cmpi ne, %convert_element_type3A_239, %cond3A_240 : i32
      scf.if %cond3A_241 {
        %dma_wait3A = arith.constant 1 : i32
        %dma_wait3A_242 = arith.constant 0 : i32
        %dma_wait3A_243 = arith.constant 0 : i32
        %dma_wait3A_244 = tpu.memref_slice %arg12[%dma_wait3A, %dma_wait3A_242, %dma_wait3A_243] : memref<2x80x128xf32, #tpu.memory_space<vmem>> -> memref<1x80x128xf32, #tpu.memory_space<vmem>>
        %dma_wait3A_245 = tpu.memref_squeeze %dma_wait3A_244 : memref<1x80x128xf32, #tpu.memory_space<vmem>> -> memref<80x128xf32, #tpu.memory_space<vmem>>
        %dma_wait3A_246 = arith.constant 0 : i32
        %dma_wait3A_247 = tpu.memref_slice %arg8[%add3A_236, %dma_wait3A_246] : memref<125x80xi32, #tpu.memory_space<vmem>> -> memref<1x80xi32, #tpu.memory_space<vmem>>
        %dma_wait3A_248 = tpu.memref_squeeze %dma_wait3A_247 : memref<1x80xi32, #tpu.memory_space<vmem>> -> memref<80xi32, #tpu.memory_space<vmem>>
        %dma_wait3A_249 = arith.constant 0 : i32
        %dma_wait3A_250 = arith.constant 0 : i32
        %dma_wait3A_251 = tpu.memref_slice %arg4[%dma_wait3A_249, %dma_wait3A_250] : memref<20000x128xf32, #tpu.memory_space<hbm>> -> memref<20000x128xf32, #tpu.memory_space<hbm>>
        tpu.wait_indirect_dma semaphore(%arg15 : memref<!tpu.dma_semaphore, #tpu.memory_space<semaphore_mem>>) src(%dma_wait3A_251 : memref<20000x128xf32, #tpu.memory_space<hbm>>) dst(%dma_wait3A_245 : memref<80x128xf32, #tpu.memory_space<vmem>>)
        %run_scoped3A = arith.constant 1 : i32
        "tpu.region"() ({
          %run_scoped3A_259 = tpu.sem_alloc : memref<!tpu.dma_semaphore, #tpu.memory_space<semaphore_mem>>
          %dma_start3A_260 = arith.constant 0 : i32
          %dma_start3A_261 = arith.constant 0 : i32
          %dma_start3A_262 = tpu.memref_slice %arg12[%run_scoped3A, %dma_start3A_260, %dma_start3A_261] : memref<2x80x128xf32, #tpu.memory_space<vmem>> -> memref<1x80x128xf32, #tpu.memory_space<vmem>>
          %dma_start3A_263 = tpu.memref_squeeze %dma_start3A_262 : memref<1x80x128xf32, #tpu.memory_space<vmem>> -> memref<80x128xf32, #tpu.memory_space<vmem>>
          %dma_start3A_264 = arith.constant 0 : i32
          %dma_start3A_265 = tpu.memref_slice %arg11[%add3A_236, %dma_start3A_264] : memref<125x80xi32, #tpu.memory_space<vmem>> -> memref<1x80xi32, #tpu.memory_space<vmem>>
          %dma_start3A_266 = tpu.memref_squeeze %dma_start3A_265 : memref<1x80xi32, #tpu.memory_space<vmem>> -> memref<80xi32, #tpu.memory_space<vmem>>
          %dma_start3A_267 = arith.constant 0 : i32
          %dma_start3A_268 = arith.constant 0 : i32
          %dma_start3A_269 = tpu.memref_slice %arg13[%dma_start3A_267, %dma_start3A_268] : memref<5008x128xf32, #tpu.memory_space<vmem_shared>> -> memref<5008x128xf32, #tpu.memory_space<vmem_shared>>
          tpu.enqueue_indirect_dma source(%dma_start3A_263 : memref<80x128xf32, #tpu.memory_space<vmem>>) target(%dma_start3A_269 : memref<5008x128xf32, #tpu.memory_space<vmem_shared>>) offsets(%dma_start3A_266 : memref<80xi32, #tpu.memory_space<vmem>>) semaphore(%run_scoped3A_259 : memref<!tpu.dma_semaphore, #tpu.memory_space<semaphore_mem>>) {add = true}
          %dma_wait3A_270 = arith.constant 0 : i32
          %dma_wait3A_271 = arith.constant 0 : i32
          %dma_wait3A_272 = tpu.memref_slice %arg12[%run_scoped3A, %dma_wait3A_270, %dma_wait3A_271] : memref<2x80x128xf32, #tpu.memory_space<vmem>> -> memref<1x80x128xf32, #tpu.memory_space<vmem>>
          %dma_wait3A_273 = tpu.memref_squeeze %dma_wait3A_272 : memref<1x80x128xf32, #tpu.memory_space<vmem>> -> memref<80x128xf32, #tpu.memory_space<vmem>>
          %dma_wait3A_274 = arith.constant 0 : i32
          %dma_wait3A_275 = tpu.memref_slice %arg11[%add3A_236, %dma_wait3A_274] : memref<125x80xi32, #tpu.memory_space<vmem>> -> memref<1x80xi32, #tpu.memory_space<vmem>>
          %dma_wait3A_276 = tpu.memref_squeeze %dma_wait3A_275 : memref<1x80xi32, #tpu.memory_space<vmem>> -> memref<80xi32, #tpu.memory_space<vmem>>
          %dma_wait3A_277 = arith.constant 0 : i32
          %dma_wait3A_278 = arith.constant 0 : i32
          %dma_wait3A_279 = tpu.memref_slice %arg13[%dma_wait3A_277, %dma_wait3A_278] : memref<5008x128xf32, #tpu.memory_space<vmem_shared>> -> memref<5008x128xf32, #tpu.memory_space<vmem_shared>>
          tpu.wait_indirect_dma semaphore(%run_scoped3A_259 : memref<!tpu.dma_semaphore, #tpu.memory_space<semaphore_mem>>) src(%dma_wait3A_273 : memref<80x128xf32, #tpu.memory_space<vmem>>) dst(%dma_wait3A_279 : memref<5008x128xf32, #tpu.memory_space<vmem_shared>>)
          tpu.yield
        }) : () -> ()
        %add3A_252 = arith.constant 2 : i32
        %add3A_253 = arith.addi %add3A_236, %add3A_252 : i32
        %lt3A_254 = arith.constant 125 : i32
        %lt3A_255 = arith.cmpi slt, %add3A_253, %lt3A_254 : i32
        %convert_element_type3A_256 = arith.extui %lt3A_255 : i1 to i32
        %cond3A_257 = arith.constant 0 : i32
        %cond3A_258 = arith.cmpi ne, %convert_element_type3A_256, %cond3A_257 : i32
        scf.if %cond3A_258 {
          %add3A_259 = arith.constant 2 : i32
          %add3A_260 = arith.addi %add3A_236, %add3A_259 : i32
          %dma_start3A_261 = arith.constant 1 : i32
          %dma_start3A_262 = arith.constant 0 : i32
          %dma_start3A_263 = arith.constant 0 : i32
          %dma_start3A_264 = tpu.memref_slice %arg12[%dma_start3A_261, %dma_start3A_262, %dma_start3A_263] : memref<2x80x128xf32, #tpu.memory_space<vmem>> -> memref<1x80x128xf32, #tpu.memory_space<vmem>>
          %dma_start3A_265 = tpu.memref_squeeze %dma_start3A_264 : memref<1x80x128xf32, #tpu.memory_space<vmem>> -> memref<80x128xf32, #tpu.memory_space<vmem>>
          %dma_start3A_266 = arith.constant 0 : i32
          %dma_start3A_267 = tpu.memref_slice %arg8[%add3A_260, %dma_start3A_266] : memref<125x80xi32, #tpu.memory_space<vmem>> -> memref<1x80xi32, #tpu.memory_space<vmem>>
          %dma_start3A_268 = tpu.memref_squeeze %dma_start3A_267 : memref<1x80xi32, #tpu.memory_space<vmem>> -> memref<80xi32, #tpu.memory_space<vmem>>
          %dma_start3A_269 = arith.constant 0 : i32
          %dma_start3A_270 = arith.constant 0 : i32
          %dma_start3A_271 = tpu.memref_slice %arg4[%dma_start3A_269, %dma_start3A_270] : memref<20000x128xf32, #tpu.memory_space<hbm>> -> memref<20000x128xf32, #tpu.memory_space<hbm>>
          tpu.enqueue_indirect_dma source(%dma_start3A_271 : memref<20000x128xf32, #tpu.memory_space<hbm>>) target(%dma_start3A_265 : memref<80x128xf32, #tpu.memory_space<vmem>>) offsets(%dma_start3A_268 : memref<80xi32, #tpu.memory_space<vmem>>) semaphore(%arg15 : memref<!tpu.dma_semaphore, #tpu.memory_space<semaphore_mem>>)
        } else {
        }
      } else {
      }
    }
    %scan3A_99 = arith.constant 63 : i32
    %barrier3A_100 = arith.constant 0 : index
    tpu.barrier barrier_id(%barrier3A_100)
    %mul3A_101 = arith.constant 312 : i32
    %mul3A_102 = arith.muli %arg1, %mul3A_101 : i32
    %mul3A_103 = arith.constant 312 : i32
    %mul3A_104 = arith.muli %arg1, %mul3A_103 : i32
    %add3A_105 = arith.constant 5000 : i32
    %add3A_106 = arith.addi %add3A_105, %mul3A_104 : i32
    "tpu.region"() ({
      %run_scoped3A = tpu.sem_alloc : memref<!tpu.dma_semaphore, #tpu.memory_space<semaphore_mem>>
      %dma_start3A_226 = arith.constant 0 : i32
      %dma_start3A_227 = tpu.memref_slice %arg6[%arg0, %add3A_106, %dma_start3A_226] : memref<2x10000x128xf32, #tpu.memory_space<hbm>> -> memref<1x312x128xf32, #tpu.memory_space<hbm>>
      %dma_start3A_228 = tpu.memref_squeeze %dma_start3A_227 : memref<1x312x128xf32, #tpu.memory_space<hbm>> -> memref<312x128xf32, #tpu.memory_space<hbm>>
      %dma_start3A_229 = arith.constant 0 : i32
      %dma_start3A_230 = tpu.memref_slice %arg13[%mul3A_102, %dma_start3A_229] : memref<5008x128xf32, #tpu.memory_space<vmem_shared>> -> memref<312x128xf32, #tpu.memory_space<vmem_shared>>
      tpu.enqueue_dma source(%dma_start3A_230 : memref<312x128xf32, #tpu.memory_space<vmem_shared>>) target(%dma_start3A_228 : memref<312x128xf32, #tpu.memory_space<hbm>>) target_semaphore(%run_scoped3A : memref<!tpu.dma_semaphore, #tpu.memory_space<semaphore_mem>>)
      %dma_wait3A = arith.constant 0 : i32
      %dma_wait3A_231 = tpu.memref_slice %arg6[%arg0, %add3A_106, %dma_wait3A] : memref<2x10000x128xf32, #tpu.memory_space<hbm>> -> memref<1x312x128xf32, #tpu.memory_space<hbm>>
      %dma_wait3A_232 = tpu.memref_squeeze %dma_wait3A_231 : memref<1x312x128xf32, #tpu.memory_space<hbm>> -> memref<312x128xf32, #tpu.memory_space<hbm>>
      %dma_wait3A_233 = arith.constant 0 : i32
      %dma_wait3A_234 = tpu.memref_slice %arg13[%mul3A_102, %dma_wait3A_233] : memref<5008x128xf32, #tpu.memory_space<vmem_shared>> -> memref<312x128xf32, #tpu.memory_space<vmem_shared>>
      tpu.wait_dma2 semaphore(%run_scoped3A : memref<!tpu.dma_semaphore, #tpu.memory_space<semaphore_mem>>) src(%dma_wait3A_234 : memref<312x128xf32, #tpu.memory_space<vmem_shared>>) dst(%dma_wait3A_232 : memref<312x128xf32, #tpu.memory_space<hbm>>)
      tpu.yield
    }) : () -> ()
    %eq3A_107 = arith.constant 0 : i32
    %eq3A_108 = arith.cmpi eq, %arg1, %eq3A_107 : i32
    %convert_element_type3A_109 = arith.extui %eq3A_108 : i1 to i32
    %cond3A_110 = arith.constant 0 : i32
    %cond3A_111 = arith.cmpi ne, %convert_element_type3A_109, %cond3A_110 : i32
    scf.if %cond3A_111 {
      "tpu.region"() ({
        %run_scoped3A = tpu.sem_alloc : memref<!tpu.dma_semaphore, #tpu.memory_space<semaphore_mem>>
        %dma_start3A_226 = arith.constant 9992 : i32
        %dma_start3A_227 = arith.constant 0 : i32
        %dma_start3A_228 = tpu.memref_slice %arg6[%arg0, %dma_start3A_226, %dma_start3A_227] : memref<2x10000x128xf32, #tpu.memory_space<hbm>> -> memref<1x8x128xf32, #tpu.memory_space<hbm>>
        %dma_start3A_229 = tpu.memref_squeeze %dma_start3A_228 : memref<1x8x128xf32, #tpu.memory_space<hbm>> -> memref<8x128xf32, #tpu.memory_space<hbm>>
        %dma_start3A_230 = arith.constant 4992 : i32
        %dma_start3A_231 = arith.constant 0 : i32
        %dma_start3A_232 = tpu.memref_slice %arg13[%dma_start3A_230, %dma_start3A_231] : memref<5008x128xf32, #tpu.memory_space<vmem_shared>> -> memref<8x128xf32, #tpu.memory_space<vmem_shared>>
        tpu.enqueue_dma source(%dma_start3A_232 : memref<8x128xf32, #tpu.memory_space<vmem_shared>>) target(%dma_start3A_229 : memref<8x128xf32, #tpu.memory_space<hbm>>) target_semaphore(%run_scoped3A : memref<!tpu.dma_semaphore, #tpu.memory_space<semaphore_mem>>)
        %dma_wait3A = arith.constant 9992 : i32
        %dma_wait3A_233 = arith.constant 0 : i32
        %dma_wait3A_234 = tpu.memref_slice %arg6[%arg0, %dma_wait3A, %dma_wait3A_233] : memref<2x10000x128xf32, #tpu.memory_space<hbm>> -> memref<1x8x128xf32, #tpu.memory_space<hbm>>
        %dma_wait3A_235 = tpu.memref_squeeze %dma_wait3A_234 : memref<1x8x128xf32, #tpu.memory_space<hbm>> -> memref<8x128xf32, #tpu.memory_space<hbm>>
        %dma_wait3A_236 = arith.constant 4992 : i32
        %dma_wait3A_237 = arith.constant 0 : i32
        %dma_wait3A_238 = tpu.memref_slice %arg13[%dma_wait3A_236, %dma_wait3A_237] : memref<5008x128xf32, #tpu.memory_space<vmem_shared>> -> memref<8x128xf32, #tpu.memory_space<vmem_shared>>
        tpu.wait_dma2 semaphore(%run_scoped3A : memref<!tpu.dma_semaphore, #tpu.memory_space<semaphore_mem>>) src(%dma_wait3A_238 : memref<8x128xf32, #tpu.memory_space<vmem_shared>>) dst(%dma_wait3A_235 : memref<8x128xf32, #tpu.memory_space<hbm>>)
        tpu.yield
      }) : () -> ()
    } else {
    }
    %dma_start3A_112 = arith.constant 0 : i32
    %dma_start3A_113 = arith.constant 0 : i32
    %dma_start3A_114 = arith.constant 0 : i32
    %dma_start3A_115 = arith.constant 0 : i32
    %dma_start3A_116 = tpu.memref_slice %arg12[%dma_start3A_113, %dma_start3A_114, %dma_start3A_115] : memref<2x80x128xf32, #tpu.memory_space<vmem>> -> memref<1x80x128xf32, #tpu.memory_space<vmem>>
    %dma_start3A_117 = tpu.memref_squeeze %dma_start3A_116 : memref<1x80x128xf32, #tpu.memory_space<vmem>> -> memref<80x128xf32, #tpu.memory_space<vmem>>
    %dma_start3A_118 = arith.constant 0 : i32
    %dma_start3A_119 = tpu.memref_slice %arg8[%dma_start3A_112, %dma_start3A_118] : memref<125x80xi32, #tpu.memory_space<vmem>> -> memref<1x80xi32, #tpu.memory_space<vmem>>
    %dma_start3A_120 = tpu.memref_squeeze %dma_start3A_119 : memref<1x80xi32, #tpu.memory_space<vmem>> -> memref<80xi32, #tpu.memory_space<vmem>>
    %dma_start3A_121 = arith.constant 0 : i32
    %dma_start3A_122 = arith.constant 0 : i32
    %dma_start3A_123 = tpu.memref_slice %arg5[%dma_start3A_121, %dma_start3A_122] : memref<20000x128xf32, #tpu.memory_space<hbm>> -> memref<20000x128xf32, #tpu.memory_space<hbm>>
    tpu.enqueue_indirect_dma source(%dma_start3A_123 : memref<20000x128xf32, #tpu.memory_space<hbm>>) target(%dma_start3A_117 : memref<80x128xf32, #tpu.memory_space<vmem>>) offsets(%dma_start3A_120 : memref<80xi32, #tpu.memory_space<vmem>>) semaphore(%arg14 : memref<!tpu.dma_semaphore, #tpu.memory_space<semaphore_mem>>)
    %dma_start3A_124 = arith.constant 1 : i32
    %dma_start3A_125 = arith.constant 1 : i32
    %dma_start3A_126 = arith.constant 0 : i32
    %dma_start3A_127 = arith.constant 0 : i32
    %dma_start3A_128 = tpu.memref_slice %arg12[%dma_start3A_125, %dma_start3A_126, %dma_start3A_127] : memref<2x80x128xf32, #tpu.memory_space<vmem>> -> memref<1x80x128xf32, #tpu.memory_space<vmem>>
    %dma_start3A_129 = tpu.memref_squeeze %dma_start3A_128 : memref<1x80x128xf32, #tpu.memory_space<vmem>> -> memref<80x128xf32, #tpu.memory_space<vmem>>
    %dma_start3A_130 = arith.constant 0 : i32
    %dma_start3A_131 = tpu.memref_slice %arg8[%dma_start3A_124, %dma_start3A_130] : memref<125x80xi32, #tpu.memory_space<vmem>> -> memref<1x80xi32, #tpu.memory_space<vmem>>
    %dma_start3A_132 = tpu.memref_squeeze %dma_start3A_131 : memref<1x80xi32, #tpu.memory_space<vmem>> -> memref<80xi32, #tpu.memory_space<vmem>>
    %dma_start3A_133 = arith.constant 0 : i32
    %dma_start3A_134 = arith.constant 0 : i32
    %dma_start3A_135 = tpu.memref_slice %arg5[%dma_start3A_133, %dma_start3A_134] : memref<20000x128xf32, #tpu.memory_space<hbm>> -> memref<20000x128xf32, #tpu.memory_space<hbm>>
    tpu.enqueue_indirect_dma source(%dma_start3A_135 : memref<20000x128xf32, #tpu.memory_space<hbm>>) target(%dma_start3A_129 : memref<80x128xf32, #tpu.memory_space<vmem>>) offsets(%dma_start3A_132 : memref<80xi32, #tpu.memory_space<vmem>>) semaphore(%arg15 : memref<!tpu.dma_semaphore, #tpu.memory_space<semaphore_mem>>)
    %mul3A_136 = arith.constant 10000 : i32
    %mul3A_137 = arith.muli %arg0, %mul3A_136 : i32
    %add3A_138 = arith.constant 0 : i32
    %add3A_139 = arith.addi %mul3A_137, %add3A_138 : i32
    %mul3A_140 = arith.constant 312 : i32
    %mul3A_141 = arith.muli %arg1, %mul3A_140 : i32
    %add3A_142 = arith.addi %add3A_139, %mul3A_141 : i32
    %mul3A_143 = arith.constant 312 : i32
    %mul3A_144 = arith.muli %arg1, %mul3A_143 : i32
    "tpu.region"() ({
      %run_scoped3A = tpu.sem_alloc : memref<!tpu.dma_semaphore, #tpu.memory_space<semaphore_mem>>
      %dma_start3A_226 = arith.constant 0 : i32
      %dma_start3A_227 = tpu.memref_slice %arg13[%mul3A_144, %dma_start3A_226] : memref<5008x128xf32, #tpu.memory_space<vmem_shared>> -> memref<312x128xf32, #tpu.memory_space<vmem_shared>>
      %dma_start3A_228 = arith.constant 0 : i32
      %dma_start3A_229 = tpu.memref_slice %arg5[%add3A_142, %dma_start3A_228] : memref<20000x128xf32, #tpu.memory_space<hbm>> -> memref<312x128xf32, #tpu.memory_space<hbm>>
      tpu.enqueue_dma source(%dma_start3A_229 : memref<312x128xf32, #tpu.memory_space<hbm>>) target(%dma_start3A_227 : memref<312x128xf32, #tpu.memory_space<vmem_shared>>) target_semaphore(%run_scoped3A : memref<!tpu.dma_semaphore, #tpu.memory_space<semaphore_mem>>)
      %dma_wait3A = arith.constant 0 : i32
      %dma_wait3A_230 = tpu.memref_slice %arg13[%mul3A_144, %dma_wait3A] : memref<5008x128xf32, #tpu.memory_space<vmem_shared>> -> memref<312x128xf32, #tpu.memory_space<vmem_shared>>
      %dma_wait3A_231 = arith.constant 0 : i32
      %dma_wait3A_232 = tpu.memref_slice %arg5[%add3A_142, %dma_wait3A_231] : memref<20000x128xf32, #tpu.memory_space<hbm>> -> memref<312x128xf32, #tpu.memory_space<hbm>>
      tpu.wait_dma2 semaphore(%run_scoped3A : memref<!tpu.dma_semaphore, #tpu.memory_space<semaphore_mem>>) src(%dma_wait3A_232 : memref<312x128xf32, #tpu.memory_space<hbm>>) dst(%dma_wait3A_230 : memref<312x128xf32, #tpu.memory_space<vmem_shared>>)
      tpu.yield
    }) : () -> ()
    %eq3A_145 = arith.constant 0 : i32
    %eq3A_146 = arith.cmpi eq, %arg1, %eq3A_145 : i32
    %convert_element_type3A_147 = arith.extui %eq3A_146 : i1 to i32
    %cond3A_148 = arith.constant 0 : i32
    %cond3A_149 = arith.cmpi ne, %convert_element_type3A_147, %cond3A_148 : i32
    scf.if %cond3A_149 {
      %mul3A_226 = arith.constant 10000 : i32
      %mul3A_227 = arith.muli %arg0, %mul3A_226 : i32
      %add3A_228 = arith.constant 0 : i32
      %add3A_229 = arith.addi %mul3A_227, %add3A_228 : i32
      %add3A_230 = arith.constant 4992 : i32
      %add3A_231 = arith.addi %add3A_229, %add3A_230 : i32
      "tpu.region"() ({
        %run_scoped3A = tpu.sem_alloc : memref<!tpu.dma_semaphore, #tpu.memory_space<semaphore_mem>>
        %dma_start3A_232 = arith.constant 4992 : i32
        %dma_start3A_233 = arith.constant 0 : i32
        %dma_start3A_234 = tpu.memref_slice %arg13[%dma_start3A_232, %dma_start3A_233] : memref<5008x128xf32, #tpu.memory_space<vmem_shared>> -> memref<8x128xf32, #tpu.memory_space<vmem_shared>>
        %dma_start3A_235 = arith.constant 0 : i32
        %dma_start3A_236 = tpu.memref_slice %arg5[%add3A_231, %dma_start3A_235] : memref<20000x128xf32, #tpu.memory_space<hbm>> -> memref<8x128xf32, #tpu.memory_space<hbm>>
        tpu.enqueue_dma source(%dma_start3A_236 : memref<8x128xf32, #tpu.memory_space<hbm>>) target(%dma_start3A_234 : memref<8x128xf32, #tpu.memory_space<vmem_shared>>) target_semaphore(%run_scoped3A : memref<!tpu.dma_semaphore, #tpu.memory_space<semaphore_mem>>)
        %dma_wait3A = arith.constant 4992 : i32
        %dma_wait3A_237 = arith.constant 0 : i32
        %dma_wait3A_238 = tpu.memref_slice %arg13[%dma_wait3A, %dma_wait3A_237] : memref<5008x128xf32, #tpu.memory_space<vmem_shared>> -> memref<8x128xf32, #tpu.memory_space<vmem_shared>>
        %dma_wait3A_239 = arith.constant 0 : i32
        %dma_wait3A_240 = tpu.memref_slice %arg5[%add3A_231, %dma_wait3A_239] : memref<20000x128xf32, #tpu.memory_space<hbm>> -> memref<8x128xf32, #tpu.memory_space<hbm>>
        tpu.wait_dma2 semaphore(%run_scoped3A : memref<!tpu.dma_semaphore, #tpu.memory_space<semaphore_mem>>) src(%dma_wait3A_240 : memref<8x128xf32, #tpu.memory_space<hbm>>) dst(%dma_wait3A_238 : memref<8x128xf32, #tpu.memory_space<vmem_shared>>)
        tpu.yield
      }) : () -> ()
    } else {
    }
    %barrier3A_150 = arith.constant 0 : index
    tpu.barrier barrier_id(%barrier3A_150)
    %scan3A_151 = arith.constant 0 : i32
    %scan3A_152 = arith.constant 0 : i32
    %scan3A_153 = arith.constant 63 : i32
    %scan3A_154 = arith.addi %scan3A_152, %scan3A_153 : i32
    %scan3A_155 = arith.constant 1 : i32
    scf.for %scan3A_226 = %scan3A_152 to %scan3A_154 step %scan3A_155  : i32 {
      %mul3A_227 = arith.constant 2 : i32
      %mul3A_228 = arith.muli %mul3A_227, %scan3A_226 : i32
      %add3A_229 = arith.constant 0 : i32
      %add3A_230 = arith.addi %mul3A_228, %add3A_229 : i32
      %lt3A = arith.constant 125 : i32
      %lt3A_231 = arith.cmpi slt, %add3A_230, %lt3A : i32
      %convert_element_type3A_232 = arith.extui %lt3A_231 : i1 to i32
      %cond3A_233 = arith.constant 0 : i32
      %cond3A_234 = arith.cmpi ne, %convert_element_type3A_232, %cond3A_233 : i32
      scf.if %cond3A_234 {
        %dma_wait3A = arith.constant 0 : i32
        %dma_wait3A_242 = arith.constant 0 : i32
        %dma_wait3A_243 = arith.constant 0 : i32
        %dma_wait3A_244 = tpu.memref_slice %arg12[%dma_wait3A, %dma_wait3A_242, %dma_wait3A_243] : memref<2x80x128xf32, #tpu.memory_space<vmem>> -> memref<1x80x128xf32, #tpu.memory_space<vmem>>
        %dma_wait3A_245 = tpu.memref_squeeze %dma_wait3A_244 : memref<1x80x128xf32, #tpu.memory_space<vmem>> -> memref<80x128xf32, #tpu.memory_space<vmem>>
        %dma_wait3A_246 = arith.constant 0 : i32
        %dma_wait3A_247 = tpu.memref_slice %arg8[%add3A_230, %dma_wait3A_246] : memref<125x80xi32, #tpu.memory_space<vmem>> -> memref<1x80xi32, #tpu.memory_space<vmem>>
        %dma_wait3A_248 = tpu.memref_squeeze %dma_wait3A_247 : memref<1x80xi32, #tpu.memory_space<vmem>> -> memref<80xi32, #tpu.memory_space<vmem>>
        %dma_wait3A_249 = arith.constant 0 : i32
        %dma_wait3A_250 = arith.constant 0 : i32
        %dma_wait3A_251 = tpu.memref_slice %arg5[%dma_wait3A_249, %dma_wait3A_250] : memref<20000x128xf32, #tpu.memory_space<hbm>> -> memref<20000x128xf32, #tpu.memory_space<hbm>>
        tpu.wait_indirect_dma semaphore(%arg14 : memref<!tpu.dma_semaphore, #tpu.memory_space<semaphore_mem>>) src(%dma_wait3A_251 : memref<20000x128xf32, #tpu.memory_space<hbm>>) dst(%dma_wait3A_245 : memref<80x128xf32, #tpu.memory_space<vmem>>)
        %run_scoped3A = arith.constant 0 : i32
        "tpu.region"() ({
          %run_scoped3A_259 = tpu.sem_alloc : memref<!tpu.dma_semaphore, #tpu.memory_space<semaphore_mem>>
          %dma_start3A_260 = arith.constant 0 : i32
          %dma_start3A_261 = arith.constant 0 : i32
          %dma_start3A_262 = tpu.memref_slice %arg12[%run_scoped3A, %dma_start3A_260, %dma_start3A_261] : memref<2x80x128xf32, #tpu.memory_space<vmem>> -> memref<1x80x128xf32, #tpu.memory_space<vmem>>
          %dma_start3A_263 = tpu.memref_squeeze %dma_start3A_262 : memref<1x80x128xf32, #tpu.memory_space<vmem>> -> memref<80x128xf32, #tpu.memory_space<vmem>>
          %dma_start3A_264 = arith.constant 0 : i32
          %dma_start3A_265 = tpu.memref_slice %arg10[%add3A_230, %dma_start3A_264] : memref<125x80xi32, #tpu.memory_space<vmem>> -> memref<1x80xi32, #tpu.memory_space<vmem>>
          %dma_start3A_266 = tpu.memref_squeeze %dma_start3A_265 : memref<1x80xi32, #tpu.memory_space<vmem>> -> memref<80xi32, #tpu.memory_space<vmem>>
          %dma_start3A_267 = arith.constant 0 : i32
          %dma_start3A_268 = arith.constant 0 : i32
          %dma_start3A_269 = tpu.memref_slice %arg13[%dma_start3A_267, %dma_start3A_268] : memref<5008x128xf32, #tpu.memory_space<vmem_shared>> -> memref<5008x128xf32, #tpu.memory_space<vmem_shared>>
          tpu.enqueue_indirect_dma source(%dma_start3A_263 : memref<80x128xf32, #tpu.memory_space<vmem>>) target(%dma_start3A_269 : memref<5008x128xf32, #tpu.memory_space<vmem_shared>>) offsets(%dma_start3A_266 : memref<80xi32, #tpu.memory_space<vmem>>) semaphore(%run_scoped3A_259 : memref<!tpu.dma_semaphore, #tpu.memory_space<semaphore_mem>>) {add = true}
          %dma_wait3A_270 = arith.constant 0 : i32
          %dma_wait3A_271 = arith.constant 0 : i32
          %dma_wait3A_272 = tpu.memref_slice %arg12[%run_scoped3A, %dma_wait3A_270, %dma_wait3A_271] : memref<2x80x128xf32, #tpu.memory_space<vmem>> -> memref<1x80x128xf32, #tpu.memory_space<vmem>>
          %dma_wait3A_273 = tpu.memref_squeeze %dma_wait3A_272 : memref<1x80x128xf32, #tpu.memory_space<vmem>> -> memref<80x128xf32, #tpu.memory_space<vmem>>
          %dma_wait3A_274 = arith.constant 0 : i32
          %dma_wait3A_275 = tpu.memref_slice %arg10[%add3A_230, %dma_wait3A_274] : memref<125x80xi32, #tpu.memory_space<vmem>> -> memref<1x80xi32, #tpu.memory_space<vmem>>
          %dma_wait3A_276 = tpu.memref_squeeze %dma_wait3A_275 : memref<1x80xi32, #tpu.memory_space<vmem>> -> memref<80xi32, #tpu.memory_space<vmem>>
          %dma_wait3A_277 = arith.constant 0 : i32
          %dma_wait3A_278 = arith.constant 0 : i32
          %dma_wait3A_279 = tpu.memref_slice %arg13[%dma_wait3A_277, %dma_wait3A_278] : memref<5008x128xf32, #tpu.memory_space<vmem_shared>> -> memref<5008x128xf32, #tpu.memory_space<vmem_shared>>
          tpu.wait_indirect_dma semaphore(%run_scoped3A_259 : memref<!tpu.dma_semaphore, #tpu.memory_space<semaphore_mem>>) src(%dma_wait3A_273 : memref<80x128xf32, #tpu.memory_space<vmem>>) dst(%dma_wait3A_279 : memref<5008x128xf32, #tpu.memory_space<vmem_shared>>)
          tpu.yield
        }) : () -> ()
        %add3A_252 = arith.constant 2 : i32
        %add3A_253 = arith.addi %add3A_230, %add3A_252 : i32
        %lt3A_254 = arith.constant 125 : i32
        %lt3A_255 = arith.cmpi slt, %add3A_253, %lt3A_254 : i32
        %convert_element_type3A_256 = arith.extui %lt3A_255 : i1 to i32
        %cond3A_257 = arith.constant 0 : i32
        %cond3A_258 = arith.cmpi ne, %convert_element_type3A_256, %cond3A_257 : i32
        scf.if %cond3A_258 {
          %add3A_259 = arith.constant 2 : i32
          %add3A_260 = arith.addi %add3A_230, %add3A_259 : i32
          %dma_start3A_261 = arith.constant 0 : i32
          %dma_start3A_262 = arith.constant 0 : i32
          %dma_start3A_263 = arith.constant 0 : i32
          %dma_start3A_264 = tpu.memref_slice %arg12[%dma_start3A_261, %dma_start3A_262, %dma_start3A_263] : memref<2x80x128xf32, #tpu.memory_space<vmem>> -> memref<1x80x128xf32, #tpu.memory_space<vmem>>
          %dma_start3A_265 = tpu.memref_squeeze %dma_start3A_264 : memref<1x80x128xf32, #tpu.memory_space<vmem>> -> memref<80x128xf32, #tpu.memory_space<vmem>>
          %dma_start3A_266 = arith.constant 0 : i32
          %dma_start3A_267 = tpu.memref_slice %arg8[%add3A_260, %dma_start3A_266] : memref<125x80xi32, #tpu.memory_space<vmem>> -> memref<1x80xi32, #tpu.memory_space<vmem>>
          %dma_start3A_268 = tpu.memref_squeeze %dma_start3A_267 : memref<1x80xi32, #tpu.memory_space<vmem>> -> memref<80xi32, #tpu.memory_space<vmem>>
          %dma_start3A_269 = arith.constant 0 : i32
          %dma_start3A_270 = arith.constant 0 : i32
          %dma_start3A_271 = tpu.memref_slice %arg5[%dma_start3A_269, %dma_start3A_270] : memref<20000x128xf32, #tpu.memory_space<hbm>> -> memref<20000x128xf32, #tpu.memory_space<hbm>>
          tpu.enqueue_indirect_dma source(%dma_start3A_271 : memref<20000x128xf32, #tpu.memory_space<hbm>>) target(%dma_start3A_265 : memref<80x128xf32, #tpu.memory_space<vmem>>) offsets(%dma_start3A_268 : memref<80xi32, #tpu.memory_space<vmem>>) semaphore(%arg14 : memref<!tpu.dma_semaphore, #tpu.memory_space<semaphore_mem>>)
        } else {
        }
      } else {
      }
      %add3A_235 = arith.constant 1 : i32
      %add3A_236 = arith.addi %mul3A_228, %add3A_235 : i32
      %lt3A_237 = arith.constant 125 : i32
      %lt3A_238 = arith.cmpi slt, %add3A_236, %lt3A_237 : i32
      %convert_element_type3A_239 = arith.extui %lt3A_238 : i1 to i32
      %cond3A_240 = arith.constant 0 : i32
      %cond3A_241 = arith.cmpi ne, %convert_element_type3A_239, %cond3A_240 : i32
      scf.if %cond3A_241 {
        %dma_wait3A = arith.constant 1 : i32
        %dma_wait3A_242 = arith.constant 0 : i32
        %dma_wait3A_243 = arith.constant 0 : i32
        %dma_wait3A_244 = tpu.memref_slice %arg12[%dma_wait3A, %dma_wait3A_242, %dma_wait3A_243] : memref<2x80x128xf32, #tpu.memory_space<vmem>> -> memref<1x80x128xf32, #tpu.memory_space<vmem>>
        %dma_wait3A_245 = tpu.memref_squeeze %dma_wait3A_244 : memref<1x80x128xf32, #tpu.memory_space<vmem>> -> memref<80x128xf32, #tpu.memory_space<vmem>>
        %dma_wait3A_246 = arith.constant 0 : i32
        %dma_wait3A_247 = tpu.memref_slice %arg8[%add3A_236, %dma_wait3A_246] : memref<125x80xi32, #tpu.memory_space<vmem>> -> memref<1x80xi32, #tpu.memory_space<vmem>>
        %dma_wait3A_248 = tpu.memref_squeeze %dma_wait3A_247 : memref<1x80xi32, #tpu.memory_space<vmem>> -> memref<80xi32, #tpu.memory_space<vmem>>
        %dma_wait3A_249 = arith.constant 0 : i32
        %dma_wait3A_250 = arith.constant 0 : i32
        %dma_wait3A_251 = tpu.memref_slice %arg5[%dma_wait3A_249, %dma_wait3A_250] : memref<20000x128xf32, #tpu.memory_space<hbm>> -> memref<20000x128xf32, #tpu.memory_space<hbm>>
        tpu.wait_indirect_dma semaphore(%arg15 : memref<!tpu.dma_semaphore, #tpu.memory_space<semaphore_mem>>) src(%dma_wait3A_251 : memref<20000x128xf32, #tpu.memory_space<hbm>>) dst(%dma_wait3A_245 : memref<80x128xf32, #tpu.memory_space<vmem>>)
        %run_scoped3A = arith.constant 1 : i32
        "tpu.region"() ({
          %run_scoped3A_259 = tpu.sem_alloc : memref<!tpu.dma_semaphore, #tpu.memory_space<semaphore_mem>>
          %dma_start3A_260 = arith.constant 0 : i32
          %dma_start3A_261 = arith.constant 0 : i32
          %dma_start3A_262 = tpu.memref_slice %arg12[%run_scoped3A, %dma_start3A_260, %dma_start3A_261] : memref<2x80x128xf32, #tpu.memory_space<vmem>> -> memref<1x80x128xf32, #tpu.memory_space<vmem>>
          %dma_start3A_263 = tpu.memref_squeeze %dma_start3A_262 : memref<1x80x128xf32, #tpu.memory_space<vmem>> -> memref<80x128xf32, #tpu.memory_space<vmem>>
          %dma_start3A_264 = arith.constant 0 : i32
          %dma_start3A_265 = tpu.memref_slice %arg10[%add3A_236, %dma_start3A_264] : memref<125x80xi32, #tpu.memory_space<vmem>> -> memref<1x80xi32, #tpu.memory_space<vmem>>
          %dma_start3A_266 = tpu.memref_squeeze %dma_start3A_265 : memref<1x80xi32, #tpu.memory_space<vmem>> -> memref<80xi32, #tpu.memory_space<vmem>>
          %dma_start3A_267 = arith.constant 0 : i32
          %dma_start3A_268 = arith.constant 0 : i32
          %dma_start3A_269 = tpu.memref_slice %arg13[%dma_start3A_267, %dma_start3A_268] : memref<5008x128xf32, #tpu.memory_space<vmem_shared>> -> memref<5008x128xf32, #tpu.memory_space<vmem_shared>>
          tpu.enqueue_indirect_dma source(%dma_start3A_263 : memref<80x128xf32, #tpu.memory_space<vmem>>) target(%dma_start3A_269 : memref<5008x128xf32, #tpu.memory_space<vmem_shared>>) offsets(%dma_start3A_266 : memref<80xi32, #tpu.memory_space<vmem>>) semaphore(%run_scoped3A_259 : memref<!tpu.dma_semaphore, #tpu.memory_space<semaphore_mem>>) {add = true}
          %dma_wait3A_270 = arith.constant 0 : i32
          %dma_wait3A_271 = arith.constant 0 : i32
          %dma_wait3A_272 = tpu.memref_slice %arg12[%run_scoped3A, %dma_wait3A_270, %dma_wait3A_271] : memref<2x80x128xf32, #tpu.memory_space<vmem>> -> memref<1x80x128xf32, #tpu.memory_space<vmem>>
          %dma_wait3A_273 = tpu.memref_squeeze %dma_wait3A_272 : memref<1x80x128xf32, #tpu.memory_space<vmem>> -> memref<80x128xf32, #tpu.memory_space<vmem>>
          %dma_wait3A_274 = arith.constant 0 : i32
          %dma_wait3A_275 = tpu.memref_slice %arg10[%add3A_236, %dma_wait3A_274] : memref<125x80xi32, #tpu.memory_space<vmem>> -> memref<1x80xi32, #tpu.memory_space<vmem>>
          %dma_wait3A_276 = tpu.memref_squeeze %dma_wait3A_275 : memref<1x80xi32, #tpu.memory_space<vmem>> -> memref<80xi32, #tpu.memory_space<vmem>>
          %dma_wait3A_277 = arith.constant 0 : i32
          %dma_wait3A_278 = arith.constant 0 : i32
          %dma_wait3A_279 = tpu.memref_slice %arg13[%dma_wait3A_277, %dma_wait3A_278] : memref<5008x128xf32, #tpu.memory_space<vmem_shared>> -> memref<5008x128xf32, #tpu.memory_space<vmem_shared>>
          tpu.wait_indirect_dma semaphore(%run_scoped3A_259 : memref<!tpu.dma_semaphore, #tpu.memory_space<semaphore_mem>>) src(%dma_wait3A_273 : memref<80x128xf32, #tpu.memory_space<vmem>>) dst(%dma_wait3A_279 : memref<5008x128xf32, #tpu.memory_space<vmem_shared>>)
          tpu.yield
        }) : () -> ()
        %add3A_252 = arith.constant 2 : i32
        %add3A_253 = arith.addi %add3A_236, %add3A_252 : i32
        %lt3A_254 = arith.constant 125 : i32
        %lt3A_255 = arith.cmpi slt, %add3A_253, %lt3A_254 : i32
        %convert_element_type3A_256 = arith.extui %lt3A_255 : i1 to i32
        %cond3A_257 = arith.constant 0 : i32
        %cond3A_258 = arith.cmpi ne, %convert_element_type3A_256, %cond3A_257 : i32
        scf.if %cond3A_258 {
          %add3A_259 = arith.constant 2 : i32
          %add3A_260 = arith.addi %add3A_236, %add3A_259 : i32
          %dma_start3A_261 = arith.constant 1 : i32
          %dma_start3A_262 = arith.constant 0 : i32
          %dma_start3A_263 = arith.constant 0 : i32
          %dma_start3A_264 = tpu.memref_slice %arg12[%dma_start3A_261, %dma_start3A_262, %dma_start3A_263] : memref<2x80x128xf32, #tpu.memory_space<vmem>> -> memref<1x80x128xf32, #tpu.memory_space<vmem>>
          %dma_start3A_265 = tpu.memref_squeeze %dma_start3A_264 : memref<1x80x128xf32, #tpu.memory_space<vmem>> -> memref<80x128xf32, #tpu.memory_space<vmem>>
          %dma_start3A_266 = arith.constant 0 : i32
          %dma_start3A_267 = tpu.memref_slice %arg8[%add3A_260, %dma_start3A_266] : memref<125x80xi32, #tpu.memory_space<vmem>> -> memref<1x80xi32, #tpu.memory_space<vmem>>
          %dma_start3A_268 = tpu.memref_squeeze %dma_start3A_267 : memref<1x80xi32, #tpu.memory_space<vmem>> -> memref<80xi32, #tpu.memory_space<vmem>>
          %dma_start3A_269 = arith.constant 0 : i32
          %dma_start3A_270 = arith.constant 0 : i32
          %dma_start3A_271 = tpu.memref_slice %arg5[%dma_start3A_269, %dma_start3A_270] : memref<20000x128xf32, #tpu.memory_space<hbm>> -> memref<20000x128xf32, #tpu.memory_space<hbm>>
          tpu.enqueue_indirect_dma source(%dma_start3A_271 : memref<20000x128xf32, #tpu.memory_space<hbm>>) target(%dma_start3A_265 : memref<80x128xf32, #tpu.memory_space<vmem>>) offsets(%dma_start3A_268 : memref<80xi32, #tpu.memory_space<vmem>>) semaphore(%arg15 : memref<!tpu.dma_semaphore, #tpu.memory_space<semaphore_mem>>)
        } else {
        }
      } else {
      }
    }
    %scan3A_156 = arith.constant 63 : i32
    %barrier3A_157 = arith.constant 0 : index
    tpu.barrier barrier_id(%barrier3A_157)
    %mul3A_158 = arith.constant 312 : i32
    %mul3A_159 = arith.muli %arg1, %mul3A_158 : i32
    %mul3A_160 = arith.constant 312 : i32
    %mul3A_161 = arith.muli %arg1, %mul3A_160 : i32
    %add3A_162 = arith.constant 0 : i32
    %add3A_163 = arith.addi %add3A_162, %mul3A_161 : i32
    "tpu.region"() ({
      %run_scoped3A = tpu.sem_alloc : memref<!tpu.dma_semaphore, #tpu.memory_space<semaphore_mem>>
      %dma_start3A_226 = arith.constant 0 : i32
      %dma_start3A_227 = tpu.memref_slice %arg7[%arg0, %add3A_163, %dma_start3A_226] : memref<2x10000x128xf32, #tpu.memory_space<hbm>> -> memref<1x312x128xf32, #tpu.memory_space<hbm>>
      %dma_start3A_228 = tpu.memref_squeeze %dma_start3A_227 : memref<1x312x128xf32, #tpu.memory_space<hbm>> -> memref<312x128xf32, #tpu.memory_space<hbm>>
      %dma_start3A_229 = arith.constant 0 : i32
      %dma_start3A_230 = tpu.memref_slice %arg13[%mul3A_159, %dma_start3A_229] : memref<5008x128xf32, #tpu.memory_space<vmem_shared>> -> memref<312x128xf32, #tpu.memory_space<vmem_shared>>
      tpu.enqueue_dma source(%dma_start3A_230 : memref<312x128xf32, #tpu.memory_space<vmem_shared>>) target(%dma_start3A_228 : memref<312x128xf32, #tpu.memory_space<hbm>>) target_semaphore(%run_scoped3A : memref<!tpu.dma_semaphore, #tpu.memory_space<semaphore_mem>>)
      %dma_wait3A = arith.constant 0 : i32
      %dma_wait3A_231 = tpu.memref_slice %arg7[%arg0, %add3A_163, %dma_wait3A] : memref<2x10000x128xf32, #tpu.memory_space<hbm>> -> memref<1x312x128xf32, #tpu.memory_space<hbm>>
      %dma_wait3A_232 = tpu.memref_squeeze %dma_wait3A_231 : memref<1x312x128xf32, #tpu.memory_space<hbm>> -> memref<312x128xf32, #tpu.memory_space<hbm>>
      %dma_wait3A_233 = arith.constant 0 : i32
      %dma_wait3A_234 = tpu.memref_slice %arg13[%mul3A_159, %dma_wait3A_233] : memref<5008x128xf32, #tpu.memory_space<vmem_shared>> -> memref<312x128xf32, #tpu.memory_space<vmem_shared>>
      tpu.wait_dma2 semaphore(%run_scoped3A : memref<!tpu.dma_semaphore, #tpu.memory_space<semaphore_mem>>) src(%dma_wait3A_234 : memref<312x128xf32, #tpu.memory_space<vmem_shared>>) dst(%dma_wait3A_232 : memref<312x128xf32, #tpu.memory_space<hbm>>)
      tpu.yield
    }) : () -> ()
    %eq3A_164 = arith.constant 0 : i32
    %eq3A_165 = arith.cmpi eq, %arg1, %eq3A_164 : i32
    %convert_element_type3A_166 = arith.extui %eq3A_165 : i1 to i32
    %cond3A_167 = arith.constant 0 : i32
    %cond3A_168 = arith.cmpi ne, %convert_element_type3A_166, %cond3A_167 : i32
    scf.if %cond3A_168 {
      "tpu.region"() ({
        %run_scoped3A = tpu.sem_alloc : memref<!tpu.dma_semaphore, #tpu.memory_space<semaphore_mem>>
        %dma_start3A_226 = arith.constant 4992 : i32
        %dma_start3A_227 = arith.constant 0 : i32
        %dma_start3A_228 = tpu.memref_slice %arg7[%arg0, %dma_start3A_226, %dma_start3A_227] : memref<2x10000x128xf32, #tpu.memory_space<hbm>> -> memref<1x8x128xf32, #tpu.memory_space<hbm>>
        %dma_start3A_229 = tpu.memref_squeeze %dma_start3A_228 : memref<1x8x128xf32, #tpu.memory_space<hbm>> -> memref<8x128xf32, #tpu.memory_space<hbm>>
        %dma_start3A_230 = arith.constant 4992 : i32
        %dma_start3A_231 = arith.constant 0 : i32
        %dma_start3A_232 = tpu.memref_slice %arg13[%dma_start3A_230, %dma_start3A_231] : memref<5008x128xf32, #tpu.memory_space<vmem_shared>> -> memref<8x128xf32, #tpu.memory_space<vmem_shared>>
        tpu.enqueue_dma source(%dma_start3A_232 : memref<8x128xf32, #tpu.memory_space<vmem_shared>>) target(%dma_start3A_229 : memref<8x128xf32, #tpu.memory_space<hbm>>) target_semaphore(%run_scoped3A : memref<!tpu.dma_semaphore, #tpu.memory_space<semaphore_mem>>)
        %dma_wait3A = arith.constant 4992 : i32
        %dma_wait3A_233 = arith.constant 0 : i32
        %dma_wait3A_234 = tpu.memref_slice %arg7[%arg0, %dma_wait3A, %dma_wait3A_233] : memref<2x10000x128xf32, #tpu.memory_space<hbm>> -> memref<1x8x128xf32, #tpu.memory_space<hbm>>
        %dma_wait3A_235 = tpu.memref_squeeze %dma_wait3A_234 : memref<1x8x128xf32, #tpu.memory_space<hbm>> -> memref<8x128xf32, #tpu.memory_space<hbm>>
        %dma_wait3A_236 = arith.constant 4992 : i32
        %dma_wait3A_237 = arith.constant 0 : i32
        %dma_wait3A_238 = tpu.memref_slice %arg13[%dma_wait3A_236, %dma_wait3A_237] : memref<5008x128xf32, #tpu.memory_space<vmem_shared>> -> memref<8x128xf32, #tpu.memory_space<vmem_shared>>
        tpu.wait_dma2 semaphore(%run_scoped3A : memref<!tpu.dma_semaphore, #tpu.memory_space<semaphore_mem>>) src(%dma_wait3A_238 : memref<8x128xf32, #tpu.memory_space<vmem_shared>>) dst(%dma_wait3A_235 : memref<8x128xf32, #tpu.memory_space<hbm>>)
        tpu.yield
      }) : () -> ()
    } else {
    }
    %dma_start3A_169 = arith.constant 0 : i32
    %dma_start3A_170 = arith.constant 0 : i32
    %dma_start3A_171 = arith.constant 0 : i32
    %dma_start3A_172 = arith.constant 0 : i32
    %dma_start3A_173 = tpu.memref_slice %arg12[%dma_start3A_170, %dma_start3A_171, %dma_start3A_172] : memref<2x80x128xf32, #tpu.memory_space<vmem>> -> memref<1x80x128xf32, #tpu.memory_space<vmem>>
    %dma_start3A_174 = tpu.memref_squeeze %dma_start3A_173 : memref<1x80x128xf32, #tpu.memory_space<vmem>> -> memref<80x128xf32, #tpu.memory_space<vmem>>
    %dma_start3A_175 = arith.constant 0 : i32
    %dma_start3A_176 = tpu.memref_slice %arg8[%dma_start3A_169, %dma_start3A_175] : memref<125x80xi32, #tpu.memory_space<vmem>> -> memref<1x80xi32, #tpu.memory_space<vmem>>
    %dma_start3A_177 = tpu.memref_squeeze %dma_start3A_176 : memref<1x80xi32, #tpu.memory_space<vmem>> -> memref<80xi32, #tpu.memory_space<vmem>>
    %dma_start3A_178 = arith.constant 0 : i32
    %dma_start3A_179 = arith.constant 0 : i32
    %dma_start3A_180 = tpu.memref_slice %arg5[%dma_start3A_178, %dma_start3A_179] : memref<20000x128xf32, #tpu.memory_space<hbm>> -> memref<20000x128xf32, #tpu.memory_space<hbm>>
    tpu.enqueue_indirect_dma source(%dma_start3A_180 : memref<20000x128xf32, #tpu.memory_space<hbm>>) target(%dma_start3A_174 : memref<80x128xf32, #tpu.memory_space<vmem>>) offsets(%dma_start3A_177 : memref<80xi32, #tpu.memory_space<vmem>>) semaphore(%arg14 : memref<!tpu.dma_semaphore, #tpu.memory_space<semaphore_mem>>)
    %dma_start3A_181 = arith.constant 1 : i32
    %dma_start3A_182 = arith.constant 1 : i32
    %dma_start3A_183 = arith.constant 0 : i32
    %dma_start3A_184 = arith.constant 0 : i32
    %dma_start3A_185 = tpu.memref_slice %arg12[%dma_start3A_182, %dma_start3A_183, %dma_start3A_184] : memref<2x80x128xf32, #tpu.memory_space<vmem>> -> memref<1x80x128xf32, #tpu.memory_space<vmem>>
    %dma_start3A_186 = tpu.memref_squeeze %dma_start3A_185 : memref<1x80x128xf32, #tpu.memory_space<vmem>> -> memref<80x128xf32, #tpu.memory_space<vmem>>
    %dma_start3A_187 = arith.constant 0 : i32
    %dma_start3A_188 = tpu.memref_slice %arg8[%dma_start3A_181, %dma_start3A_187] : memref<125x80xi32, #tpu.memory_space<vmem>> -> memref<1x80xi32, #tpu.memory_space<vmem>>
    %dma_start3A_189 = tpu.memref_squeeze %dma_start3A_188 : memref<1x80xi32, #tpu.memory_space<vmem>> -> memref<80xi32, #tpu.memory_space<vmem>>
    %dma_start3A_190 = arith.constant 0 : i32
    %dma_start3A_191 = arith.constant 0 : i32
    %dma_start3A_192 = tpu.memref_slice %arg5[%dma_start3A_190, %dma_start3A_191] : memref<20000x128xf32, #tpu.memory_space<hbm>> -> memref<20000x128xf32, #tpu.memory_space<hbm>>
    tpu.enqueue_indirect_dma source(%dma_start3A_192 : memref<20000x128xf32, #tpu.memory_space<hbm>>) target(%dma_start3A_186 : memref<80x128xf32, #tpu.memory_space<vmem>>) offsets(%dma_start3A_189 : memref<80xi32, #tpu.memory_space<vmem>>) semaphore(%arg15 : memref<!tpu.dma_semaphore, #tpu.memory_space<semaphore_mem>>)
    %mul3A_193 = arith.constant 10000 : i32
    %mul3A_194 = arith.muli %arg0, %mul3A_193 : i32
    %add3A_195 = arith.constant 5000 : i32
    %add3A_196 = arith.addi %mul3A_194, %add3A_195 : i32
    %mul3A_197 = arith.constant 312 : i32
    %mul3A_198 = arith.muli %arg1, %mul3A_197 : i32
    %add3A_199 = arith.addi %add3A_196, %mul3A_198 : i32
    %mul3A_200 = arith.constant 312 : i32
    %mul3A_201 = arith.muli %arg1, %mul3A_200 : i32
    "tpu.region"() ({
      %run_scoped3A = tpu.sem_alloc : memref<!tpu.dma_semaphore, #tpu.memory_space<semaphore_mem>>
      %dma_start3A_226 = arith.constant 0 : i32
      %dma_start3A_227 = tpu.memref_slice %arg13[%mul3A_201, %dma_start3A_226] : memref<5008x128xf32, #tpu.memory_space<vmem_shared>> -> memref<312x128xf32, #tpu.memory_space<vmem_shared>>
      %dma_start3A_228 = arith.constant 0 : i32
      %dma_start3A_229 = tpu.memref_slice %arg5[%add3A_199, %dma_start3A_228] : memref<20000x128xf32, #tpu.memory_space<hbm>> -> memref<312x128xf32, #tpu.memory_space<hbm>>
      tpu.enqueue_dma source(%dma_start3A_229 : memref<312x128xf32, #tpu.memory_space<hbm>>) target(%dma_start3A_227 : memref<312x128xf32, #tpu.memory_space<vmem_shared>>) target_semaphore(%run_scoped3A : memref<!tpu.dma_semaphore, #tpu.memory_space<semaphore_mem>>)
      %dma_wait3A = arith.constant 0 : i32
      %dma_wait3A_230 = tpu.memref_slice %arg13[%mul3A_201, %dma_wait3A] : memref<5008x128xf32, #tpu.memory_space<vmem_shared>> -> memref<312x128xf32, #tpu.memory_space<vmem_shared>>
      %dma_wait3A_231 = arith.constant 0 : i32
      %dma_wait3A_232 = tpu.memref_slice %arg5[%add3A_199, %dma_wait3A_231] : memref<20000x128xf32, #tpu.memory_space<hbm>> -> memref<312x128xf32, #tpu.memory_space<hbm>>
      tpu.wait_dma2 semaphore(%run_scoped3A : memref<!tpu.dma_semaphore, #tpu.memory_space<semaphore_mem>>) src(%dma_wait3A_232 : memref<312x128xf32, #tpu.memory_space<hbm>>) dst(%dma_wait3A_230 : memref<312x128xf32, #tpu.memory_space<vmem_shared>>)
      tpu.yield
    }) : () -> ()
    %eq3A_202 = arith.constant 0 : i32
    %eq3A_203 = arith.cmpi eq, %arg1, %eq3A_202 : i32
    %convert_element_type3A_204 = arith.extui %eq3A_203 : i1 to i32
    %cond3A_205 = arith.constant 0 : i32
    %cond3A_206 = arith.cmpi ne, %convert_element_type3A_204, %cond3A_205 : i32
    scf.if %cond3A_206 {
      %mul3A_226 = arith.constant 10000 : i32
      %mul3A_227 = arith.muli %arg0, %mul3A_226 : i32
      %add3A_228 = arith.constant 5000 : i32
      %add3A_229 = arith.addi %mul3A_227, %add3A_228 : i32
      %add3A_230 = arith.constant 4992 : i32
      %add3A_231 = arith.addi %add3A_229, %add3A_230 : i32
      "tpu.region"() ({
        %run_scoped3A = tpu.sem_alloc : memref<!tpu.dma_semaphore, #tpu.memory_space<semaphore_mem>>
        %dma_start3A_232 = arith.constant 4992 : i32
        %dma_start3A_233 = arith.constant 0 : i32
        %dma_start3A_234 = tpu.memref_slice %arg13[%dma_start3A_232, %dma_start3A_233] : memref<5008x128xf32, #tpu.memory_space<vmem_shared>> -> memref<8x128xf32, #tpu.memory_space<vmem_shared>>
        %dma_start3A_235 = arith.constant 0 : i32
        %dma_start3A_236 = tpu.memref_slice %arg5[%add3A_231, %dma_start3A_235] : memref<20000x128xf32, #tpu.memory_space<hbm>> -> memref<8x128xf32, #tpu.memory_space<hbm>>
        tpu.enqueue_dma source(%dma_start3A_236 : memref<8x128xf32, #tpu.memory_space<hbm>>) target(%dma_start3A_234 : memref<8x128xf32, #tpu.memory_space<vmem_shared>>) target_semaphore(%run_scoped3A : memref<!tpu.dma_semaphore, #tpu.memory_space<semaphore_mem>>)
        %dma_wait3A = arith.constant 4992 : i32
        %dma_wait3A_237 = arith.constant 0 : i32
        %dma_wait3A_238 = tpu.memref_slice %arg13[%dma_wait3A, %dma_wait3A_237] : memref<5008x128xf32, #tpu.memory_space<vmem_shared>> -> memref<8x128xf32, #tpu.memory_space<vmem_shared>>
        %dma_wait3A_239 = arith.constant 0 : i32
        %dma_wait3A_240 = tpu.memref_slice %arg5[%add3A_231, %dma_wait3A_239] : memref<20000x128xf32, #tpu.memory_space<hbm>> -> memref<8x128xf32, #tpu.memory_space<hbm>>
        tpu.wait_dma2 semaphore(%run_scoped3A : memref<!tpu.dma_semaphore, #tpu.memory_space<semaphore_mem>>) src(%dma_wait3A_240 : memref<8x128xf32, #tpu.memory_space<hbm>>) dst(%dma_wait3A_238 : memref<8x128xf32, #tpu.memory_space<vmem_shared>>)
        tpu.yield
      }) : () -> ()
    } else {
    }
    %barrier3A_207 = arith.constant 0 : index
    tpu.barrier barrier_id(%barrier3A_207)
    %scan3A_208 = arith.constant 0 : i32
    %scan3A_209 = arith.constant 0 : i32
    %scan3A_210 = arith.constant 63 : i32
    %scan3A_211 = arith.addi %scan3A_209, %scan3A_210 : i32
    %scan3A_212 = arith.constant 1 : i32
    scf.for %scan3A_226 = %scan3A_209 to %scan3A_211 step %scan3A_212  : i32 {
      %mul3A_227 = arith.constant 2 : i32
      %mul3A_228 = arith.muli %mul3A_227, %scan3A_226 : i32
      %add3A_229 = arith.constant 0 : i32
      %add3A_230 = arith.addi %mul3A_228, %add3A_229 : i32
      %lt3A = arith.constant 125 : i32
      %lt3A_231 = arith.cmpi slt, %add3A_230, %lt3A : i32
      %convert_element_type3A_232 = arith.extui %lt3A_231 : i1 to i32
      %cond3A_233 = arith.constant 0 : i32
      %cond3A_234 = arith.cmpi ne, %convert_element_type3A_232, %cond3A_233 : i32
      scf.if %cond3A_234 {
        %dma_wait3A = arith.constant 0 : i32
        %dma_wait3A_242 = arith.constant 0 : i32
        %dma_wait3A_243 = arith.constant 0 : i32
        %dma_wait3A_244 = tpu.memref_slice %arg12[%dma_wait3A, %dma_wait3A_242, %dma_wait3A_243] : memref<2x80x128xf32, #tpu.memory_space<vmem>> -> memref<1x80x128xf32, #tpu.memory_space<vmem>>
        %dma_wait3A_245 = tpu.memref_squeeze %dma_wait3A_244 : memref<1x80x128xf32, #tpu.memory_space<vmem>> -> memref<80x128xf32, #tpu.memory_space<vmem>>
        %dma_wait3A_246 = arith.constant 0 : i32
        %dma_wait3A_247 = tpu.memref_slice %arg8[%add3A_230, %dma_wait3A_246] : memref<125x80xi32, #tpu.memory_space<vmem>> -> memref<1x80xi32, #tpu.memory_space<vmem>>
        %dma_wait3A_248 = tpu.memref_squeeze %dma_wait3A_247 : memref<1x80xi32, #tpu.memory_space<vmem>> -> memref<80xi32, #tpu.memory_space<vmem>>
        %dma_wait3A_249 = arith.constant 0 : i32
        %dma_wait3A_250 = arith.constant 0 : i32
        %dma_wait3A_251 = tpu.memref_slice %arg5[%dma_wait3A_249, %dma_wait3A_250] : memref<20000x128xf32, #tpu.memory_space<hbm>> -> memref<20000x128xf32, #tpu.memory_space<hbm>>
        tpu.wait_indirect_dma semaphore(%arg14 : memref<!tpu.dma_semaphore, #tpu.memory_space<semaphore_mem>>) src(%dma_wait3A_251 : memref<20000x128xf32, #tpu.memory_space<hbm>>) dst(%dma_wait3A_245 : memref<80x128xf32, #tpu.memory_space<vmem>>)
        %run_scoped3A = arith.constant 0 : i32
        "tpu.region"() ({
          %run_scoped3A_259 = tpu.sem_alloc : memref<!tpu.dma_semaphore, #tpu.memory_space<semaphore_mem>>
          %dma_start3A_260 = arith.constant 0 : i32
          %dma_start3A_261 = arith.constant 0 : i32
          %dma_start3A_262 = tpu.memref_slice %arg12[%run_scoped3A, %dma_start3A_260, %dma_start3A_261] : memref<2x80x128xf32, #tpu.memory_space<vmem>> -> memref<1x80x128xf32, #tpu.memory_space<vmem>>
          %dma_start3A_263 = tpu.memref_squeeze %dma_start3A_262 : memref<1x80x128xf32, #tpu.memory_space<vmem>> -> memref<80x128xf32, #tpu.memory_space<vmem>>
          %dma_start3A_264 = arith.constant 0 : i32
          %dma_start3A_265 = tpu.memref_slice %arg11[%add3A_230, %dma_start3A_264] : memref<125x80xi32, #tpu.memory_space<vmem>> -> memref<1x80xi32, #tpu.memory_space<vmem>>
          %dma_start3A_266 = tpu.memref_squeeze %dma_start3A_265 : memref<1x80xi32, #tpu.memory_space<vmem>> -> memref<80xi32, #tpu.memory_space<vmem>>
          %dma_start3A_267 = arith.constant 0 : i32
          %dma_start3A_268 = arith.constant 0 : i32
          %dma_start3A_269 = tpu.memref_slice %arg13[%dma_start3A_267, %dma_start3A_268] : memref<5008x128xf32, #tpu.memory_space<vmem_shared>> -> memref<5008x128xf32, #tpu.memory_space<vmem_shared>>
          tpu.enqueue_indirect_dma source(%dma_start3A_263 : memref<80x128xf32, #tpu.memory_space<vmem>>) target(%dma_start3A_269 : memref<5008x128xf32, #tpu.memory_space<vmem_shared>>) offsets(%dma_start3A_266 : memref<80xi32, #tpu.memory_space<vmem>>) semaphore(%run_scoped3A_259 : memref<!tpu.dma_semaphore, #tpu.memory_space<semaphore_mem>>) {add = true}
          %dma_wait3A_270 = arith.constant 0 : i32
          %dma_wait3A_271 = arith.constant 0 : i32
          %dma_wait3A_272 = tpu.memref_slice %arg12[%run_scoped3A, %dma_wait3A_270, %dma_wait3A_271] : memref<2x80x128xf32, #tpu.memory_space<vmem>> -> memref<1x80x128xf32, #tpu.memory_space<vmem>>
          %dma_wait3A_273 = tpu.memref_squeeze %dma_wait3A_272 : memref<1x80x128xf32, #tpu.memory_space<vmem>> -> memref<80x128xf32, #tpu.memory_space<vmem>>
          %dma_wait3A_274 = arith.constant 0 : i32
          %dma_wait3A_275 = tpu.memref_slice %arg11[%add3A_230, %dma_wait3A_274] : memref<125x80xi32, #tpu.memory_space<vmem>> -> memref<1x80xi32, #tpu.memory_space<vmem>>
          %dma_wait3A_276 = tpu.memref_squeeze %dma_wait3A_275 : memref<1x80xi32, #tpu.memory_space<vmem>> -> memref<80xi32, #tpu.memory_space<vmem>>
          %dma_wait3A_277 = arith.constant 0 : i32
          %dma_wait3A_278 = arith.constant 0 : i32
          %dma_wait3A_279 = tpu.memref_slice %arg13[%dma_wait3A_277, %dma_wait3A_278] : memref<5008x128xf32, #tpu.memory_space<vmem_shared>> -> memref<5008x128xf32, #tpu.memory_space<vmem_shared>>
          tpu.wait_indirect_dma semaphore(%run_scoped3A_259 : memref<!tpu.dma_semaphore, #tpu.memory_space<semaphore_mem>>) src(%dma_wait3A_273 : memref<80x128xf32, #tpu.memory_space<vmem>>) dst(%dma_wait3A_279 : memref<5008x128xf32, #tpu.memory_space<vmem_shared>>)
          tpu.yield
        }) : () -> ()
        %add3A_252 = arith.constant 2 : i32
        %add3A_253 = arith.addi %add3A_230, %add3A_252 : i32
        %lt3A_254 = arith.constant 125 : i32
        %lt3A_255 = arith.cmpi slt, %add3A_253, %lt3A_254 : i32
        %convert_element_type3A_256 = arith.extui %lt3A_255 : i1 to i32
        %cond3A_257 = arith.constant 0 : i32
        %cond3A_258 = arith.cmpi ne, %convert_element_type3A_256, %cond3A_257 : i32
        scf.if %cond3A_258 {
          %add3A_259 = arith.constant 2 : i32
          %add3A_260 = arith.addi %add3A_230, %add3A_259 : i32
          %dma_start3A_261 = arith.constant 0 : i32
          %dma_start3A_262 = arith.constant 0 : i32
          %dma_start3A_263 = arith.constant 0 : i32
          %dma_start3A_264 = tpu.memref_slice %arg12[%dma_start3A_261, %dma_start3A_262, %dma_start3A_263] : memref<2x80x128xf32, #tpu.memory_space<vmem>> -> memref<1x80x128xf32, #tpu.memory_space<vmem>>
          %dma_start3A_265 = tpu.memref_squeeze %dma_start3A_264 : memref<1x80x128xf32, #tpu.memory_space<vmem>> -> memref<80x128xf32, #tpu.memory_space<vmem>>
          %dma_start3A_266 = arith.constant 0 : i32
          %dma_start3A_267 = tpu.memref_slice %arg8[%add3A_260, %dma_start3A_266] : memref<125x80xi32, #tpu.memory_space<vmem>> -> memref<1x80xi32, #tpu.memory_space<vmem>>
          %dma_start3A_268 = tpu.memref_squeeze %dma_start3A_267 : memref<1x80xi32, #tpu.memory_space<vmem>> -> memref<80xi32, #tpu.memory_space<vmem>>
          %dma_start3A_269 = arith.constant 0 : i32
          %dma_start3A_270 = arith.constant 0 : i32
          %dma_start3A_271 = tpu.memref_slice %arg5[%dma_start3A_269, %dma_start3A_270] : memref<20000x128xf32, #tpu.memory_space<hbm>> -> memref<20000x128xf32, #tpu.memory_space<hbm>>
          tpu.enqueue_indirect_dma source(%dma_start3A_271 : memref<20000x128xf32, #tpu.memory_space<hbm>>) target(%dma_start3A_265 : memref<80x128xf32, #tpu.memory_space<vmem>>) offsets(%dma_start3A_268 : memref<80xi32, #tpu.memory_space<vmem>>) semaphore(%arg14 : memref<!tpu.dma_semaphore, #tpu.memory_space<semaphore_mem>>)
        } else {
        }
      } else {
      }
      %add3A_235 = arith.constant 1 : i32
      %add3A_236 = arith.addi %mul3A_228, %add3A_235 : i32
      %lt3A_237 = arith.constant 125 : i32
      %lt3A_238 = arith.cmpi slt, %add3A_236, %lt3A_237 : i32
      %convert_element_type3A_239 = arith.extui %lt3A_238 : i1 to i32
      %cond3A_240 = arith.constant 0 : i32
      %cond3A_241 = arith.cmpi ne, %convert_element_type3A_239, %cond3A_240 : i32
      scf.if %cond3A_241 {
        %dma_wait3A = arith.constant 1 : i32
        %dma_wait3A_242 = arith.constant 0 : i32
        %dma_wait3A_243 = arith.constant 0 : i32
        %dma_wait3A_244 = tpu.memref_slice %arg12[%dma_wait3A, %dma_wait3A_242, %dma_wait3A_243] : memref<2x80x128xf32, #tpu.memory_space<vmem>> -> memref<1x80x128xf32, #tpu.memory_space<vmem>>
        %dma_wait3A_245 = tpu.memref_squeeze %dma_wait3A_244 : memref<1x80x128xf32, #tpu.memory_space<vmem>> -> memref<80x128xf32, #tpu.memory_space<vmem>>
        %dma_wait3A_246 = arith.constant 0 : i32
        %dma_wait3A_247 = tpu.memref_slice %arg8[%add3A_236, %dma_wait3A_246] : memref<125x80xi32, #tpu.memory_space<vmem>> -> memref<1x80xi32, #tpu.memory_space<vmem>>
        %dma_wait3A_248 = tpu.memref_squeeze %dma_wait3A_247 : memref<1x80xi32, #tpu.memory_space<vmem>> -> memref<80xi32, #tpu.memory_space<vmem>>
        %dma_wait3A_249 = arith.constant 0 : i32
        %dma_wait3A_250 = arith.constant 0 : i32
        %dma_wait3A_251 = tpu.memref_slice %arg5[%dma_wait3A_249, %dma_wait3A_250] : memref<20000x128xf32, #tpu.memory_space<hbm>> -> memref<20000x128xf32, #tpu.memory_space<hbm>>
        tpu.wait_indirect_dma semaphore(%arg15 : memref<!tpu.dma_semaphore, #tpu.memory_space<semaphore_mem>>) src(%dma_wait3A_251 : memref<20000x128xf32, #tpu.memory_space<hbm>>) dst(%dma_wait3A_245 : memref<80x128xf32, #tpu.memory_space<vmem>>)
        %run_scoped3A = arith.constant 1 : i32
        "tpu.region"() ({
          %run_scoped3A_259 = tpu.sem_alloc : memref<!tpu.dma_semaphore, #tpu.memory_space<semaphore_mem>>
          %dma_start3A_260 = arith.constant 0 : i32
          %dma_start3A_261 = arith.constant 0 : i32
          %dma_start3A_262 = tpu.memref_slice %arg12[%run_scoped3A, %dma_start3A_260, %dma_start3A_261] : memref<2x80x128xf32, #tpu.memory_space<vmem>> -> memref<1x80x128xf32, #tpu.memory_space<vmem>>
          %dma_start3A_263 = tpu.memref_squeeze %dma_start3A_262 : memref<1x80x128xf32, #tpu.memory_space<vmem>> -> memref<80x128xf32, #tpu.memory_space<vmem>>
          %dma_start3A_264 = arith.constant 0 : i32
          %dma_start3A_265 = tpu.memref_slice %arg11[%add3A_236, %dma_start3A_264] : memref<125x80xi32, #tpu.memory_space<vmem>> -> memref<1x80xi32, #tpu.memory_space<vmem>>
          %dma_start3A_266 = tpu.memref_squeeze %dma_start3A_265 : memref<1x80xi32, #tpu.memory_space<vmem>> -> memref<80xi32, #tpu.memory_space<vmem>>
          %dma_start3A_267 = arith.constant 0 : i32
          %dma_start3A_268 = arith.constant 0 : i32
          %dma_start3A_269 = tpu.memref_slice %arg13[%dma_start3A_267, %dma_start3A_268] : memref<5008x128xf32, #tpu.memory_space<vmem_shared>> -> memref<5008x128xf32, #tpu.memory_space<vmem_shared>>
          tpu.enqueue_indirect_dma source(%dma_start3A_263 : memref<80x128xf32, #tpu.memory_space<vmem>>) target(%dma_start3A_269 : memref<5008x128xf32, #tpu.memory_space<vmem_shared>>) offsets(%dma_start3A_266 : memref<80xi32, #tpu.memory_space<vmem>>) semaphore(%run_scoped3A_259 : memref<!tpu.dma_semaphore, #tpu.memory_space<semaphore_mem>>) {add = true}
          %dma_wait3A_270 = arith.constant 0 : i32
          %dma_wait3A_271 = arith.constant 0 : i32
          %dma_wait3A_272 = tpu.memref_slice %arg12[%run_scoped3A, %dma_wait3A_270, %dma_wait3A_271] : memref<2x80x128xf32, #tpu.memory_space<vmem>> -> memref<1x80x128xf32, #tpu.memory_space<vmem>>
          %dma_wait3A_273 = tpu.memref_squeeze %dma_wait3A_272 : memref<1x80x128xf32, #tpu.memory_space<vmem>> -> memref<80x128xf32, #tpu.memory_space<vmem>>
          %dma_wait3A_274 = arith.constant 0 : i32
          %dma_wait3A_275 = tpu.memref_slice %arg11[%add3A_236, %dma_wait3A_274] : memref<125x80xi32, #tpu.memory_space<vmem>> -> memref<1x80xi32, #tpu.memory_space<vmem>>
          %dma_wait3A_276 = tpu.memref_squeeze %dma_wait3A_275 : memref<1x80xi32, #tpu.memory_space<vmem>> -> memref<80xi32, #tpu.memory_space<vmem>>
          %dma_wait3A_277 = arith.constant 0 : i32
          %dma_wait3A_278 = arith.constant 0 : i32
          %dma_wait3A_279 = tpu.memref_slice %arg13[%dma_wait3A_277, %dma_wait3A_278] : memref<5008x128xf32, #tpu.memory_space<vmem_shared>> -> memref<5008x128xf32, #tpu.memory_space<vmem_shared>>
          tpu.wait_indirect_dma semaphore(%run_scoped3A_259 : memref<!tpu.dma_semaphore, #tpu.memory_space<semaphore_mem>>) src(%dma_wait3A_273 : memref<80x128xf32, #tpu.memory_space<vmem>>) dst(%dma_wait3A_279 : memref<5008x128xf32, #tpu.memory_space<vmem_shared>>)
          tpu.yield
        }) : () -> ()
        %add3A_252 = arith.constant 2 : i32
        %add3A_253 = arith.addi %add3A_236, %add3A_252 : i32
        %lt3A_254 = arith.constant 125 : i32
        %lt3A_255 = arith.cmpi slt, %add3A_253, %lt3A_254 : i32
        %convert_element_type3A_256 = arith.extui %lt3A_255 : i1 to i32
        %cond3A_257 = arith.constant 0 : i32
        %cond3A_258 = arith.cmpi ne, %convert_element_type3A_256, %cond3A_257 : i32
        scf.if %cond3A_258 {
          %add3A_259 = arith.constant 2 : i32
          %add3A_260 = arith.addi %add3A_236, %add3A_259 : i32
          %dma_start3A_261 = arith.constant 1 : i32
          %dma_start3A_262 = arith.constant 0 : i32
          %dma_start3A_263 = arith.constant 0 : i32
          %dma_start3A_264 = tpu.memref_slice %arg12[%dma_start3A_261, %dma_start3A_262, %dma_start3A_263] : memref<2x80x128xf32, #tpu.memory_space<vmem>> -> memref<1x80x128xf32, #tpu.memory_space<vmem>>
          %dma_start3A_265 = tpu.memref_squeeze %dma_start3A_264 : memref<1x80x128xf32, #tpu.memory_space<vmem>> -> memref<80x128xf32, #tpu.memory_space<vmem>>
          %dma_start3A_266 = arith.constant 0 : i32
          %dma_start3A_267 = tpu.memref_slice %arg8[%add3A_260, %dma_start3A_266] : memref<125x80xi32, #tpu.memory_space<vmem>> -> memref<1x80xi32, #tpu.memory_space<vmem>>
          %dma_start3A_268 = tpu.memref_squeeze %dma_start3A_267 : memref<1x80xi32, #tpu.memory_space<vmem>> -> memref<80xi32, #tpu.memory_space<vmem>>
          %dma_start3A_269 = arith.constant 0 : i32
          %dma_start3A_270 = arith.constant 0 : i32
          %dma_start3A_271 = tpu.memref_slice %arg5[%dma_start3A_269, %dma_start3A_270] : memref<20000x128xf32, #tpu.memory_space<hbm>> -> memref<20000x128xf32, #tpu.memory_space<hbm>>
          tpu.enqueue_indirect_dma source(%dma_start3A_271 : memref<20000x128xf32, #tpu.memory_space<hbm>>) target(%dma_start3A_265 : memref<80x128xf32, #tpu.memory_space<vmem>>) offsets(%dma_start3A_268 : memref<80xi32, #tpu.memory_space<vmem>>) semaphore(%arg15 : memref<!tpu.dma_semaphore, #tpu.memory_space<semaphore_mem>>)
        } else {
        }
      } else {
      }
    }
    %scan3A_213 = arith.constant 63 : i32
    %barrier3A_214 = arith.constant 0 : index
    tpu.barrier barrier_id(%barrier3A_214)
    %mul3A_215 = arith.constant 312 : i32
    %mul3A_216 = arith.muli %arg1, %mul3A_215 : i32
    %mul3A_217 = arith.constant 312 : i32
    %mul3A_218 = arith.muli %arg1, %mul3A_217 : i32
    %add3A_219 = arith.constant 5000 : i32
    %add3A_220 = arith.addi %add3A_219, %mul3A_218 : i32
    "tpu.region"() ({
      %run_scoped3A = tpu.sem_alloc : memref<!tpu.dma_semaphore, #tpu.memory_space<semaphore_mem>>
      %dma_start3A_226 = arith.constant 0 : i32
      %dma_start3A_227 = tpu.memref_slice %arg7[%arg0, %add3A_220, %dma_start3A_226] : memref<2x10000x128xf32, #tpu.memory_space<hbm>> -> memref<1x312x128xf32, #tpu.memory_space<hbm>>
      %dma_start3A_228 = tpu.memref_squeeze %dma_start3A_227 : memref<1x312x128xf32, #tpu.memory_space<hbm>> -> memref<312x128xf32, #tpu.memory_space<hbm>>
      %dma_start3A_229 = arith.constant 0 : i32
      %dma_start3A_230 = tpu.memref_slice %arg13[%mul3A_216, %dma_start3A_229] : memref<5008x128xf32, #tpu.memory_space<vmem_shared>> -> memref<312x128xf32, #tpu.memory_space<vmem_shared>>
      tpu.enqueue_dma source(%dma_start3A_230 : memref<312x128xf32, #tpu.memory_space<vmem_shared>>) target(%dma_start3A_228 : memref<312x128xf32, #tpu.memory_space<hbm>>) target_semaphore(%run_scoped3A : memref<!tpu.dma_semaphore, #tpu.memory_space<semaphore_mem>>)
      %dma_wait3A = arith.constant 0 : i32
      %dma_wait3A_231 = tpu.memref_slice %arg7[%arg0, %add3A_220, %dma_wait3A] : memref<2x10000x128xf32, #tpu.memory_space<hbm>> -> memref<1x312x128xf32, #tpu.memory_space<hbm>>
      %dma_wait3A_232 = tpu.memref_squeeze %dma_wait3A_231 : memref<1x312x128xf32, #tpu.memory_space<hbm>> -> memref<312x128xf32, #tpu.memory_space<hbm>>
      %dma_wait3A_233 = arith.constant 0 : i32
      %dma_wait3A_234 = tpu.memref_slice %arg13[%mul3A_216, %dma_wait3A_233] : memref<5008x128xf32, #tpu.memory_space<vmem_shared>> -> memref<312x128xf32, #tpu.memory_space<vmem_shared>>
      tpu.wait_dma2 semaphore(%run_scoped3A : memref<!tpu.dma_semaphore, #tpu.memory_space<semaphore_mem>>) src(%dma_wait3A_234 : memref<312x128xf32, #tpu.memory_space<vmem_shared>>) dst(%dma_wait3A_232 : memref<312x128xf32, #tpu.memory_space<hbm>>)
      tpu.yield
    }) : () -> ()
    %eq3A_221 = arith.constant 0 : i32
    %eq3A_222 = arith.cmpi eq, %arg1, %eq3A_221 : i32
    %convert_element_type3A_223 = arith.extui %eq3A_222 : i1 to i32
    %cond3A_224 = arith.constant 0 : i32
    %cond3A_225 = arith.cmpi ne, %convert_element_type3A_223, %cond3A_224 : i32
    scf.if %cond3A_225 {
      "tpu.region"() ({
        %run_scoped3A = tpu.sem_alloc : memref<!tpu.dma_semaphore, #tpu.memory_space<semaphore_mem>>
        %dma_start3A_226 = arith.constant 9992 : i32
        %dma_start3A_227 = arith.constant 0 : i32
        %dma_start3A_228 = tpu.memref_slice %arg7[%arg0, %dma_start3A_226, %dma_start3A_227] : memref<2x10000x128xf32, #tpu.memory_space<hbm>> -> memref<1x8x128xf32, #tpu.memory_space<hbm>>
        %dma_start3A_229 = tpu.memref_squeeze %dma_start3A_228 : memref<1x8x128xf32, #tpu.memory_space<hbm>> -> memref<8x128xf32, #tpu.memory_space<hbm>>
        %dma_start3A_230 = arith.constant 4992 : i32
        %dma_start3A_231 = arith.constant 0 : i32
        %dma_start3A_232 = tpu.memref_slice %arg13[%dma_start3A_230, %dma_start3A_231] : memref<5008x128xf32, #tpu.memory_space<vmem_shared>> -> memref<8x128xf32, #tpu.memory_space<vmem_shared>>
        tpu.enqueue_dma source(%dma_start3A_232 : memref<8x128xf32, #tpu.memory_space<vmem_shared>>) target(%dma_start3A_229 : memref<8x128xf32, #tpu.memory_space<hbm>>) target_semaphore(%run_scoped3A : memref<!tpu.dma_semaphore, #tpu.memory_space<semaphore_mem>>)
        %dma_wait3A = arith.constant 9992 : i32
        %dma_wait3A_233 = arith.constant 0 : i32
        %dma_wait3A_234 = tpu.memref_slice %arg7[%arg0, %dma_wait3A, %dma_wait3A_233] : memref<2x10000x128xf32, #tpu.memory_space<hbm>> -> memref<1x8x128xf32, #tpu.memory_space<hbm>>
        %dma_wait3A_235 = tpu.memref_squeeze %dma_wait3A_234 : memref<1x8x128xf32, #tpu.memory_space<hbm>> -> memref<8x128xf32, #tpu.memory_space<hbm>>
        %dma_wait3A_236 = arith.constant 4992 : i32
        %dma_wait3A_237 = arith.constant 0 : i32
        %dma_wait3A_238 = tpu.memref_slice %arg13[%dma_wait3A_236, %dma_wait3A_237] : memref<5008x128xf32, #tpu.memory_space<vmem_shared>> -> memref<8x128xf32, #tpu.memory_space<vmem_shared>>
        tpu.wait_dma2 semaphore(%run_scoped3A : memref<!tpu.dma_semaphore, #tpu.memory_space<semaphore_mem>>) src(%dma_wait3A_238 : memref<8x128xf32, #tpu.memory_space<vmem_shared>>) dst(%dma_wait3A_235 : memref<8x128xf32, #tpu.memory_space<hbm>>)
        tpu.yield
      }) : () -> ()
    } else {
    }
    return
  }
}

#map = affine_map<(d0, d1) -> (0, 0, 0)>
#map1 = affine_map<(d0, d1) -> (0)>
module attributes {stable_mosaic.version = 14 : i64} {
  func.func @_deg_kernel(%arg0: i32, %arg1: i32, %arg2: memref<32x40x128xi32, #tpu.memory_space<hbm>>, %arg3: memref<10000xf32, #tpu.memory_space<hbm>>, %arg4: memref<10000xf32, #tpu.memory_space<hbm>>, %arg5: memref<40x128xi32, #tpu.memory_space<vmem>>, %arg6: memref<128xf32, #tpu.memory_space<vmem>>, %arg7: memref<640xf32, #tpu.memory_space<vmem>>, %arg8: memref<10000xf32, #tpu.memory_space<vmem>>, %arg9: memref<20480xf32, #tpu.memory_space<vmem_shared>>) attributes {dimension_semantics = [#tpu.dimension_semantics<core_parallel>, #tpu.dimension_semantics<subcore_parallel>], iteration_bounds = array<i64: 2, 16>, scalar_prefetch = 0 : i64, scratch_operands = 5 : i64, tpu.core_type = #tpu.core_type<sc_vector_subcore>, window_params = [{transform_indices = #map}, {transform_indices = #map1}, {transform_indices = #map1}]} {
    %mul3A = arith.constant 2 : i32
    %mul3A_0 = arith.muli %arg1, %mul3A : i32
    %add3A = arith.addi %mul3A_0, %arg0 : i32
    "tpu.region"() ({
      %run_scoped3A = tpu.sem_alloc : memref<!tpu.dma_semaphore, #tpu.memory_space<semaphore_mem>>
      %dma_start3A = arith.constant 0 : i32
      %dma_start3A_307 = arith.constant 0 : i32
      %dma_start3A_308 = tpu.memref_slice %arg2[%add3A, %dma_start3A, %dma_start3A_307] : memref<32x40x128xi32, #tpu.memory_space<hbm>> -> memref<1x40x128xi32, #tpu.memory_space<hbm>>
      %dma_start3A_309 = tpu.memref_squeeze %dma_start3A_308 : memref<1x40x128xi32, #tpu.memory_space<hbm>> -> memref<40x128xi32, #tpu.memory_space<hbm>>
      %dma_start3A_310 = arith.constant 0 : i32
      %dma_start3A_311 = arith.constant 0 : i32
      %dma_start3A_312 = tpu.memref_slice %arg2[%add3A, %dma_start3A_310, %dma_start3A_311] : memref<32x40x128xi32, #tpu.memory_space<hbm>> -> memref<1x40x128xi32, #tpu.memory_space<hbm>>
      %dma_start3A_313 = tpu.memref_squeeze %dma_start3A_312 : memref<1x40x128xi32, #tpu.memory_space<hbm>> -> memref<40x128xi32, #tpu.memory_space<hbm>>
      tpu.enqueue_dma source(%dma_start3A_313 : memref<40x128xi32, #tpu.memory_space<hbm>>) target(%arg5 : memref<40x128xi32, #tpu.memory_space<vmem>>) target_semaphore(%run_scoped3A : memref<!tpu.dma_semaphore, #tpu.memory_space<semaphore_mem>>)
      %dma_wait3A = arith.constant 0 : i32
      %dma_wait3A_314 = arith.constant 0 : i32
      %dma_wait3A_315 = tpu.memref_slice %arg2[%add3A, %dma_wait3A, %dma_wait3A_314] : memref<32x40x128xi32, #tpu.memory_space<hbm>> -> memref<1x40x128xi32, #tpu.memory_space<hbm>>
      %dma_wait3A_316 = tpu.memref_squeeze %dma_wait3A_315 : memref<1x40x128xi32, #tpu.memory_space<hbm>> -> memref<40x128xi32, #tpu.memory_space<hbm>>
      %dma_wait3A_317 = arith.constant 0 : i32
      %dma_wait3A_318 = arith.constant 0 : i32
      %dma_wait3A_319 = tpu.memref_slice %arg2[%add3A, %dma_wait3A_317, %dma_wait3A_318] : memref<32x40x128xi32, #tpu.memory_space<hbm>> -> memref<1x40x128xi32, #tpu.memory_space<hbm>>
      %dma_wait3A_320 = tpu.memref_squeeze %dma_wait3A_319 : memref<1x40x128xi32, #tpu.memory_space<hbm>> -> memref<40x128xi32, #tpu.memory_space<hbm>>
      tpu.wait_dma2 semaphore(%run_scoped3A : memref<!tpu.dma_semaphore, #tpu.memory_space<semaphore_mem>>) src(%dma_wait3A_320 : memref<40x128xi32, #tpu.memory_space<hbm>>) dst(%arg5 : memref<40x128xi32, #tpu.memory_space<vmem>>)
      tpu.yield
    }) : () -> ()
    %broadcast_in_dim3A = arith.constant 1.000000e+00 : f32
    %broadcast_in_dim3A_1 = vector.broadcast %broadcast_in_dim3A : f32 to vector<16xf32>
    %swap3A = arith.constant 0 : index
    %swap3A_2 = tpu.vector_load %arg6[%swap3A] {strides = array<i32>} : memref<128xf32, #tpu.memory_space<vmem>>, vector<16xf32>,
    %swap3A_3 = vector.shape_cast %swap3A_2 : vector<16xf32> to vector<16xf32>
    %swap3A_4 = vector.shape_cast %broadcast_in_dim3A_1 : vector<16xf32> to vector<16xf32>
    tpu.vector_store %arg6[%swap3A], %swap3A_4 {strides = array<i32>} : memref<128xf32, #tpu.memory_space<vmem>>, vector<16xf32>,
    %broadcast_in_dim3A_5 = arith.constant 1.000000e+00 : f32
    %broadcast_in_dim3A_6 = vector.broadcast %broadcast_in_dim3A_5 : f32 to vector<16xf32>
    %swap3A_7 = arith.constant 16 : index
    %swap3A_8 = tpu.vector_load %arg6[%swap3A_7] {strides = array<i32>} : memref<128xf32, #tpu.memory_space<vmem>>, vector<16xf32>,
    %swap3A_9 = vector.shape_cast %swap3A_8 : vector<16xf32> to vector<16xf32>
    %swap3A_10 = vector.shape_cast %broadcast_in_dim3A_6 : vector<16xf32> to vector<16xf32>
    tpu.vector_store %arg6[%swap3A_7], %swap3A_10 {strides = array<i32>} : memref<128xf32, #tpu.memory_space<vmem>>, vector<16xf32>,
    %broadcast_in_dim3A_11 = arith.constant 1.000000e+00 : f32
    %broadcast_in_dim3A_12 = vector.broadcast %broadcast_in_dim3A_11 : f32 to vector<16xf32>
    %swap3A_13 = arith.constant 32 : index
    %swap3A_14 = tpu.vector_load %arg6[%swap3A_13] {strides = array<i32>} : memref<128xf32, #tpu.memory_space<vmem>>, vector<16xf32>,
    %swap3A_15 = vector.shape_cast %swap3A_14 : vector<16xf32> to vector<16xf32>
    %swap3A_16 = vector.shape_cast %broadcast_in_dim3A_12 : vector<16xf32> to vector<16xf32>
    tpu.vector_store %arg6[%swap3A_13], %swap3A_16 {strides = array<i32>} : memref<128xf32, #tpu.memory_space<vmem>>, vector<16xf32>,
    %broadcast_in_dim3A_17 = arith.constant 1.000000e+00 : f32
    %broadcast_in_dim3A_18 = vector.broadcast %broadcast_in_dim3A_17 : f32 to vector<16xf32>
    %swap3A_19 = arith.constant 48 : index
    %swap3A_20 = tpu.vector_load %arg6[%swap3A_19] {strides = array<i32>} : memref<128xf32, #tpu.memory_space<vmem>>, vector<16xf32>,
    %swap3A_21 = vector.shape_cast %swap3A_20 : vector<16xf32> to vector<16xf32>
    %swap3A_22 = vector.shape_cast %broadcast_in_dim3A_18 : vector<16xf32> to vector<16xf32>
    tpu.vector_store %arg6[%swap3A_19], %swap3A_22 {strides = array<i32>} : memref<128xf32, #tpu.memory_space<vmem>>, vector<16xf32>,
    %broadcast_in_dim3A_23 = arith.constant 1.000000e+00 : f32
    %broadcast_in_dim3A_24 = vector.broadcast %broadcast_in_dim3A_23 : f32 to vector<16xf32>
    %swap3A_25 = arith.constant 64 : index
    %swap3A_26 = tpu.vector_load %arg6[%swap3A_25] {strides = array<i32>} : memref<128xf32, #tpu.memory_space<vmem>>, vector<16xf32>,
    %swap3A_27 = vector.shape_cast %swap3A_26 : vector<16xf32> to vector<16xf32>
    %swap3A_28 = vector.shape_cast %broadcast_in_dim3A_24 : vector<16xf32> to vector<16xf32>
    tpu.vector_store %arg6[%swap3A_25], %swap3A_28 {strides = array<i32>} : memref<128xf32, #tpu.memory_space<vmem>>, vector<16xf32>,
    %broadcast_in_dim3A_29 = arith.constant 1.000000e+00 : f32
    %broadcast_in_dim3A_30 = vector.broadcast %broadcast_in_dim3A_29 : f32 to vector<16xf32>
    %swap3A_31 = arith.constant 80 : index
    %swap3A_32 = tpu.vector_load %arg6[%swap3A_31] {strides = array<i32>} : memref<128xf32, #tpu.memory_space<vmem>>, vector<16xf32>,
    %swap3A_33 = vector.shape_cast %swap3A_32 : vector<16xf32> to vector<16xf32>
    %swap3A_34 = vector.shape_cast %broadcast_in_dim3A_30 : vector<16xf32> to vector<16xf32>
    tpu.vector_store %arg6[%swap3A_31], %swap3A_34 {strides = array<i32>} : memref<128xf32, #tpu.memory_space<vmem>>, vector<16xf32>,
    %broadcast_in_dim3A_35 = arith.constant 1.000000e+00 : f32
    %broadcast_in_dim3A_36 = vector.broadcast %broadcast_in_dim3A_35 : f32 to vector<16xf32>
    %swap3A_37 = arith.constant 96 : index
    %swap3A_38 = tpu.vector_load %arg6[%swap3A_37] {strides = array<i32>} : memref<128xf32, #tpu.memory_space<vmem>>, vector<16xf32>,
    %swap3A_39 = vector.shape_cast %swap3A_38 : vector<16xf32> to vector<16xf32>
    %swap3A_40 = vector.shape_cast %broadcast_in_dim3A_36 : vector<16xf32> to vector<16xf32>
    tpu.vector_store %arg6[%swap3A_37], %swap3A_40 {strides = array<i32>} : memref<128xf32, #tpu.memory_space<vmem>>, vector<16xf32>,
    %broadcast_in_dim3A_41 = arith.constant 1.000000e+00 : f32
    %broadcast_in_dim3A_42 = vector.broadcast %broadcast_in_dim3A_41 : f32 to vector<16xf32>
    %swap3A_43 = arith.constant 112 : index
    %swap3A_44 = tpu.vector_load %arg6[%swap3A_43] {strides = array<i32>} : memref<128xf32, #tpu.memory_space<vmem>>, vector<16xf32>,
    %swap3A_45 = vector.shape_cast %swap3A_44 : vector<16xf32> to vector<16xf32>
    %swap3A_46 = vector.shape_cast %broadcast_in_dim3A_42 : vector<16xf32> to vector<16xf32>
    tpu.vector_store %arg6[%swap3A_43], %swap3A_46 {strides = array<i32>} : memref<128xf32, #tpu.memory_space<vmem>>, vector<16xf32>,
    %broadcast_in_dim3A_47 = arith.constant 0.000000e+00 : f32
    %broadcast_in_dim3A_48 = vector.broadcast %broadcast_in_dim3A_47 : f32 to vector<16xf32>
    %swap3A_49 = arith.constant 0 : index
    %swap3A_50 = tpu.vector_load %arg7[%swap3A_49] {strides = array<i32>} : memref<640xf32, #tpu.memory_space<vmem>>, vector<16xf32>,
    %swap3A_51 = vector.shape_cast %swap3A_50 : vector<16xf32> to vector<16xf32>
    %swap3A_52 = vector.shape_cast %broadcast_in_dim3A_48 : vector<16xf32> to vector<16xf32>
    tpu.vector_store %arg7[%swap3A_49], %swap3A_52 {strides = array<i32>} : memref<640xf32, #tpu.memory_space<vmem>>, vector<16xf32>,
    %broadcast_in_dim3A_53 = arith.constant 0.000000e+00 : f32
    %broadcast_in_dim3A_54 = vector.broadcast %broadcast_in_dim3A_53 : f32 to vector<16xf32>
    %swap3A_55 = arith.constant 16 : index
    %swap3A_56 = tpu.vector_load %arg7[%swap3A_55] {strides = array<i32>} : memref<640xf32, #tpu.memory_space<vmem>>, vector<16xf32>,
    %swap3A_57 = vector.shape_cast %swap3A_56 : vector<16xf32> to vector<16xf32>
    %swap3A_58 = vector.shape_cast %broadcast_in_dim3A_54 : vector<16xf32> to vector<16xf32>
    tpu.vector_store %arg7[%swap3A_55], %swap3A_58 {strides = array<i32>} : memref<640xf32, #tpu.memory_space<vmem>>, vector<16xf32>,
    %broadcast_in_dim3A_59 = arith.constant 0.000000e+00 : f32
    %broadcast_in_dim3A_60 = vector.broadcast %broadcast_in_dim3A_59 : f32 to vector<16xf32>
    %swap3A_61 = arith.constant 32 : index
    %swap3A_62 = tpu.vector_load %arg7[%swap3A_61] {strides = array<i32>} : memref<640xf32, #tpu.memory_space<vmem>>, vector<16xf32>,
    %swap3A_63 = vector.shape_cast %swap3A_62 : vector<16xf32> to vector<16xf32>
    %swap3A_64 = vector.shape_cast %broadcast_in_dim3A_60 : vector<16xf32> to vector<16xf32>
    tpu.vector_store %arg7[%swap3A_61], %swap3A_64 {strides = array<i32>} : memref<640xf32, #tpu.memory_space<vmem>>, vector<16xf32>,
    %broadcast_in_dim3A_65 = arith.constant 0.000000e+00 : f32
    %broadcast_in_dim3A_66 = vector.broadcast %broadcast_in_dim3A_65 : f32 to vector<16xf32>
    %swap3A_67 = arith.constant 48 : index
    %swap3A_68 = tpu.vector_load %arg7[%swap3A_67] {strides = array<i32>} : memref<640xf32, #tpu.memory_space<vmem>>, vector<16xf32>,
    %swap3A_69 = vector.shape_cast %swap3A_68 : vector<16xf32> to vector<16xf32>
    %swap3A_70 = vector.shape_cast %broadcast_in_dim3A_66 : vector<16xf32> to vector<16xf32>
    tpu.vector_store %arg7[%swap3A_67], %swap3A_70 {strides = array<i32>} : memref<640xf32, #tpu.memory_space<vmem>>, vector<16xf32>,
    %broadcast_in_dim3A_71 = arith.constant 0.000000e+00 : f32
    %broadcast_in_dim3A_72 = vector.broadcast %broadcast_in_dim3A_71 : f32 to vector<16xf32>
    %swap3A_73 = arith.constant 64 : index
    %swap3A_74 = tpu.vector_load %arg7[%swap3A_73] {strides = array<i32>} : memref<640xf32, #tpu.memory_space<vmem>>, vector<16xf32>,
    %swap3A_75 = vector.shape_cast %swap3A_74 : vector<16xf32> to vector<16xf32>
    %swap3A_76 = vector.shape_cast %broadcast_in_dim3A_72 : vector<16xf32> to vector<16xf32>
    tpu.vector_store %arg7[%swap3A_73], %swap3A_76 {strides = array<i32>} : memref<640xf32, #tpu.memory_space<vmem>>, vector<16xf32>,
    %broadcast_in_dim3A_77 = arith.constant 0.000000e+00 : f32
    %broadcast_in_dim3A_78 = vector.broadcast %broadcast_in_dim3A_77 : f32 to vector<16xf32>
    %swap3A_79 = arith.constant 80 : index
    %swap3A_80 = tpu.vector_load %arg7[%swap3A_79] {strides = array<i32>} : memref<640xf32, #tpu.memory_space<vmem>>, vector<16xf32>,
    %swap3A_81 = vector.shape_cast %swap3A_80 : vector<16xf32> to vector<16xf32>
    %swap3A_82 = vector.shape_cast %broadcast_in_dim3A_78 : vector<16xf32> to vector<16xf32>
    tpu.vector_store %arg7[%swap3A_79], %swap3A_82 {strides = array<i32>} : memref<640xf32, #tpu.memory_space<vmem>>, vector<16xf32>,
    %broadcast_in_dim3A_83 = arith.constant 0.000000e+00 : f32
    %broadcast_in_dim3A_84 = vector.broadcast %broadcast_in_dim3A_83 : f32 to vector<16xf32>
    %swap3A_85 = arith.constant 96 : index
    %swap3A_86 = tpu.vector_load %arg7[%swap3A_85] {strides = array<i32>} : memref<640xf32, #tpu.memory_space<vmem>>, vector<16xf32>,
    %swap3A_87 = vector.shape_cast %swap3A_86 : vector<16xf32> to vector<16xf32>
    %swap3A_88 = vector.shape_cast %broadcast_in_dim3A_84 : vector<16xf32> to vector<16xf32>
    tpu.vector_store %arg7[%swap3A_85], %swap3A_88 {strides = array<i32>} : memref<640xf32, #tpu.memory_space<vmem>>, vector<16xf32>,
    %broadcast_in_dim3A_89 = arith.constant 0.000000e+00 : f32
    %broadcast_in_dim3A_90 = vector.broadcast %broadcast_in_dim3A_89 : f32 to vector<16xf32>
    %swap3A_91 = arith.constant 112 : index
    %swap3A_92 = tpu.vector_load %arg7[%swap3A_91] {strides = array<i32>} : memref<640xf32, #tpu.memory_space<vmem>>, vector<16xf32>,
    %swap3A_93 = vector.shape_cast %swap3A_92 : vector<16xf32> to vector<16xf32>
    %swap3A_94 = vector.shape_cast %broadcast_in_dim3A_90 : vector<16xf32> to vector<16xf32>
    tpu.vector_store %arg7[%swap3A_91], %swap3A_94 {strides = array<i32>} : memref<640xf32, #tpu.memory_space<vmem>>, vector<16xf32>,
    %broadcast_in_dim3A_95 = arith.constant 0.000000e+00 : f32
    %broadcast_in_dim3A_96 = vector.broadcast %broadcast_in_dim3A_95 : f32 to vector<16xf32>
    %swap3A_97 = arith.constant 128 : index
    %swap3A_98 = tpu.vector_load %arg7[%swap3A_97] {strides = array<i32>} : memref<640xf32, #tpu.memory_space<vmem>>, vector<16xf32>,
    %swap3A_99 = vector.shape_cast %swap3A_98 : vector<16xf32> to vector<16xf32>
    %swap3A_100 = vector.shape_cast %broadcast_in_dim3A_96 : vector<16xf32> to vector<16xf32>
    tpu.vector_store %arg7[%swap3A_97], %swap3A_100 {strides = array<i32>} : memref<640xf32, #tpu.memory_space<vmem>>, vector<16xf32>,
    %broadcast_in_dim3A_101 = arith.constant 0.000000e+00 : f32
    %broadcast_in_dim3A_102 = vector.broadcast %broadcast_in_dim3A_101 : f32 to vector<16xf32>
    %swap3A_103 = arith.constant 144 : index
    %swap3A_104 = tpu.vector_load %arg7[%swap3A_103] {strides = array<i32>} : memref<640xf32, #tpu.memory_space<vmem>>, vector<16xf32>,
    %swap3A_105 = vector.shape_cast %swap3A_104 : vector<16xf32> to vector<16xf32>
    %swap3A_106 = vector.shape_cast %broadcast_in_dim3A_102 : vector<16xf32> to vector<16xf32>
    tpu.vector_store %arg7[%swap3A_103], %swap3A_106 {strides = array<i32>} : memref<640xf32, #tpu.memory_space<vmem>>, vector<16xf32>,
    %broadcast_in_dim3A_107 = arith.constant 0.000000e+00 : f32
    %broadcast_in_dim3A_108 = vector.broadcast %broadcast_in_dim3A_107 : f32 to vector<16xf32>
    %swap3A_109 = arith.constant 160 : index
    %swap3A_110 = tpu.vector_load %arg7[%swap3A_109] {strides = array<i32>} : memref<640xf32, #tpu.memory_space<vmem>>, vector<16xf32>,
    %swap3A_111 = vector.shape_cast %swap3A_110 : vector<16xf32> to vector<16xf32>
    %swap3A_112 = vector.shape_cast %broadcast_in_dim3A_108 : vector<16xf32> to vector<16xf32>
    tpu.vector_store %arg7[%swap3A_109], %swap3A_112 {strides = array<i32>} : memref<640xf32, #tpu.memory_space<vmem>>, vector<16xf32>,
    %broadcast_in_dim3A_113 = arith.constant 0.000000e+00 : f32
    %broadcast_in_dim3A_114 = vector.broadcast %broadcast_in_dim3A_113 : f32 to vector<16xf32>
    %swap3A_115 = arith.constant 176 : index
    %swap3A_116 = tpu.vector_load %arg7[%swap3A_115] {strides = array<i32>} : memref<640xf32, #tpu.memory_space<vmem>>, vector<16xf32>,
    %swap3A_117 = vector.shape_cast %swap3A_116 : vector<16xf32> to vector<16xf32>
    %swap3A_118 = vector.shape_cast %broadcast_in_dim3A_114 : vector<16xf32> to vector<16xf32>
    tpu.vector_store %arg7[%swap3A_115], %swap3A_118 {strides = array<i32>} : memref<640xf32, #tpu.memory_space<vmem>>, vector<16xf32>,
    %broadcast_in_dim3A_119 = arith.constant 0.000000e+00 : f32
    %broadcast_in_dim3A_120 = vector.broadcast %broadcast_in_dim3A_119 : f32 to vector<16xf32>
    %swap3A_121 = arith.constant 192 : index
    %swap3A_122 = tpu.vector_load %arg7[%swap3A_121] {strides = array<i32>} : memref<640xf32, #tpu.memory_space<vmem>>, vector<16xf32>,
    %swap3A_123 = vector.shape_cast %swap3A_122 : vector<16xf32> to vector<16xf32>
    %swap3A_124 = vector.shape_cast %broadcast_in_dim3A_120 : vector<16xf32> to vector<16xf32>
    tpu.vector_store %arg7[%swap3A_121], %swap3A_124 {strides = array<i32>} : memref<640xf32, #tpu.memory_space<vmem>>, vector<16xf32>,
    %broadcast_in_dim3A_125 = arith.constant 0.000000e+00 : f32
    %broadcast_in_dim3A_126 = vector.broadcast %broadcast_in_dim3A_125 : f32 to vector<16xf32>
    %swap3A_127 = arith.constant 208 : index
    %swap3A_128 = tpu.vector_load %arg7[%swap3A_127] {strides = array<i32>} : memref<640xf32, #tpu.memory_space<vmem>>, vector<16xf32>,
    %swap3A_129 = vector.shape_cast %swap3A_128 : vector<16xf32> to vector<16xf32>
    %swap3A_130 = vector.shape_cast %broadcast_in_dim3A_126 : vector<16xf32> to vector<16xf32>
    tpu.vector_store %arg7[%swap3A_127], %swap3A_130 {strides = array<i32>} : memref<640xf32, #tpu.memory_space<vmem>>, vector<16xf32>,
    %broadcast_in_dim3A_131 = arith.constant 0.000000e+00 : f32
    %broadcast_in_dim3A_132 = vector.broadcast %broadcast_in_dim3A_131 : f32 to vector<16xf32>
    %swap3A_133 = arith.constant 224 : index
    %swap3A_134 = tpu.vector_load %arg7[%swap3A_133] {strides = array<i32>} : memref<640xf32, #tpu.memory_space<vmem>>, vector<16xf32>,
    %swap3A_135 = vector.shape_cast %swap3A_134 : vector<16xf32> to vector<16xf32>
    %swap3A_136 = vector.shape_cast %broadcast_in_dim3A_132 : vector<16xf32> to vector<16xf32>
    tpu.vector_store %arg7[%swap3A_133], %swap3A_136 {strides = array<i32>} : memref<640xf32, #tpu.memory_space<vmem>>, vector<16xf32>,
    %broadcast_in_dim3A_137 = arith.constant 0.000000e+00 : f32
    %broadcast_in_dim3A_138 = vector.broadcast %broadcast_in_dim3A_137 : f32 to vector<16xf32>
    %swap3A_139 = arith.constant 240 : index
    %swap3A_140 = tpu.vector_load %arg7[%swap3A_139] {strides = array<i32>} : memref<640xf32, #tpu.memory_space<vmem>>, vector<16xf32>,
    %swap3A_141 = vector.shape_cast %swap3A_140 : vector<16xf32> to vector<16xf32>
    %swap3A_142 = vector.shape_cast %broadcast_in_dim3A_138 : vector<16xf32> to vector<16xf32>
    tpu.vector_store %arg7[%swap3A_139], %swap3A_142 {strides = array<i32>} : memref<640xf32, #tpu.memory_space<vmem>>, vector<16xf32>,
    %broadcast_in_dim3A_143 = arith.constant 0.000000e+00 : f32
    %broadcast_in_dim3A_144 = vector.broadcast %broadcast_in_dim3A_143 : f32 to vector<16xf32>
    %swap3A_145 = arith.constant 256 : index
    %swap3A_146 = tpu.vector_load %arg7[%swap3A_145] {strides = array<i32>} : memref<640xf32, #tpu.memory_space<vmem>>, vector<16xf32>,
    %swap3A_147 = vector.shape_cast %swap3A_146 : vector<16xf32> to vector<16xf32>
    %swap3A_148 = vector.shape_cast %broadcast_in_dim3A_144 : vector<16xf32> to vector<16xf32>
    tpu.vector_store %arg7[%swap3A_145], %swap3A_148 {strides = array<i32>} : memref<640xf32, #tpu.memory_space<vmem>>, vector<16xf32>,
    %broadcast_in_dim3A_149 = arith.constant 0.000000e+00 : f32
    %broadcast_in_dim3A_150 = vector.broadcast %broadcast_in_dim3A_149 : f32 to vector<16xf32>
    %swap3A_151 = arith.constant 272 : index
    %swap3A_152 = tpu.vector_load %arg7[%swap3A_151] {strides = array<i32>} : memref<640xf32, #tpu.memory_space<vmem>>, vector<16xf32>,
    %swap3A_153 = vector.shape_cast %swap3A_152 : vector<16xf32> to vector<16xf32>
    %swap3A_154 = vector.shape_cast %broadcast_in_dim3A_150 : vector<16xf32> to vector<16xf32>
    tpu.vector_store %arg7[%swap3A_151], %swap3A_154 {strides = array<i32>} : memref<640xf32, #tpu.memory_space<vmem>>, vector<16xf32>,
    %broadcast_in_dim3A_155 = arith.constant 0.000000e+00 : f32
    %broadcast_in_dim3A_156 = vector.broadcast %broadcast_in_dim3A_155 : f32 to vector<16xf32>
    %swap3A_157 = arith.constant 288 : index
    %swap3A_158 = tpu.vector_load %arg7[%swap3A_157] {strides = array<i32>} : memref<640xf32, #tpu.memory_space<vmem>>, vector<16xf32>,
    %swap3A_159 = vector.shape_cast %swap3A_158 : vector<16xf32> to vector<16xf32>
    %swap3A_160 = vector.shape_cast %broadcast_in_dim3A_156 : vector<16xf32> to vector<16xf32>
    tpu.vector_store %arg7[%swap3A_157], %swap3A_160 {strides = array<i32>} : memref<640xf32, #tpu.memory_space<vmem>>, vector<16xf32>,
    %broadcast_in_dim3A_161 = arith.constant 0.000000e+00 : f32
    %broadcast_in_dim3A_162 = vector.broadcast %broadcast_in_dim3A_161 : f32 to vector<16xf32>
    %swap3A_163 = arith.constant 304 : index
    %swap3A_164 = tpu.vector_load %arg7[%swap3A_163] {strides = array<i32>} : memref<640xf32, #tpu.memory_space<vmem>>, vector<16xf32>,
    %swap3A_165 = vector.shape_cast %swap3A_164 : vector<16xf32> to vector<16xf32>
    %swap3A_166 = vector.shape_cast %broadcast_in_dim3A_162 : vector<16xf32> to vector<16xf32>
    tpu.vector_store %arg7[%swap3A_163], %swap3A_166 {strides = array<i32>} : memref<640xf32, #tpu.memory_space<vmem>>, vector<16xf32>,
    %broadcast_in_dim3A_167 = arith.constant 0.000000e+00 : f32
    %broadcast_in_dim3A_168 = vector.broadcast %broadcast_in_dim3A_167 : f32 to vector<16xf32>
    %swap3A_169 = arith.constant 320 : index
    %swap3A_170 = tpu.vector_load %arg7[%swap3A_169] {strides = array<i32>} : memref<640xf32, #tpu.memory_space<vmem>>, vector<16xf32>,
    %swap3A_171 = vector.shape_cast %swap3A_170 : vector<16xf32> to vector<16xf32>
    %swap3A_172 = vector.shape_cast %broadcast_in_dim3A_168 : vector<16xf32> to vector<16xf32>
    tpu.vector_store %arg7[%swap3A_169], %swap3A_172 {strides = array<i32>} : memref<640xf32, #tpu.memory_space<vmem>>, vector<16xf32>,
    %broadcast_in_dim3A_173 = arith.constant 0.000000e+00 : f32
    %broadcast_in_dim3A_174 = vector.broadcast %broadcast_in_dim3A_173 : f32 to vector<16xf32>
    %swap3A_175 = arith.constant 336 : index
    %swap3A_176 = tpu.vector_load %arg7[%swap3A_175] {strides = array<i32>} : memref<640xf32, #tpu.memory_space<vmem>>, vector<16xf32>,
    %swap3A_177 = vector.shape_cast %swap3A_176 : vector<16xf32> to vector<16xf32>
    %swap3A_178 = vector.shape_cast %broadcast_in_dim3A_174 : vector<16xf32> to vector<16xf32>
    tpu.vector_store %arg7[%swap3A_175], %swap3A_178 {strides = array<i32>} : memref<640xf32, #tpu.memory_space<vmem>>, vector<16xf32>,
    %broadcast_in_dim3A_179 = arith.constant 0.000000e+00 : f32
    %broadcast_in_dim3A_180 = vector.broadcast %broadcast_in_dim3A_179 : f32 to vector<16xf32>
    %swap3A_181 = arith.constant 352 : index
    %swap3A_182 = tpu.vector_load %arg7[%swap3A_181] {strides = array<i32>} : memref<640xf32, #tpu.memory_space<vmem>>, vector<16xf32>,
    %swap3A_183 = vector.shape_cast %swap3A_182 : vector<16xf32> to vector<16xf32>
    %swap3A_184 = vector.shape_cast %broadcast_in_dim3A_180 : vector<16xf32> to vector<16xf32>
    tpu.vector_store %arg7[%swap3A_181], %swap3A_184 {strides = array<i32>} : memref<640xf32, #tpu.memory_space<vmem>>, vector<16xf32>,
    %broadcast_in_dim3A_185 = arith.constant 0.000000e+00 : f32
    %broadcast_in_dim3A_186 = vector.broadcast %broadcast_in_dim3A_185 : f32 to vector<16xf32>
    %swap3A_187 = arith.constant 368 : index
    %swap3A_188 = tpu.vector_load %arg7[%swap3A_187] {strides = array<i32>} : memref<640xf32, #tpu.memory_space<vmem>>, vector<16xf32>,
    %swap3A_189 = vector.shape_cast %swap3A_188 : vector<16xf32> to vector<16xf32>
    %swap3A_190 = vector.shape_cast %broadcast_in_dim3A_186 : vector<16xf32> to vector<16xf32>
    tpu.vector_store %arg7[%swap3A_187], %swap3A_190 {strides = array<i32>} : memref<640xf32, #tpu.memory_space<vmem>>, vector<16xf32>,
    %broadcast_in_dim3A_191 = arith.constant 0.000000e+00 : f32
    %broadcast_in_dim3A_192 = vector.broadcast %broadcast_in_dim3A_191 : f32 to vector<16xf32>
    %swap3A_193 = arith.constant 384 : index
    %swap3A_194 = tpu.vector_load %arg7[%swap3A_193] {strides = array<i32>} : memref<640xf32, #tpu.memory_space<vmem>>, vector<16xf32>,
    %swap3A_195 = vector.shape_cast %swap3A_194 : vector<16xf32> to vector<16xf32>
    %swap3A_196 = vector.shape_cast %broadcast_in_dim3A_192 : vector<16xf32> to vector<16xf32>
    tpu.vector_store %arg7[%swap3A_193], %swap3A_196 {strides = array<i32>} : memref<640xf32, #tpu.memory_space<vmem>>, vector<16xf32>,
    %broadcast_in_dim3A_197 = arith.constant 0.000000e+00 : f32
    %broadcast_in_dim3A_198 = vector.broadcast %broadcast_in_dim3A_197 : f32 to vector<16xf32>
    %swap3A_199 = arith.constant 400 : index
    %swap3A_200 = tpu.vector_load %arg7[%swap3A_199] {strides = array<i32>} : memref<640xf32, #tpu.memory_space<vmem>>, vector<16xf32>,
    %swap3A_201 = vector.shape_cast %swap3A_200 : vector<16xf32> to vector<16xf32>
    %swap3A_202 = vector.shape_cast %broadcast_in_dim3A_198 : vector<16xf32> to vector<16xf32>
    tpu.vector_store %arg7[%swap3A_199], %swap3A_202 {strides = array<i32>} : memref<640xf32, #tpu.memory_space<vmem>>, vector<16xf32>,
    %broadcast_in_dim3A_203 = arith.constant 0.000000e+00 : f32
    %broadcast_in_dim3A_204 = vector.broadcast %broadcast_in_dim3A_203 : f32 to vector<16xf32>
    %swap3A_205 = arith.constant 416 : index
    %swap3A_206 = tpu.vector_load %arg7[%swap3A_205] {strides = array<i32>} : memref<640xf32, #tpu.memory_space<vmem>>, vector<16xf32>,
    %swap3A_207 = vector.shape_cast %swap3A_206 : vector<16xf32> to vector<16xf32>
    %swap3A_208 = vector.shape_cast %broadcast_in_dim3A_204 : vector<16xf32> to vector<16xf32>
    tpu.vector_store %arg7[%swap3A_205], %swap3A_208 {strides = array<i32>} : memref<640xf32, #tpu.memory_space<vmem>>, vector<16xf32>,
    %broadcast_in_dim3A_209 = arith.constant 0.000000e+00 : f32
    %broadcast_in_dim3A_210 = vector.broadcast %broadcast_in_dim3A_209 : f32 to vector<16xf32>
    %swap3A_211 = arith.constant 432 : index
    %swap3A_212 = tpu.vector_load %arg7[%swap3A_211] {strides = array<i32>} : memref<640xf32, #tpu.memory_space<vmem>>, vector<16xf32>,
    %swap3A_213 = vector.shape_cast %swap3A_212 : vector<16xf32> to vector<16xf32>
    %swap3A_214 = vector.shape_cast %broadcast_in_dim3A_210 : vector<16xf32> to vector<16xf32>
    tpu.vector_store %arg7[%swap3A_211], %swap3A_214 {strides = array<i32>} : memref<640xf32, #tpu.memory_space<vmem>>, vector<16xf32>,
    %broadcast_in_dim3A_215 = arith.constant 0.000000e+00 : f32
    %broadcast_in_dim3A_216 = vector.broadcast %broadcast_in_dim3A_215 : f32 to vector<16xf32>
    %swap3A_217 = arith.constant 448 : index
    %swap3A_218 = tpu.vector_load %arg7[%swap3A_217] {strides = array<i32>} : memref<640xf32, #tpu.memory_space<vmem>>, vector<16xf32>,
    %swap3A_219 = vector.shape_cast %swap3A_218 : vector<16xf32> to vector<16xf32>
    %swap3A_220 = vector.shape_cast %broadcast_in_dim3A_216 : vector<16xf32> to vector<16xf32>
    tpu.vector_store %arg7[%swap3A_217], %swap3A_220 {strides = array<i32>} : memref<640xf32, #tpu.memory_space<vmem>>, vector<16xf32>,
    %broadcast_in_dim3A_221 = arith.constant 0.000000e+00 : f32
    %broadcast_in_dim3A_222 = vector.broadcast %broadcast_in_dim3A_221 : f32 to vector<16xf32>
    %swap3A_223 = arith.constant 464 : index
    %swap3A_224 = tpu.vector_load %arg7[%swap3A_223] {strides = array<i32>} : memref<640xf32, #tpu.memory_space<vmem>>, vector<16xf32>,
    %swap3A_225 = vector.shape_cast %swap3A_224 : vector<16xf32> to vector<16xf32>
    %swap3A_226 = vector.shape_cast %broadcast_in_dim3A_222 : vector<16xf32> to vector<16xf32>
    tpu.vector_store %arg7[%swap3A_223], %swap3A_226 {strides = array<i32>} : memref<640xf32, #tpu.memory_space<vmem>>, vector<16xf32>,
    %broadcast_in_dim3A_227 = arith.constant 0.000000e+00 : f32
    %broadcast_in_dim3A_228 = vector.broadcast %broadcast_in_dim3A_227 : f32 to vector<16xf32>
    %swap3A_229 = arith.constant 480 : index
    %swap3A_230 = tpu.vector_load %arg7[%swap3A_229] {strides = array<i32>} : memref<640xf32, #tpu.memory_space<vmem>>, vector<16xf32>,
    %swap3A_231 = vector.shape_cast %swap3A_230 : vector<16xf32> to vector<16xf32>
    %swap3A_232 = vector.shape_cast %broadcast_in_dim3A_228 : vector<16xf32> to vector<16xf32>
    tpu.vector_store %arg7[%swap3A_229], %swap3A_232 {strides = array<i32>} : memref<640xf32, #tpu.memory_space<vmem>>, vector<16xf32>,
    %broadcast_in_dim3A_233 = arith.constant 0.000000e+00 : f32
    %broadcast_in_dim3A_234 = vector.broadcast %broadcast_in_dim3A_233 : f32 to vector<16xf32>
    %swap3A_235 = arith.constant 496 : index
    %swap3A_236 = tpu.vector_load %arg7[%swap3A_235] {strides = array<i32>} : memref<640xf32, #tpu.memory_space<vmem>>, vector<16xf32>,
    %swap3A_237 = vector.shape_cast %swap3A_236 : vector<16xf32> to vector<16xf32>
    %swap3A_238 = vector.shape_cast %broadcast_in_dim3A_234 : vector<16xf32> to vector<16xf32>
    tpu.vector_store %arg7[%swap3A_235], %swap3A_238 {strides = array<i32>} : memref<640xf32, #tpu.memory_space<vmem>>, vector<16xf32>,
    %broadcast_in_dim3A_239 = arith.constant 0.000000e+00 : f32
    %broadcast_in_dim3A_240 = vector.broadcast %broadcast_in_dim3A_239 : f32 to vector<16xf32>
    %swap3A_241 = arith.constant 512 : index
    %swap3A_242 = tpu.vector_load %arg7[%swap3A_241] {strides = array<i32>} : memref<640xf32, #tpu.memory_space<vmem>>, vector<16xf32>,
    %swap3A_243 = vector.shape_cast %swap3A_242 : vector<16xf32> to vector<16xf32>
    %swap3A_244 = vector.shape_cast %broadcast_in_dim3A_240 : vector<16xf32> to vector<16xf32>
    tpu.vector_store %arg7[%swap3A_241], %swap3A_244 {strides = array<i32>} : memref<640xf32, #tpu.memory_space<vmem>>, vector<16xf32>,
    %broadcast_in_dim3A_245 = arith.constant 0.000000e+00 : f32
    %broadcast_in_dim3A_246 = vector.broadcast %broadcast_in_dim3A_245 : f32 to vector<16xf32>
    %swap3A_247 = arith.constant 528 : index
    %swap3A_248 = tpu.vector_load %arg7[%swap3A_247] {strides = array<i32>} : memref<640xf32, #tpu.memory_space<vmem>>, vector<16xf32>,
    %swap3A_249 = vector.shape_cast %swap3A_248 : vector<16xf32> to vector<16xf32>
    %swap3A_250 = vector.shape_cast %broadcast_in_dim3A_246 : vector<16xf32> to vector<16xf32>
    tpu.vector_store %arg7[%swap3A_247], %swap3A_250 {strides = array<i32>} : memref<640xf32, #tpu.memory_space<vmem>>, vector<16xf32>,
    %broadcast_in_dim3A_251 = arith.constant 0.000000e+00 : f32
    %broadcast_in_dim3A_252 = vector.broadcast %broadcast_in_dim3A_251 : f32 to vector<16xf32>
    %swap3A_253 = arith.constant 544 : index
    %swap3A_254 = tpu.vector_load %arg7[%swap3A_253] {strides = array<i32>} : memref<640xf32, #tpu.memory_space<vmem>>, vector<16xf32>,
    %swap3A_255 = vector.shape_cast %swap3A_254 : vector<16xf32> to vector<16xf32>
    %swap3A_256 = vector.shape_cast %broadcast_in_dim3A_252 : vector<16xf32> to vector<16xf32>
    tpu.vector_store %arg7[%swap3A_253], %swap3A_256 {strides = array<i32>} : memref<640xf32, #tpu.memory_space<vmem>>, vector<16xf32>,
    %broadcast_in_dim3A_257 = arith.constant 0.000000e+00 : f32
    %broadcast_in_dim3A_258 = vector.broadcast %broadcast_in_dim3A_257 : f32 to vector<16xf32>
    %swap3A_259 = arith.constant 560 : index
    %swap3A_260 = tpu.vector_load %arg7[%swap3A_259] {strides = array<i32>} : memref<640xf32, #tpu.memory_space<vmem>>, vector<16xf32>,
    %swap3A_261 = vector.shape_cast %swap3A_260 : vector<16xf32> to vector<16xf32>
    %swap3A_262 = vector.shape_cast %broadcast_in_dim3A_258 : vector<16xf32> to vector<16xf32>
    tpu.vector_store %arg7[%swap3A_259], %swap3A_262 {strides = array<i32>} : memref<640xf32, #tpu.memory_space<vmem>>, vector<16xf32>,
    %broadcast_in_dim3A_263 = arith.constant 0.000000e+00 : f32
    %broadcast_in_dim3A_264 = vector.broadcast %broadcast_in_dim3A_263 : f32 to vector<16xf32>
    %swap3A_265 = arith.constant 576 : index
    %swap3A_266 = tpu.vector_load %arg7[%swap3A_265] {strides = array<i32>} : memref<640xf32, #tpu.memory_space<vmem>>, vector<16xf32>,
    %swap3A_267 = vector.shape_cast %swap3A_266 : vector<16xf32> to vector<16xf32>
    %swap3A_268 = vector.shape_cast %broadcast_in_dim3A_264 : vector<16xf32> to vector<16xf32>
    tpu.vector_store %arg7[%swap3A_265], %swap3A_268 {strides = array<i32>} : memref<640xf32, #tpu.memory_space<vmem>>, vector<16xf32>,
    %broadcast_in_dim3A_269 = arith.constant 0.000000e+00 : f32
    %broadcast_in_dim3A_270 = vector.broadcast %broadcast_in_dim3A_269 : f32 to vector<16xf32>
    %swap3A_271 = arith.constant 592 : index
    %swap3A_272 = tpu.vector_load %arg7[%swap3A_271] {strides = array<i32>} : memref<640xf32, #tpu.memory_space<vmem>>, vector<16xf32>,
    %swap3A_273 = vector.shape_cast %swap3A_272 : vector<16xf32> to vector<16xf32>
    %swap3A_274 = vector.shape_cast %broadcast_in_dim3A_270 : vector<16xf32> to vector<16xf32>
    tpu.vector_store %arg7[%swap3A_271], %swap3A_274 {strides = array<i32>} : memref<640xf32, #tpu.memory_space<vmem>>, vector<16xf32>,
    %broadcast_in_dim3A_275 = arith.constant 0.000000e+00 : f32
    %broadcast_in_dim3A_276 = vector.broadcast %broadcast_in_dim3A_275 : f32 to vector<16xf32>
    %swap3A_277 = arith.constant 608 : index
    %swap3A_278 = tpu.vector_load %arg7[%swap3A_277] {strides = array<i32>} : memref<640xf32, #tpu.memory_space<vmem>>, vector<16xf32>,
    %swap3A_279 = vector.shape_cast %swap3A_278 : vector<16xf32> to vector<16xf32>
    %swap3A_280 = vector.shape_cast %broadcast_in_dim3A_276 : vector<16xf32> to vector<16xf32>
    tpu.vector_store %arg7[%swap3A_277], %swap3A_280 {strides = array<i32>} : memref<640xf32, #tpu.memory_space<vmem>>, vector<16xf32>,
    %broadcast_in_dim3A_281 = arith.constant 0.000000e+00 : f32
    %broadcast_in_dim3A_282 = vector.broadcast %broadcast_in_dim3A_281 : f32 to vector<16xf32>
    %swap3A_283 = arith.constant 624 : index
    %swap3A_284 = tpu.vector_load %arg7[%swap3A_283] {strides = array<i32>} : memref<640xf32, #tpu.memory_space<vmem>>, vector<16xf32>,
    %swap3A_285 = vector.shape_cast %swap3A_284 : vector<16xf32> to vector<16xf32>
    %swap3A_286 = vector.shape_cast %broadcast_in_dim3A_282 : vector<16xf32> to vector<16xf32>
    tpu.vector_store %arg7[%swap3A_283], %swap3A_286 {strides = array<i32>} : memref<640xf32, #tpu.memory_space<vmem>>, vector<16xf32>,
    %mul3A_287 = arith.constant 640 : i32
    %mul3A_288 = arith.muli %arg1, %mul3A_287 : i32
    "tpu.region"() ({
      %run_scoped3A = tpu.sem_alloc : memref<!tpu.dma_semaphore, #tpu.memory_space<semaphore_mem>>
      %dma_start3A = tpu.memref_slice %arg9[%mul3A_288] : memref<20480xf32, #tpu.memory_space<vmem_shared>> -> memref<640xf32, #tpu.memory_space<vmem_shared>>
      %dma_start3A_307 = tpu.memref_slice %arg9[%mul3A_288] : memref<20480xf32, #tpu.memory_space<vmem_shared>> -> memref<640xf32, #tpu.memory_space<vmem_shared>>
      tpu.enqueue_dma source(%arg7 : memref<640xf32, #tpu.memory_space<vmem>>) target(%dma_start3A_307 : memref<640xf32, #tpu.memory_space<vmem_shared>>) target_semaphore(%run_scoped3A : memref<!tpu.dma_semaphore, #tpu.memory_space<semaphore_mem>>)
      %dma_wait3A = tpu.memref_slice %arg9[%mul3A_288] : memref<20480xf32, #tpu.memory_space<vmem_shared>> -> memref<640xf32, #tpu.memory_space<vmem_shared>>
      %dma_wait3A_308 = tpu.memref_slice %arg9[%mul3A_288] : memref<20480xf32, #tpu.memory_space<vmem_shared>> -> memref<640xf32, #tpu.memory_space<vmem_shared>>
      tpu.wait_dma2 semaphore(%run_scoped3A : memref<!tpu.dma_semaphore, #tpu.memory_space<semaphore_mem>>) src(%arg7 : memref<640xf32, #tpu.memory_space<vmem>>) dst(%dma_wait3A_308 : memref<640xf32, #tpu.memory_space<vmem_shared>>)
      tpu.yield
    }) : () -> ()
    %barrier3A = arith.constant 0 : index
    tpu.barrier barrier_id(%barrier3A)
    %scan3A = arith.constant 0 : i32
    %scan3A_289 = arith.constant 0 : i32
    %scan3A_290 = arith.constant 40 : i32
    %scan3A_291 = arith.addi %scan3A_289, %scan3A_290 : i32
    %scan3A_292 = arith.constant 1 : i32
    scf.for %scan3A_307 = %scan3A_289 to %scan3A_291 step %scan3A_292  : i32 {
      "tpu.region"() ({
        %run_scoped3A = tpu.sem_alloc : memref<!tpu.dma_semaphore, #tpu.memory_space<semaphore_mem>>
        %dma_start3A = arith.constant 0 : i32
        %dma_start3A_308 = tpu.memref_slice %arg5[%scan3A_307, %dma_start3A] : memref<40x128xi32, #tpu.memory_space<vmem>> -> memref<1x128xi32, #tpu.memory_space<vmem>>
        %dma_start3A_309 = tpu.memref_squeeze %dma_start3A_308 : memref<1x128xi32, #tpu.memory_space<vmem>> -> memref<128xi32, #tpu.memory_space<vmem>>
        %dma_start3A_310 = arith.constant 0 : i32
        %dma_start3A_311 = tpu.memref_slice %arg9[%dma_start3A_310] : memref<20480xf32, #tpu.memory_space<vmem_shared>> -> memref<20480xf32, #tpu.memory_space<vmem_shared>>
        tpu.enqueue_indirect_dma source(%arg6 : memref<128xf32, #tpu.memory_space<vmem>>) target(%dma_start3A_311 : memref<20480xf32, #tpu.memory_space<vmem_shared>>) offsets(%dma_start3A_309 : memref<128xi32, #tpu.memory_space<vmem>>) semaphore(%run_scoped3A : memref<!tpu.dma_semaphore, #tpu.memory_space<semaphore_mem>>) {add = true}
        %dma_wait3A = arith.constant 0 : i32
        %dma_wait3A_312 = tpu.memref_slice %arg5[%scan3A_307, %dma_wait3A] : memref<40x128xi32, #tpu.memory_space<vmem>> -> memref<1x128xi32, #tpu.memory_space<vmem>>
        %dma_wait3A_313 = tpu.memref_squeeze %dma_wait3A_312 : memref<1x128xi32, #tpu.memory_space<vmem>> -> memref<128xi32, #tpu.memory_space<vmem>>
        %dma_wait3A_314 = arith.constant 0 : i32
        %dma_wait3A_315 = tpu.memref_slice %arg9[%dma_wait3A_314] : memref<20480xf32, #tpu.memory_space<vmem_shared>> -> memref<20480xf32, #tpu.memory_space<vmem_shared>>
        tpu.wait_indirect_dma semaphore(%run_scoped3A : memref<!tpu.dma_semaphore, #tpu.memory_space<semaphore_mem>>) src(%arg6 : memref<128xf32, #tpu.memory_space<vmem>>) dst(%dma_wait3A_315 : memref<20480xf32, #tpu.memory_space<vmem_shared>>)
        tpu.yield
      }) : () -> ()
    }
    %scan3A_293 = arith.constant 40 : i32
    %barrier3A_294 = arith.constant 0 : index
    tpu.barrier barrier_id(%barrier3A_294)
    %eq3A = arith.constant 0 : i32
    %eq3A_295 = arith.cmpi eq, %arg1, %eq3A : i32
    %eq3A_296 = arith.constant 0 : i32
    %eq3A_297 = arith.cmpi eq, %arg0, %eq3A_296 : i32
    %and3A = arith.andi %eq3A_295, %eq3A_297 : i1
    %convert_element_type3A = arith.extui %and3A : i1 to i32
    %cond3A = arith.constant 0 : i32
    %cond3A_298 = arith.cmpi ne, %convert_element_type3A, %cond3A : i32
    scf.if %cond3A_298 {
      "tpu.region"() ({
        %run_scoped3A = tpu.sem_alloc : memref<!tpu.dma_semaphore, #tpu.memory_space<semaphore_mem>>
        %dma_start3A = arith.constant 0 : i32
        %dma_start3A_307 = tpu.memref_slice %arg9[%dma_start3A] : memref<20480xf32, #tpu.memory_space<vmem_shared>> -> memref<10000xf32, #tpu.memory_space<vmem_shared>>
        %dma_start3A_308 = arith.constant 0 : i32
        %dma_start3A_309 = tpu.memref_slice %arg9[%dma_start3A_308] : memref<20480xf32, #tpu.memory_space<vmem_shared>> -> memref<10000xf32, #tpu.memory_space<vmem_shared>>
        tpu.enqueue_dma source(%dma_start3A_309 : memref<10000xf32, #tpu.memory_space<vmem_shared>>) target(%arg8 : memref<10000xf32, #tpu.memory_space<vmem>>) target_semaphore(%run_scoped3A : memref<!tpu.dma_semaphore, #tpu.memory_space<semaphore_mem>>)
        %dma_wait3A = arith.constant 0 : i32
        %dma_wait3A_310 = tpu.memref_slice %arg9[%dma_wait3A] : memref<20480xf32, #tpu.memory_space<vmem_shared>> -> memref<10000xf32, #tpu.memory_space<vmem_shared>>
        %dma_wait3A_311 = arith.constant 0 : i32
        %dma_wait3A_312 = tpu.memref_slice %arg9[%dma_wait3A_311] : memref<20480xf32, #tpu.memory_space<vmem_shared>> -> memref<10000xf32, #tpu.memory_space<vmem_shared>>
        tpu.wait_dma2 semaphore(%run_scoped3A : memref<!tpu.dma_semaphore, #tpu.memory_space<semaphore_mem>>) src(%dma_wait3A_312 : memref<10000xf32, #tpu.memory_space<vmem_shared>>) dst(%arg8 : memref<10000xf32, #tpu.memory_space<vmem>>)
        tpu.yield
      }) : () -> ()
      "tpu.region"() ({
        %run_scoped3A = tpu.sem_alloc : memref<!tpu.dma_semaphore, #tpu.memory_space<semaphore_mem>>
        tpu.enqueue_dma source(%arg8 : memref<10000xf32, #tpu.memory_space<vmem>>) target(%arg3 : memref<10000xf32, #tpu.memory_space<hbm>>) target_semaphore(%run_scoped3A : memref<!tpu.dma_semaphore, #tpu.memory_space<semaphore_mem>>)
        tpu.wait_dma2 semaphore(%run_scoped3A : memref<!tpu.dma_semaphore, #tpu.memory_space<semaphore_mem>>) src(%arg8 : memref<10000xf32, #tpu.memory_space<vmem>>) dst(%arg3 : memref<10000xf32, #tpu.memory_space<hbm>>)
        tpu.yield
      }) : () -> ()
    } else {
    }
    %eq3A_299 = arith.constant 0 : i32
    %eq3A_300 = arith.cmpi eq, %arg1, %eq3A_299 : i32
    %eq3A_301 = arith.constant 1 : i32
    %eq3A_302 = arith.cmpi eq, %arg0, %eq3A_301 : i32
    %and3A_303 = arith.andi %eq3A_300, %eq3A_302 : i1
    %convert_element_type3A_304 = arith.extui %and3A_303 : i1 to i32
    %cond3A_305 = arith.constant 0 : i32
    %cond3A_306 = arith.cmpi ne, %convert_element_type3A_304, %cond3A_305 : i32
    scf.if %cond3A_306 {
      "tpu.region"() ({
        %run_scoped3A = tpu.sem_alloc : memref<!tpu.dma_semaphore, #tpu.memory_space<semaphore_mem>>
        %dma_start3A = arith.constant 0 : i32
        %dma_start3A_307 = tpu.memref_slice %arg9[%dma_start3A] : memref<20480xf32, #tpu.memory_space<vmem_shared>> -> memref<10000xf32, #tpu.memory_space<vmem_shared>>
        %dma_start3A_308 = arith.constant 0 : i32
        %dma_start3A_309 = tpu.memref_slice %arg9[%dma_start3A_308] : memref<20480xf32, #tpu.memory_space<vmem_shared>> -> memref<10000xf32, #tpu.memory_space<vmem_shared>>
        tpu.enqueue_dma source(%dma_start3A_309 : memref<10000xf32, #tpu.memory_space<vmem_shared>>) target(%arg8 : memref<10000xf32, #tpu.memory_space<vmem>>) target_semaphore(%run_scoped3A : memref<!tpu.dma_semaphore, #tpu.memory_space<semaphore_mem>>)
        %dma_wait3A = arith.constant 0 : i32
        %dma_wait3A_310 = tpu.memref_slice %arg9[%dma_wait3A] : memref<20480xf32, #tpu.memory_space<vmem_shared>> -> memref<10000xf32, #tpu.memory_space<vmem_shared>>
        %dma_wait3A_311 = arith.constant 0 : i32
        %dma_wait3A_312 = tpu.memref_slice %arg9[%dma_wait3A_311] : memref<20480xf32, #tpu.memory_space<vmem_shared>> -> memref<10000xf32, #tpu.memory_space<vmem_shared>>
        tpu.wait_dma2 semaphore(%run_scoped3A : memref<!tpu.dma_semaphore, #tpu.memory_space<semaphore_mem>>) src(%dma_wait3A_312 : memref<10000xf32, #tpu.memory_space<vmem_shared>>) dst(%arg8 : memref<10000xf32, #tpu.memory_space<vmem>>)
        tpu.yield
      }) : () -> ()
      "tpu.region"() ({
        %run_scoped3A = tpu.sem_alloc : memref<!tpu.dma_semaphore, #tpu.memory_space<semaphore_mem>>
        tpu.enqueue_dma source(%arg8 : memref<10000xf32, #tpu.memory_space<vmem>>) target(%arg4 : memref<10000xf32, #tpu.memory_space<hbm>>) target_semaphore(%run_scoped3A : memref<!tpu.dma_semaphore, #tpu.memory_space<semaphore_mem>>)
        tpu.wait_dma2 semaphore(%run_scoped3A : memref<!tpu.dma_semaphore, #tpu.memory_space<semaphore_mem>>) src(%arg8 : memref<10000xf32, #tpu.memory_space<vmem>>) dst(%arg4 : memref<10000xf32, #tpu.memory_space<hbm>>)
        tpu.yield
      }) : () -> ()
    } else {
    }
    return
  }
}

module attributes {stable_mosaic.version = 14 : i64} {
  func.func @_lin_body(%arg0: i32, %arg1: memref<400x256xf32, #tpu.memory_space<vmem>>, %arg2: memref<256x256xf32, #tpu.memory_space<vmem>>, %arg3: memref<1x256xf32, #tpu.memory_space<vmem>>, %arg4: memref<256x256xf32, #tpu.memory_space<vmem>>, %arg5: memref<1x256xf32, #tpu.memory_space<vmem>>, %arg6: memref<400x1xf32, #tpu.memory_space<vmem>>, %arg7: memref<2x400x128xf32, #tpu.memory_space<vmem>>, %arg8: memref<2x400x128xf32, #tpu.memory_space<vmem>>) attributes {dimension_semantics = [#tpu.dimension_semantics<arbitrary>], iteration_bounds = array<i64: 25>, scalar_prefetch = 0 : i64, scratch_operands = 0 : i64, tpu.core_type = #tpu.core_type<tc>, window_params = [{transform_indices = @transform_0, window_bounds = array<i64: 400, 256>}, {pipeline_mode = #tpu.pipeline_mode<synchronous>, transform_indices = @transform_1, window_bounds = array<i64: 256, 256>}, {pipeline_mode = #tpu.pipeline_mode<synchronous>, transform_indices = @transform_2, window_bounds = array<i64: 1, 256>}, {pipeline_mode = #tpu.pipeline_mode<synchronous>, transform_indices = @transform_3, window_bounds = array<i64: 256, 256>}, {pipeline_mode = #tpu.pipeline_mode<synchronous>, transform_indices = @transform_4, window_bounds = array<i64: 1, 256>}, {transform_indices = @transform_5, window_bounds = array<i64: 400, 1>}, {transform_indices = @transform_6, window_bounds = array<i64: 2, 400, 128>}, {transform_indices = @transform_7, window_bounds = array<i64: 2, 400, 128>}]} {
    %get3A = arith.constant 0 : index
    %get3A_0 = arith.constant 0 : index
    %get3A_1 = vector.load %arg1[%get3A, %get3A_0] : memref<400x256xf32, #tpu.memory_space<vmem>>, vector<400x256xf32>
    %get3A_2 = arith.constant 0 : index
    %get3A_3 = arith.constant 0 : index
    %get3A_4 = vector.load %arg6[%get3A_2, %get3A_3] : memref<400x1xf32, #tpu.memory_space<vmem>>, vector<400x1xf32>
    %rsqrt3A = math.rsqrt %get3A_4 : vector<400x1xf32>
    %get3A_5 = arith.constant 0 : index
    %get3A_6 = arith.constant 0 : index
    %get3A_7 = vector.load %arg2[%get3A_5, %get3A_6] : memref<256x256xf32, #tpu.memory_space<vmem>>, vector<256x256xf32>
    %dot_general3A = arith.constant dense<0.000000e+00> : vector<400x256xf32>
    %dot_general3A_8 = tpu.matmul %get3A_1, %get3A_7, %dot_general3A {dimension_numbers = #tpu.dot_dimension_numbers<[1], [1], [0], [0], [0, 0, 1, 0], [], []>, transpose_lhs_hint = false} : vector<400x256xf32>, vector<256x256xf32>, vector<400x256xf32> -> vector<400x256xf32>
    %get3A_9 = arith.constant 0 : index
    %get3A_10 = arith.constant 0 : index
    %get3A_11 = vector.load %arg3[%get3A_9, %get3A_10] : memref<1x256xf32, #tpu.memory_space<vmem>>, vector<1x256xf32>
    %add3A = vector.broadcast %get3A_11 : vector<1x256xf32> to vector<400x256xf32>
    %add3A_12 = arith.addf %dot_general3A_8, %add3A : vector<400x256xf32>
    %mul3A = vector.broadcast %rsqrt3A : vector<400x1xf32> to vector<400x256xf32>
    %mul3A_13 = arith.mulf %add3A_12, %mul3A : vector<400x256xf32>
    %slice3A = vector.extract_strided_slice %mul3A_13 {offsets = [0, 0], sizes = [400, 128], strides = [1, 1]} : vector<400x256xf32> to vector<400x128xf32>
    %swap3A = arith.constant 0 : index
    %swap3A_14 = arith.constant 0 : index
    %swap3A_15 = arith.constant 0 : index
    %swap3A_16 = vector.load %arg7[%swap3A, %swap3A_14, %swap3A_15] : memref<2x400x128xf32, #tpu.memory_space<vmem>>, vector<1x400x128xf32>
    %swap3A_17 = vector.shape_cast %swap3A_16 : vector<1x400x128xf32> to vector<400x128xf32>
    %swap3A_18 = vector.shape_cast %slice3A : vector<400x128xf32> to vector<1x400x128xf32>
    tpu.vector_store %arg7[%swap3A, %swap3A_14, %swap3A_15], %swap3A_18 {strides = array<i32>} : memref<2x400x128xf32, #tpu.memory_space<vmem>>, vector<1x400x128xf32>,
    %slice3A_19 = vector.extract_strided_slice %mul3A_13 {offsets = [0, 128], sizes = [400, 128], strides = [1, 1]} : vector<400x256xf32> to vector<400x128xf32>
    %swap3A_20 = arith.constant 1 : index
    %swap3A_21 = arith.constant 0 : index
    %swap3A_22 = arith.constant 0 : index
    %swap3A_23 = vector.load %arg7[%swap3A_20, %swap3A_21, %swap3A_22] : memref<2x400x128xf32, #tpu.memory_space<vmem>>, vector<1x400x128xf32>
    %swap3A_24 = vector.shape_cast %swap3A_23 : vector<1x400x128xf32> to vector<400x128xf32>
    %swap3A_25 = vector.shape_cast %slice3A_19 : vector<400x128xf32> to vector<1x400x128xf32>
    tpu.vector_store %arg7[%swap3A_20, %swap3A_21, %swap3A_22], %swap3A_25 {strides = array<i32>} : memref<2x400x128xf32, #tpu.memory_space<vmem>>, vector<1x400x128xf32>,
    %get3A_26 = arith.constant 0 : index
    %get3A_27 = arith.constant 0 : index
    %get3A_28 = vector.load %arg4[%get3A_26, %get3A_27] : memref<256x256xf32, #tpu.memory_space<vmem>>, vector<256x256xf32>
    %dot_general3A_29 = arith.constant dense<0.000000e+00> : vector<400x256xf32>
    %dot_general3A_30 = tpu.matmul %get3A_1, %get3A_28, %dot_general3A_29 {dimension_numbers = #tpu.dot_dimension_numbers<[1], [1], [0], [0], [0, 0, 1, 0], [], []>, transpose_lhs_hint = false} : vector<400x256xf32>, vector<256x256xf32>, vector<400x256xf32> -> vector<400x256xf32>
    %get3A_31 = arith.constant 0 : index
    %get3A_32 = arith.constant 0 : index
    %get3A_33 = vector.load %arg5[%get3A_31, %get3A_32] : memref<1x256xf32, #tpu.memory_space<vmem>>, vector<1x256xf32>
    %add3A_34 = vector.broadcast %get3A_33 : vector<1x256xf32> to vector<400x256xf32>
    %add3A_35 = arith.addf %dot_general3A_30, %add3A_34 : vector<400x256xf32>
    %mul3A_36 = arith.mulf %add3A_35, %add3A_35 : vector<400x256xf32>
    %reduce_sum3A = arith.constant dense<0.000000e+00> : vector<400xf32>
    %reduce_sum3A_37 = vector.multi_reduction <add>, %mul3A_36, %reduce_sum3A [1] : vector<400x256xf32> to vector<400xf32>
    %broadcast_in_dim3A = vector.shape_cast %reduce_sum3A_37 : vector<400xf32> to vector<400x1xf32>
    %sqrt3A = math.sqrt %broadcast_in_dim3A : vector<400x1xf32>
    %max3A = arith.constant 9.99999996E-13 : f32
    %max3A_38 = vector.broadcast %max3A : f32 to vector<400x1xf32>
    %max3A_39 = arith.maximumf %sqrt3A, %max3A_38 : vector<400x1xf32>
    %div3A = arith.constant 8.000000e-01 : f32
    %div3A_40 = vector.broadcast %div3A : f32 to vector<400x1xf32>
    %div3A_41 = arith.divf %div3A_40, %max3A_39 : vector<400x1xf32>
    %mul3A_42 = vector.broadcast %div3A_41 : vector<400x1xf32> to vector<400x256xf32>
    %mul3A_43 = arith.mulf %add3A_35, %mul3A_42 : vector<400x256xf32>
    %mul3A_44 = vector.broadcast %rsqrt3A : vector<400x1xf32> to vector<400x256xf32>
    %mul3A_45 = arith.mulf %mul3A_43, %mul3A_44 : vector<400x256xf32>
    %slice3A_46 = vector.extract_strided_slice %mul3A_45 {offsets = [0, 0], sizes = [400, 128], strides = [1, 1]} : vector<400x256xf32> to vector<400x128xf32>
    %swap3A_47 = arith.constant 0 : index
    %swap3A_48 = arith.constant 0 : index
    %swap3A_49 = arith.constant 0 : index
    %swap3A_50 = vector.load %arg8[%swap3A_47, %swap3A_48, %swap3A_49] : memref<2x400x128xf32, #tpu.memory_space<vmem>>, vector<1x400x128xf32>
    %swap3A_51 = vector.shape_cast %swap3A_50 : vector<1x400x128xf32> to vector<400x128xf32>
    %swap3A_52 = vector.shape_cast %slice3A_46 : vector<400x128xf32> to vector<1x400x128xf32>
    tpu.vector_store %arg8[%swap3A_47, %swap3A_48, %swap3A_49], %swap3A_52 {strides = array<i32>} : memref<2x400x128xf32, #tpu.memory_space<vmem>>, vector<1x400x128xf32>,
    %slice3A_53 = vector.extract_strided_slice %mul3A_45 {offsets = [0, 128], sizes = [400, 128], strides = [1, 1]} : vector<400x256xf32> to vector<400x128xf32>
    %swap3A_54 = arith.constant 1 : index
    %swap3A_55 = arith.constant 0 : index
    %swap3A_56 = arith.constant 0 : index
    %swap3A_57 = vector.load %arg8[%swap3A_54, %swap3A_55, %swap3A_56] : memref<2x400x128xf32, #tpu.memory_space<vmem>>, vector<1x400x128xf32>
    %swap3A_58 = vector.shape_cast %swap3A_57 : vector<1x400x128xf32> to vector<400x128xf32>
    %swap3A_59 = vector.shape_cast %slice3A_53 : vector<400x128xf32> to vector<1x400x128xf32>
    tpu.vector_store %arg8[%swap3A_54, %swap3A_55, %swap3A_56], %swap3A_59 {strides = array<i32>} : memref<2x400x128xf32, #tpu.memory_space<vmem>>, vector<1x400x128xf32>,
    return
  }
  func.func @transform_0(%arg0: i32) -> (i32, i32) {
    %c0_i32 = arith.constant 0 : i32
    %c0_i32_0 = arith.constant 0 : i32
    return %arg0, %c0_i32 : i32, i32
  }
  func.func @transform_1(%arg0: i32) -> (i32, i32) {
    %c0_i32 = arith.constant 0 : i32
    %c0_i32_0 = arith.constant 0 : i32
    %c0_i32_1 = arith.constant 0 : i32
    return %c0_i32, %c0_i32_0 : i32, i32
  }
  func.func @transform_2(%arg0: i32) -> (i32, i32) {
    %c0_i32 = arith.constant 0 : i32
    %c0_i32_0 = arith.constant 0 : i32
    %c0_i32_1 = arith.constant 0 : i32
    return %c0_i32, %c0_i32_0 : i32, i32
  }
  func.func @transform_3(%arg0: i32) -> (i32, i32) {
    %c0_i32 = arith.constant 0 : i32
    %c0_i32_0 = arith.constant 0 : i32
    %c0_i32_1 = arith.constant 0 : i32
    return %c0_i32, %c0_i32_0 : i32, i32
  }
  func.func @transform_4(%arg0: i32) -> (i32, i32) {
    %c0_i32 = arith.constant 0 : i32
    %c0_i32_0 = arith.constant 0 : i32
    %c0_i32_1 = arith.constant 0 : i32
    return %c0_i32, %c0_i32_0 : i32, i32
  }
  func.func @transform_5(%arg0: i32) -> (i32, i32) {
    %c0_i32 = arith.constant 0 : i32
    %c0_i32_0 = arith.constant 0 : i32
    return %arg0, %c0_i32 : i32, i32
  }
  func.func @transform_6(%arg0: i32) -> (i32, i32, i32) {
    %c0_i32 = arith.constant 0 : i32
    %c0_i32_0 = arith.constant 0 : i32
    %c0_i32_1 = arith.constant 0 : i32
    return %c0_i32, %arg0, %c0_i32_0 : i32, i32, i32
  }
  func.func @transform_7(%arg0: i32) -> (i32, i32, i32) {
    %c0_i32 = arith.constant 0 : i32
    %c0_i32_0 = arith.constant 0 : i32
    %c0_i32_1 = arith.constant 0 : i32
    return %c0_i32, %arg0, %c0_i32_0 : i32, i32, i32
  }
}

module attributes {stable_mosaic.version = 14 : i64} {
  func.func @_out_body(%arg0: i32, %arg1: memref<2x400x128xf32, #tpu.memory_space<vmem>>, %arg2: memref<2x400x128xf32, #tpu.memory_space<vmem>>, %arg3: memref<400x1xf32, #tpu.memory_space<vmem>>, %arg4: memref<400x256xf32, #tpu.memory_space<vmem>>, %arg5: memref<400x256xf32, #tpu.memory_space<vmem>>) attributes {dimension_semantics = [#tpu.dimension_semantics<arbitrary>], iteration_bounds = array<i64: 25>, scalar_prefetch = 0 : i64, scratch_operands = 0 : i64, tpu.core_type = #tpu.core_type<tc>, window_params = [{transform_indices = @transform_0, window_bounds = array<i64: 2, 400, 128>}, {transform_indices = @transform_1, window_bounds = array<i64: 2, 400, 128>}, {transform_indices = @transform_2, window_bounds = array<i64: 400, 1>}, {transform_indices = @transform_3, window_bounds = array<i64: 400, 256>}, {transform_indices = @transform_4, window_bounds = array<i64: 400, 256>}]} {
    %get3A = arith.constant 0 : index
    %get3A_0 = arith.constant 0 : index
    %get3A_1 = vector.load %arg3[%get3A, %get3A_0] : memref<400x1xf32, #tpu.memory_space<vmem>>, vector<400x1xf32>
    %rsqrt3A = math.rsqrt %get3A_1 : vector<400x1xf32>
    %get3A_2 = arith.constant 0 : index
    %get3A_3 = arith.constant 0 : index
    %get3A_4 = arith.constant 0 : index
    %get3A_5 = vector.load %arg1[%get3A_2, %get3A_3, %get3A_4] : memref<2x400x128xf32, #tpu.memory_space<vmem>>, vector<2x400x128xf32>
    %get3A_6 = arith.constant 0 : index
    %get3A_7 = arith.constant 0 : index
    %get3A_8 = arith.constant 0 : index
    %get3A_9 = vector.load %arg2[%get3A_6, %get3A_7, %get3A_8] : memref<2x400x128xf32, #tpu.memory_space<vmem>>, vector<2x400x128xf32>
    %slice3A = vector.extract_strided_slice %get3A_5 {offsets = [0, 0, 0], sizes = [1, 400, 128], strides = [1, 1, 1]} : vector<2x400x128xf32> to vector<1x400x128xf32>
    %squeeze3A = vector.shape_cast %slice3A : vector<1x400x128xf32> to vector<400x128xf32>
    %slice3A_10 = vector.extract_strided_slice %get3A_5 {offsets = [1, 0, 0], sizes = [1, 400, 128], strides = [1, 1, 1]} : vector<2x400x128xf32> to vector<1x400x128xf32>
    %squeeze3A_11 = vector.shape_cast %slice3A_10 : vector<1x400x128xf32> to vector<400x128xf32>
    %concatenate3A = tpu.concatenate %squeeze3A, %squeeze3A_11 in 1 : vector<400x128xf32>, vector<400x128xf32> -> vector<400x256xf32>
    %mul3A = vector.broadcast %rsqrt3A : vector<400x1xf32> to vector<400x256xf32>
    %mul3A_12 = arith.mulf %concatenate3A, %mul3A : vector<400x256xf32>
    %swap3A = arith.constant 0 : index
    %swap3A_13 = arith.constant 0 : index
    %swap3A_14 = vector.load %arg5[%swap3A, %swap3A_13] : memref<400x256xf32, #tpu.memory_space<vmem>>, vector<400x256xf32>
    tpu.vector_store %arg5[%swap3A, %swap3A_13], %mul3A_12 {strides = array<i32>} : memref<400x256xf32, #tpu.memory_space<vmem>>, vector<400x256xf32>,
    %slice3A_15 = vector.extract_strided_slice %get3A_9 {offsets = [0, 0, 0], sizes = [1, 400, 128], strides = [1, 1, 1]} : vector<2x400x128xf32> to vector<1x400x128xf32>
    %squeeze3A_16 = vector.shape_cast %slice3A_15 : vector<1x400x128xf32> to vector<400x128xf32>
    %slice3A_17 = vector.extract_strided_slice %get3A_9 {offsets = [1, 0, 0], sizes = [1, 400, 128], strides = [1, 1, 1]} : vector<2x400x128xf32> to vector<1x400x128xf32>
    %squeeze3A_18 = vector.shape_cast %slice3A_17 : vector<1x400x128xf32> to vector<400x128xf32>
    %concatenate3A_19 = tpu.concatenate %squeeze3A_16, %squeeze3A_18 in 1 : vector<400x128xf32>, vector<400x128xf32> -> vector<400x256xf32>
    %mul3A_20 = vector.broadcast %rsqrt3A : vector<400x1xf32> to vector<400x256xf32>
    %mul3A_21 = arith.mulf %concatenate3A_19, %mul3A_20 : vector<400x256xf32>
    %swap3A_22 = arith.constant 0 : index
    %swap3A_23 = arith.constant 0 : index
    %swap3A_24 = vector.load %arg4[%swap3A_22, %swap3A_23] : memref<400x256xf32, #tpu.memory_space<vmem>>, vector<400x256xf32>
    tpu.vector_store %arg4[%swap3A_22, %swap3A_23], %mul3A_21 {strides = array<i32>} : memref<400x256xf32, #tpu.memory_space<vmem>>, vector<400x256xf32>,
    return
  }
  func.func @transform_0(%arg0: i32) -> (i32, i32, i32) {
    %c0_i32 = arith.constant 0 : i32
    %c0_i32_0 = arith.constant 0 : i32
    %c0_i32_1 = arith.constant 0 : i32
    return %c0_i32, %arg0, %c0_i32_0 : i32, i32, i32
  }
  func.func @transform_1(%arg0: i32) -> (i32, i32, i32) {
    %c0_i32 = arith.constant 0 : i32
    %c0_i32_0 = arith.constant 0 : i32
    %c0_i32_1 = arith.constant 0 : i32
    return %c0_i32, %arg0, %c0_i32_0 : i32, i32, i32
  }
  func.func @transform_2(%arg0: i32) -> (i32, i32) {
    %c0_i32 = arith.constant 0 : i32
    %c0_i32_0 = arith.constant 0 : i32
    return %arg0, %c0_i32 : i32, i32
  }
  func.func @transform_3(%arg0: i32) -> (i32, i32) {
    %c0_i32 = arith.constant 0 : i32
    %c0_i32_0 = arith.constant 0 : i32
    return %arg0, %c0_i32 : i32, i32
  }
  func.func @transform_4(%arg0: i32) -> (i32, i32) {
    %c0_i32 = arith.constant 0 : i32
    %c0_i32_0 = arith.constant 0 : i32
    return %arg0, %c0_i32 : i32, i32
  }
}

</mosaic_0001>

<sc_bundles>
// kernel: kernel.6.cloned.1.call-start
scs
__scs_entry_jumppad:
0x0: {  	(pc) =	sbr.rel $0x88, $3  }
0x1: {  	(tag) =	ssettag $0x0;
	lr =	simm.s32 $0x1  }
0x2: {  	[smem:$0x3F9B] =	sst lr;
	_ =	strace $0xD0000000  }
0x3: {  	_ = 	snop  }
0x4: {  	_ = 	snop  }
0x5: {  	_ = 	snop  }
0x6: {  	_ = 	snop  }
0x7: {  	_ = 	snop  }
__scs_overlays_trampoline_lowered:
0x8: {  	[smem:$0x3FAA] =	sst s0  }
0x9: {  	[smem:$0x3FAB] =	sst s1  }
0xa: {  	[smem:$0x3FAC] =	sst s2  }
0xb: {  	[smem:$0x3FAD] =	sst s3  }
0xc: {  	[smem:$0x3FAE] =	sst s4  }
0xd: {  	[smem:$0x3FAF] =	sst s5  }
0xe: {  	[smem:$0x3FB0] =	sst s6  }
0xf: {  	[smem:$0x3FB1] =	sst s7  }
0x10: {  	[smem:$0x3FB2] =	sst s8  }
0x11: {  	[smem:$0x3FB3] =	sst s9;
	s0 =	simm.s32 @!p0 $0x0  }
0x12: {  	s1 =	sld [smem:$0x3F99];
	s0 =	simm.s32 @p0 $0x1  }
0x13: {  	[smem:$0x3FB4] =	sst s0;
	s0 =	simm.s32 @!p1 $0x0  }
0x14: {  	s2 =	sld [smem:$0x3F98];
	s0 =	simm.s32 @p1 $0x1  }
0x15: {  	[smem:$0x3FB5] =	sst s0;
	s0 =	simm.s32 @!p2 $0x0  }
0x16: {  	s3 =	sld [smem:$0x3FDB];
	s0 =	simm.s32 @p2 $0x1  }
0x17: {  	s4 =	simm.s32 $0x1BF5;
	[smem:$0x3FB7] =	sst s0  }
0x18: {  	s0 =	sld [smem:$0x3F9A];
	_ =	swait.ge [sflag:s4], $0x0  }
0x19: {  	s7 =	sld [smem:$0x3F9B]  }
0x1a: {  	s8 =	sadd.s32 $0xFFFFE003, lr  }
0x1b: {  	s9 =	sadd.s32 $0xFFFFFEF7, lr;
	s5 =	simm.s32 $0xFFFFFFFF;
	p2 =	slt.u32 s8, $0xFFFFF086  }
0x1c: {  	p1 =	slt.u32 s9, $0xF7A;
	s5 =	simm.s32 @!p2 $0x0  }
0x1d: {  	s5 =	simm.s32 @p1 $0x1;
	p0 =	seq.s32 s7, s2  }
0x1e: {  	s7 =	smul.u32 @!p0 $0xF7A, s2;
	p2 =	seq.s32 @!p0 s5, $0x0  }
0x1f: {  	s9 =	smul.u32 $0xF7A, s1;
	s8 =	simm.s32 @!p0 $0x1BF5;
	p2 =	por !p2, p0  }
0x20: {  	[sflag:s8] =	ssyncset.s32 @!p0 $0xFFFFF086;
	s6 =	sadd.s32 @!p0 s3, s7;
	s7 =	simm.s32 @!p0 $0x108  }
0x21: {  	s3 =	sadd.s32 s3, s9;
	s6 =	sadd.s32 @!p0 $0x88, s6;
	s7 =	simm.s32 @p2 $0x1082  }
0x22: {  	[simem:s7], [sflag:s8] =	dma.local @!p0 [hbm:s6], $0xF7A  }
0x23: {  	s9 =	sor.u32 $0xD0000000, s2;
	s6 =	simm.s32 $0x108;
	_ =	swait.ge @!p0 [sflag:s8], $0x0  }
0x24: {  	s3 =	sadd.s32 $0x88, s3;
	s6 =	simm.s32 @!p1 $0x1082;
	[sflag:s4] =	ssyncset.s32 $0xFFFFF086  }
0x25: {  	[simem:s6], [sflag:s4] =	dma.local [hbm:s3], $0xF7A  }
0x26: {  	[smem:$0x3F9B] =	sst s1;
	(tag) =	ssettag s2;
	_ =	strace s9  }
0x27: {  	s1 =	sld [smem:$0x3FAB]  }
0x28: {  	s2 =	sld [smem:$0x3FAC]  }
0x29: {  	s4 =	sld [smem:$0x3FAE]  }
0x2a: {  	p0 =	seq.s32 s5, $0x0;
	s5 =	sld [smem:$0x3FAF]  }
0x2b: {  	s6 =	sld [smem:$0x3FB0]  }
0x2c: {  	s7 =	sld [smem:$0x3FB1]  }
0x2d: {  	s3 =	simm.s32 $0x108;
	s8 =	sld [smem:$0x3FB2]  }
0x2e: {  	s3 =	simm.s32 @!p0 $0x1082;
	s9 =	sld [smem:$0x3FB3]  }
0x2f: {  	lr =	sadd.s32 s0, s3;
	s0 =	sld [smem:$0x3FAA]  }
0x30: {  	s3 =	sld [smem:$0x3FAD]  }
0x31: {  	[smem:$0x3FB6] =	sst s10  }
0x32: {  	s10 =	sld [smem:$0x3FB4];
	_ =	sdelay $0x3  }
0x33: {  	p0 =	seq.s32 s10, $0x1;
	s10 =	sld [smem:$0x3FB6];
	_ =	sdelay $0x3  }
0x34: {  	[smem:$0x3FB6] =	sst s10  }
0x35: {  	s10 =	sld [smem:$0x3FB5];
	_ =	sdelay $0x3  }
0x36: {  	p1 =	seq.s32 s10, $0x1;
	s10 =	sld [smem:$0x3FB6];
	_ =	sdelay $0x3  }
0x37: {  	[smem:$0x3FB6] =	sst s10  }
0x38: {  	s10 =	sld [smem:$0x3FB7]  }
0x39: {  	_ = 	snop;
	(pc) =	sbr.ind lr, $3  }
0x3a: {  	_ = 	snop  }
0x3b: {  	_ = 	snop  }
0x3c: {  	p2 =	seq.s32 s10, $0x1;
	s10 =	sld [smem:$0x3FB6]  }
0x3d: {  	_ =	shalt  }
0x3e: {  	_ =	shalt  }
0x3f: {  	_ =	shalt  }
0x40: {  	_ =	shalt  }
0x41: {  	_ =	shalt  }
0x42: {  	_ =	shalt  }
0x43: {  	_ =	shalt  }
0x44: {  	_ =	shalt  }
0x45: {  	_ =	shalt  }
0x46: {  	_ =	shalt  }
0x47: {  	_ =	shalt  }
0x48: {  	_ =	shalt  }
0x49: {  	_ =	shalt  }
0x4a: {  	_ =	shalt  }
0x4b: {  	_ =	shalt  }
0x4c: {  	_ =	shalt  }
0x4d: {  	_ =	shalt  }
0x4e: {  	_ =	shalt  }
0x4f: {  	_ =	shalt  }
0x50: {  	_ =	shalt  }
0x51: {  	_ =	shalt  }
0x52: {  	_ =	shalt  }
0x53: {  	_ =	shalt  }
0x54: {  	_ =	shalt  }
0x55: {  	_ =	shalt  }
0x56: {  	_ =	shalt  }
0x57: {  	_ =	shalt  }
0x58: {  	_ =	shalt  }
0x59: {  	_ =	shalt  }
0x5a: {  	_ =	shalt  }
0x5b: {  	_ =	shalt  }
0x5c: {  	_ =	shalt  }
0x5d: {  	_ =	shalt  }
0x5e: {  	_ =	shalt  }
0x5f: {  	_ =	shalt  }
0x60: {  	_ =	shalt  }
0x61: {  	_ =	shalt  }
0x62: {  	_ =	shalt  }
0x63: {  	_ =	shalt  }
0x64: {  	_ =	shalt  }
0x65: {  	_ =	shalt  }
0x66: {  	_ =	shalt  }
0x67: {  	_ =	shalt  }
0x68: {  	_ =	shalt  }
0x69: {  	_ =	shalt  }
0x6a: {  	_ =	shalt  }
0x6b: {  	_ =	shalt  }
0x6c: {  	_ =	shalt  }
0x6d: {  	_ =	shalt  }
0x6e: {  	_ =	shalt  }
0x6f: {  	_ =	shalt  }
0x70: {  	_ =	shalt  }
0x71: {  	_ =	shalt  }
0x72: {  	_ =	shalt  }
0x73: {  	_ =	shalt  }
0x74: {  	_ =	shalt  }
0x75: {  	_ =	shalt  }
0x76: {  	_ =	shalt  }
0x77: {  	_ =	shalt  }
0x78: {  	_ =	shalt  }
0x79: {  	_ =	shalt  }
0x7a: {  	_ =	shalt  }
0x7b: {  	_ =	shalt  }
0x7c: {  	_ =	shalt  }
0x7d: {  	_ =	shalt  }
0x7e: {  	_ =	shalt  }
0x7f: {  	_ =	shalt  }
0x80: {  	_ =	shalt  }
0x81: {  	_ =	shalt  }
0x82: {  	_ =	shalt  }
0x83: {  	_ =	shalt  }
0x84: {  	_ =	shalt  }
0x85: {  	_ =	shalt  }
0x86: {  	_ =	shalt  }
0x87: {  	_ =	shalt  }
.Lfunc_end0:
.L_simem_size_0:
called_computation_lowered:
.L_overlay_start_0:
0x88: {  	s2 =	sld [smem:$0x3FD9]  }
0x89: {  	s3 =	sld [smem:$0x3FFE];
	_ =	sdelay $0x1  }
0x8a: {  	s1 =	srdreg.scid  }
0x8b: {  	s0 =	sand.u32 $0x1, s1  }
0x8c: {  	s14 =	sshll.u32 s0, $0xA;
	s2 =	sadd.s32 s3, s2  }
0x8d: {  	s2 =	sadd.s32 s2, s14  }
0x8e: {  	[smem:$0x3FC2] =	sst s2  }
0x8f: {  	_ = 	snop  }
0x90: {  	s2 =	sld [smem:$0x3FD0];
	_ =	sdelay $0x2  }
0x91: {  	s15 =	simm.s32 $0xA;
	s4 =	simm.s32 $0x10  }
0x92: {  	[smem:s4], [sflag:s15] =	dma.local [hbm:s2], $0x1  }
0x93: {  	_ =	swait.eq [sflag:s15], $0x1  }
0x94: {  	[sflag:s15] =	ssyncset.done $0x0  }
0x95: {  	s16 =	sld [smem:$0x10];
	[sflag:s15] =	ssyncadd.s32 $0xFFFFFFFF  }
0x96: {  	s17 =	sld [smem:$0x11];
	(tm) =	ssettm $0x1  }
0x97: {  	s18 =	sld [smem:$0x3FFB];
	_ =	sdelay $0x3  }
0x98: {  	_ =	strace s18  }
0x99: {  	s4 =	sld [smem:$0x3FFC];
	_ =	sdelay $0x3  }
0x9a: {  	_ =	strace s4  }
0x9b: {  	s4 =	sld [smem:$0x3FFD];
	_ =	sdelay $0x3  }
0x9c: {  	_ =	strace s4  }
0x9d: {  	_ =	strace $0x8FFFFFFF  }
0x9e: {  	s19 =	sld [smem:$0x3FDB];
	_ =	sdelay $0x1  }
0x9f: {  	s5 =	simm.s32 $_scs_section_size  }
0xa0: {  	s6 =	simm.s32 $_size__tile_overlayer_lowered;
	s7 =	simm.s32 $_tile_overlayer_lowered  }
0xa1: {  	s22 =	simm.s32 $0x1BFF;
	s21 =	sshll.u32 s7, $0x1;
	s4 =	sadd.s32 s5, s19  }
0xa2: {  	s8 =	simm.s32 $0x0;
	s20 =	sshll.u32 s6, $0x1;
	s6 =	sadd.s32 s21, s4  }
0xa3: {  	[timem:s8], [sflag:s22] =	dma.local [hbm:s6], s20  }
0xa4: {  	_ =	swait.ge [sflag:s22], s20  }
0xa5: {  	s5 =	ssub.s32 $0x0, s20;
	[sflag:s22] =	ssyncset.done $0x0  }
0xa6: {  	[sflag:s22] =	ssyncadd.s32 s5;
	_ =	sdelay $0x1  }
0xa7: {  	s23 =	simm.s32 $0x1B8B  }
0xa8: {  	_ =	swait.ge [sflag:s23], $0x1  }
0xa9: {  	[sflag:s23] =	ssyncset.done $0x0  }
0xaa: {  	s25 =	simm.s32 $0x1B8E;
	s24 =	sld [smem:$0x3FFE];
	[sflag:s23] =	ssyncadd.s32 $0xFFFFFFFF  }
0xab: {  	s26 =	simm.s32 $execute0_lowered;
	[smem:$0x3FD2] =	sst s25  }
0xac: {  	s6 =	sshll.u32 s26, $0x1;
	_ =	strace $0x80000046;
	[dreg:$0x1] =	wrdreg $0xFFFFFFFF  }
0xad: {  	s28 =	simm.s32 $_size_execute0_lowered;
	s4 =	sadd.s32 s4, s6;
	[dreg:$0x0] =	wrdreg $0x0  }
0xae: {  	s6 =	sshll.u32 s28, $0x1;
	[dreg:$0x2] =	wrdreg s4  }
0xaf: {  	[dreg:$0x3] =	wrdreg s6  }
0xb0: {  	[dreg:$0x4] =	wrdreg $0xC0  }
0xb1: {  	_ =	task [dreg:s8], $0x5FFFF  }
0xb2: {  	[dreg:$0x1] =	wrdreg $0xFFFFFFFF  }
0xb3: {  	[dreg:$0x0] =	wrdreg $0x60  }
0xb4: {  	[dreg:$0x2] =	wrdreg s17  }
0xb5: {  	[dreg:$0x3] =	wrdreg s16  }
0xb6: {  	[dreg:$0x4] =	wrdreg s24  }
0xb7: {  	[dreg:$0x5] =	wrdreg $0x3E800  }
0xb8: {  	[dreg:$0x6] =	wrdreg $0x9  }
0xb9: {  	_ =	task.clear_ibuf [dreg:s8], $0x7FFFF;
	_ =	strace $0x90000046  }
0xba: {  	s29 =	simm.s32 $0x9;
	_ =	strace $0x80000048  }
0xbb: {  	_ =	swait.ge [sflag:s29], $0x1  }
0xbc: {  	[sflag:s29] =	ssyncadd.s32 $0xFFFFFFFF  }
0xbd: {  	_ =	strace $0x90000048  }
0xbe: {  	_ =	sfence  }
0xbf: {  	s30 =	sld [smem:$0x0];
	_ =	sdelay $0x2  }
0xc0: {  	s31 =	sshll.u32 s1, $0xD;
	s1 =	sshrl.u32 s1, $0x2  }
0xc1: {  	s3 =	sand.u32 $0x4000, s31;
	s1 =	sadd.s32 s1, s30  }
0xc2: {  	s0 =	sor.u32 s3, s0;
	s1 =	sshll.u32 s1, $0x11  }
0xc3: {  	s0 =	sor.u32 s1, s0  }
0xc4: {  	s0 =	sadd.s32 $0x8F2B, s0  }
0xc5: {  	[sflag:s0] =	ssyncadd.remote.s32 $0x1  }
0xc6: {  	_ =	sfence.sel $0xFFFF  }
0xc7: {  	[dreg:$0x0] =	wrdreg $0xFFFFFFFF;
	(pc) =	sbr.abs _section_cstart, $3  }
0xc8: {  	[dreg:$0x1] =	wrdreg $0xFFFFFFFF  }
0xc9: {  	_ =	task.clear_ibuf [dreg:s8], $0x2FFFF;
	_ =	strace $0x9FFFFFFF  }
0xca: {  	(tm) =	ssettm $0x7FFFFFFF  }
0xcb: {  	_ =	shalt  }
tec
execute0_lowered:
.L_overlay_start_1:
0x0: {  	(tag) =	ssettag $0x1  }
0x1: {  	s6 =	rddreg [dreg:$0x0]  }
0x2: {  	s1 =	rddreg [dreg:$0x1]  }
0x3: {  	s5 =	rddreg [dreg:$0x2]  }
0x4: {  	s2 =	rddreg [dreg:$0x3]  }
0x5: {  	s0 =	rddreg [dreg:$0x4];
	s4 =	simm.s32 $0x0;
	s7 =	srdreg.scid  }
0x6: {  	s3 =	stileid.u32;
	s12 =	simm.s32 $0x1400;
	[smem:$0x7FF] =	sst s4  }
0x7: {  	s8 =	sand.u32 $0x1, s7;
	s9 =	sshll.u32 s3, $0x1;
	s11 =	smul.u32 $0xA00, s3  }
0x8: {  	s5 =	sadd.s32 $0x1600, s5;
	p0 =	seq.s32 s3, $0x0;
	_ =	strace $0x80000047  }
0x9: {  	s7 =	ssub.s32 $0x2, s8;
	s9 =	sor.u32 s8, s9;
	p1 =	seq.s32 s8, $0x1  }
0xa: {  	s13 =	sor.u32 s8, s3;
	s10 =	sshrl.u32 s7, $0x1;
	s30 =	smul.u32 $0x280, s9  }
0xb: {  	s31 =	sshrl.u32 s11, $0x2;
	p0 =	por !p0, !p1;
	s9 =	simm.s32 $0x1  }
0xc: {  	s11 =	simm.s32 $0x80;
	p1 =	sne.s32 s13, $0x0;
	s13 =	simm.s32 $0x0  }
0xd: {  	s10 =	ssub.s32 s7, s10;
	s7 =	sadd.s32 s31, s2;
	p0 =	por !p0, !p0  }
0xe: {  	v0 =	vimm.f32 $1.000000000e+00;
	v1 =	vimm.f32 $0.0e+00;
	s6 =	sadd.s32 s6, s30;
	s8 =	smax.u32 s10, $0x1;
	s10 =	simm.s32 $0x1480  }
.LBB2_1:
0xf: {  	[tilespmem:s4], [sflag:$0x1] =	stream.linear.gather [hbm4b:s6+s4], $0x1400, $0x38;
	[tilespmem:$0x4380] =	vst v63  }
0x10: {  	_ =	swait.ge [sflag:s9], $0x1400  }
0x11: {  	[sflag:s9] =	ssyncset.done $0x0  }
0x12: {  	[sflag:s9] =	ssyncadd.s32 $0xFFFFEC00  }
0x13: {  	[tilespmem:$0x1400] =	vst v0  }
0x14: {  	[tilespmem:$0x1410] =	vst v0  }
0x15: {  	[tilespmem:$0x1420] =	vst v0  }
0x16: {  	[tilespmem:$0x1430] =	vst v0  }
0x17: {  	[tilespmem:$0x1440] =	vst v0  }
0x18: {  	[tilespmem:$0x1450] =	vst v0  }
0x19: {  	[tilespmem:$0x1460] =	vst v0  }
0x1a: {  	[tilespmem:$0x1470] =	vst v0  }
0x1b: {  	[tilespmem:$0x1480] =	vst v1  }
0x1c: {  	[tilespmem:$0x1490] =	vst v1  }
0x1d: {  	[tilespmem:$0x14A0] =	vst v1  }
0x1e: {  	[tilespmem:$0x14B0] =	vst v1  }
0x1f: {  	[tilespmem:$0x14C0] =	vst v1  }
0x20: {  	[tilespmem:$0x14D0] =	vst v1  }
0x21: {  	[tilespmem:$0x14E0] =	vst v1  }
0x22: {  	[tilespmem:$0x14F0] =	vst v1  }
0x23: {  	[tilespmem:$0x1500] =	vst v1  }
0x24: {  	[tilespmem:$0x1510] =	vst v1  }
0x25: {  	[tilespmem:$0x1520] =	vst v1  }
0x26: {  	[tilespmem:$0x1530] =	vst v1  }
0x27: {  	[tilespmem:$0x1540] =	vst v1  }
0x28: {  	[tilespmem:$0x1550] =	vst v1  }
0x29: {  	[tilespmem:$0x1560] =	vst v1  }
0x2a: {  	[tilespmem:$0x1570] =	vst v1  }
0x2b: {  	[tilespmem:$0x1580] =	vst v1  }
0x2c: {  	[tilespmem:$0x1590] =	vst v1  }
0x2d: {  	[tilespmem:$0x15A0] =	vst v1  }
0x2e: {  	[tilespmem:$0x15B0] =	vst v1  }
0x2f: {  	[tilespmem:$0x15C0] =	vst v1  }
0x30: {  	[tilespmem:$0x15D0] =	vst v1  }
0x31: {  	[tilespmem:$0x15E0] =	vst v1  }
0x32: {  	[tilespmem:$0x15F0] =	vst v1  }
0x33: {  	[tilespmem:$0x1600] =	vst v1  }
0x34: {  	[tilespmem:$0x1610] =	vst v1  }
0x35: {  	[tilespmem:$0x1620] =	vst v1  }
0x36: {  	[tilespmem:$0x1630] =	vst v1  }
0x37: {  	[tilespmem:$0x1640] =	vst v1  }
0x38: {  	[tilespmem:$0x1650] =	vst v1  }
0x39: {  	[tilespmem:$0x1660] =	vst v1  }
0x3a: {  	[tilespmem:$0x1670] =	vst v1  }
0x3b: {  	[tilespmem:$0x1680] =	vst v1  }
0x3c: {  	[tilespmem:$0x1690] =	vst v1  }
0x3d: {  	[tilespmem:$0x16A0] =	vst v1  }
0x3e: {  	[tilespmem:$0x16B0] =	vst v1  }
0x3f: {  	[tilespmem:$0x16C0] =	vst v1  }
0x40: {  	[tilespmem:$0x16D0] =	vst v1  }
0x41: {  	[tilespmem:$0x16E0] =	vst v1  }
0x42: {  	[tilespmem:$0x16F0] =	vst v1  }
0x43: {  	[spmem:s7] =	stream.linear.scatter [tilespmem:s10], [sflag:$0x1], $0x280, $0x38;
	[tilespmem:$0x4380] =	vst v63  }
0x44: {  	_ =	swait.ge [sflag:s9], $0x280  }
0x45: {  	[sflag:s9] =	ssyncset.done $0x0  }
0x46: {  	[sflag:s9] =	ssyncadd.s32 $0xFFFFFD80  }
0x47: {  	s14 =	simm.s32 $0x0;
	[bflag:$0x0] =	sbarrier.arrive $0xFFFF  }
0x48: {  	[spmem:s2] =	stream.indirect.scatter.add.f32 [tilespmem:s12], [sflag:$0x1], $0x1, s14, s11, $0xb8;
	[tilespmem:$0x4380] =	vst v63  }
0x49: {  	_ =	swait.ge [sflag:s9], $0x80  }
0x4a: {  	s14 =	simm.s32 $0x200;
	[sflag:s9] =	ssyncset.done $0x0  }
.LBB2_2:
0x4b: {  	s15 =	sshra.s32 s14, $0x2;
	[sflag:s9] =	ssyncadd.s32 $0xFFFFFF80;
	p2 =	sne.s32 s14, $0x4E00  }
0x4c: {  	[spmem:s2] =	stream.indirect.scatter.add.f32 [tilespmem:s12], [sflag:$0x1], $0x1, s15, s11, $0xb8;
	[tilespmem:$0x4380] =	vst v63  }
.Ltmp0:
0x4d: {  	_ = 	snop;
	(pc) =	sbr.rel @p2 .LBB2_2-.Ltmp0, $4  }
0x4e: {  	_ = 	snop  }
0x4f: {  	s14 =	sadd.s32 $0x200, s14  }
0x50: {  	_ =	swait.ge [sflag:s9], $0x80  }
0x51: {  	[sflag:s9] =	ssyncset.done $0x0  }
0x52: {  	[sflag:s9] =	ssyncadd.s32 $0xFFFFFF80  }
0x53: {  	s14 =	simm.s32 @!p1 $0x1700;
	s15 =	simm.s32 @!p1 $0x1;
	[bflag:$0x0] =	sbarrier.arrive $0xFFFF  }
0x54: {  	[tilespmem:s14], [sflag:$0x1] =	stream.linear.gather @!p1 [spmem:s2], $0x2710, $0x38;
	[tilespmem:$0x4380] =	vst v63  }
0x55: {  	_ =	swait.ge @!p1 [sflag:s15], $0x2710  }
0x56: {  	[sflag:s15] =	ssyncset.done @!p1 $0x0  }
0x57: {  	s16 =	simm.s32 @!p1 $0x0;
	[sflag:s15] =	ssyncadd.s32 @!p1 $0xFFFFD8F0  }
0x58: {  	[hbm4b:s1+s16] =	stream.linear.scatter @!p1 [tilespmem:s14], [sflag:$0x1], $0x2780, $0x38;
	[tilespmem:$0x4380] =	vst v63  }
0x59: {  	_ =	swait.ge @!p1 [sflag:s15], $0x2780  }
0x5a: {  	[sflag:s15] =	ssyncset.done @!p1 $0x0  }
0x5b: {  	s14 =	simm.s32 @p0 $0x1700;
	[sflag:s15] =	ssyncadd.s32 @!p1 $0xFFFFD880;
	s15 =	simm.s32 @p0 $0x1  }
0x5c: {  	[tilespmem:s14], [sflag:$0x1] =	stream.linear.gather @p0 [spmem:s2], $0x2710, $0x38;
	[tilespmem:$0x4380] =	vst v63  }
0x5d: {  	s13 =	sadd.s32 $0x1, s13;
	_ =	swait.ge @p0 [sflag:s15], $0x2710  }
0x5e: {  	p2 =	sne.s32 s13, s8;
	[sflag:s15] =	ssyncset.done @p0 $0x0  }
.Ltmp1:
0x5f: {  	s16 =	simm.s32 @p0 $0x0;
	[sflag:s15] =	ssyncadd.s32 @p0 $0xFFFFD8F0;
	(pc) =	sbr.rel @p2 .LBB2_1-.Ltmp1, $4  }
0x60: {  	[hbm4b:s5+s16] =	stream.linear.scatter @p0 [tilespmem:s14], [sflag:$0x1], $0x2780, $0x38;
	[tilespmem:$0x4380] =	vst v63  }
0x61: {  	_ =	swait.ge @p0 [sflag:s15], $0x2780  }
0x62: {  	[sflag:s15] =	ssyncset.done @p0 $0x0  }
0x63: {  	[sflag:s15] =	ssyncadd.s32 @p0 $0xFFFFD880  }
0x64: {  	_ =	sfence.sel $0x180000  }
0x65: {  	[bflag:$0x0] =	sbarrier.arrive $0xFFFF  }
0x66: {  	p0 =	sne.s32 s3, $0x0;
	_ =	strace $0x90000047  }
0x67: {  	s0 =	sadd.s32 @!p0 $0x100000, s0;
	[bflag:$0x2] =	sbarrier.arrive $0xFFFF  }
0x68: {  	[sflag:s0] =	ssyncadd.tile.s32 @!p0 $0x1;
	_ =	shalt  }
.Lfunc_end2:
_tile_overlayer_lowered:
.L_overlay_start_2:
0x69: {  	(tag) =	ssettag $0x2  }
0x6a: {  	s0 =	rddreg [dreg:$0x0];
	s2 =	stileid.u32  }
0x6b: {  	s1 =	rddreg [dreg:$0x1];
	p0 =	sne.s32 s2, $0x0  }
0x6c: {  	s3 =	rddreg [dreg:$0x2];
	[bflag:$0x3] =	sbarrier.arrive $0xFFFF;
	s2 =	simm.s32 @!p0 $0x1C01  }
0x6d: {  	[timem:s3], [sflag:s2] =	dma.local @!p0 [hbm:s0], s1  }
0x6e: {  	s0 =	simm.s32 @!p0 $0x1  }
0x6f: {  	_ =	swait.ge @!p0 [sflag:s0], s1  }
0x70: {  	s1 =	ssub.s32 @!p0 $0x0, s1;
	[sflag:s0] =	ssyncset.done @!p0 $0x0  }
0x71: {  	[sflag:s0] =	ssyncadd.s32 @!p0 s1  }
0x72: {  	[bflag:$0x3] =	sbarrier.arrive $0xFFFF  }
0x73: {  	_ =	shalt  }

// kernel: kernel.9.cloned.1.call-start
scs
__scs_entry_jumppad:
0x0: {  	(pc) =	sbr.rel $0x88, $3  }
0x1: {  	(tag) =	ssettag $0x0;
	lr =	simm.s32 $0x1  }
0x2: {  	[smem:$0x3F9B] =	sst lr;
	_ =	strace $0xD0000000  }
0x3: {  	_ = 	snop  }
0x4: {  	_ = 	snop  }
0x5: {  	_ = 	snop  }
0x6: {  	_ = 	snop  }
0x7: {  	_ = 	snop  }
__scs_overlays_trampoline_lowered:
0x8: {  	[smem:$0x3FAA] =	sst s0  }
0x9: {  	[smem:$0x3FAB] =	sst s1  }
0xa: {  	[smem:$0x3FAC] =	sst s2  }
0xb: {  	[smem:$0x3FAD] =	sst s3  }
0xc: {  	[smem:$0x3FAE] =	sst s4  }
0xd: {  	[smem:$0x3FAF] =	sst s5  }
0xe: {  	[smem:$0x3FB0] =	sst s6  }
0xf: {  	[smem:$0x3FB1] =	sst s7  }
0x10: {  	[smem:$0x3FB2] =	sst s8  }
0x11: {  	[smem:$0x3FB3] =	sst s9;
	s0 =	simm.s32 @!p0 $0x0  }
0x12: {  	s1 =	sld [smem:$0x3F99];
	s0 =	simm.s32 @p0 $0x1  }
0x13: {  	[smem:$0x3FB4] =	sst s0;
	s0 =	simm.s32 @!p1 $0x0  }
0x14: {  	s2 =	sld [smem:$0x3F98];
	s0 =	simm.s32 @p1 $0x1  }
0x15: {  	[smem:$0x3FB5] =	sst s0;
	s0 =	simm.s32 @!p2 $0x0  }
0x16: {  	s3 =	sld [smem:$0x3FDB];
	s0 =	simm.s32 @p2 $0x1  }
0x17: {  	s4 =	simm.s32 $0x1BF5;
	[smem:$0x3FB7] =	sst s0  }
0x18: {  	s0 =	sld [smem:$0x3F9A];
	_ =	swait.ge [sflag:s4], $0x0  }
0x19: {  	s7 =	sld [smem:$0x3F9B]  }
0x1a: {  	s8 =	sadd.s32 $0xFFFFE003, lr  }
0x1b: {  	s9 =	sadd.s32 $0xFFFFFEF7, lr;
	s5 =	simm.s32 $0xFFFFFFFF;
	p2 =	slt.u32 s8, $0xFFFFF086  }
0x1c: {  	p1 =	slt.u32 s9, $0xF7A;
	s5 =	simm.s32 @!p2 $0x0  }
0x1d: {  	s5 =	simm.s32 @p1 $0x1;
	p0 =	seq.s32 s7, s2  }
0x1e: {  	s7 =	smul.u32 @!p0 $0xF7A, s2;
	p2 =	seq.s32 @!p0 s5, $0x0  }
0x1f: {  	s9 =	smul.u32 $0xF7A, s1;
	s8 =	simm.s32 @!p0 $0x1BF5;
	p2 =	por !p2, p0  }
0x20: {  	[sflag:s8] =	ssyncset.s32 @!p0 $0xFFFFF086;
	s6 =	sadd.s32 @!p0 s3, s7;
	s7 =	simm.s32 @!p0 $0x108  }
0x21: {  	s3 =	sadd.s32 s3, s9;
	s6 =	sadd.s32 @!p0 $0x88, s6;
	s7 =	simm.s32 @p2 $0x1082  }
0x22: {  	[simem:s7], [sflag:s8] =	dma.local @!p0 [hbm:s6], $0xF7A  }
0x23: {  	s9 =	sor.u32 $0xD0000000, s2;
	s6 =	simm.s32 $0x108;
	_ =	swait.ge @!p0 [sflag:s8], $0x0  }
0x24: {  	s3 =	sadd.s32 $0x88, s3;
	s6 =	simm.s32 @!p1 $0x1082;
	[sflag:s4] =	ssyncset.s32 $0xFFFFF086  }
0x25: {  	[simem:s6], [sflag:s4] =	dma.local [hbm:s3], $0xF7A  }
0x26: {  	[smem:$0x3F9B] =	sst s1;
	(tag) =	ssettag s2;
	_ =	strace s9  }
0x27: {  	s1 =	sld [smem:$0x3FAB]  }
0x28: {  	s2 =	sld [smem:$0x3FAC]  }
0x29: {  	s4 =	sld [smem:$0x3FAE]  }
0x2a: {  	p0 =	seq.s32 s5, $0x0;
	s5 =	sld [smem:$0x3FAF]  }
0x2b: {  	s6 =	sld [smem:$0x3FB0]  }
0x2c: {  	s7 =	sld [smem:$0x3FB1]  }
0x2d: {  	s3 =	simm.s32 $0x108;
	s8 =	sld [smem:$0x3FB2]  }
0x2e: {  	s3 =	simm.s32 @!p0 $0x1082;
	s9 =	sld [smem:$0x3FB3]  }
0x2f: {  	lr =	sadd.s32 s0, s3;
	s0 =	sld [smem:$0x3FAA]  }
0x30: {  	s3 =	sld [smem:$0x3FAD]  }
0x31: {  	[smem:$0x3FB6] =	sst s10  }
0x32: {  	s10 =	sld [smem:$0x3FB4];
	_ =	sdelay $0x3  }
0x33: {  	p0 =	seq.s32 s10, $0x1;
	s10 =	sld [smem:$0x3FB6];
	_ =	sdelay $0x3  }
0x34: {  	[smem:$0x3FB6] =	sst s10  }
0x35: {  	s10 =	sld [smem:$0x3FB5];
	_ =	sdelay $0x3  }
0x36: {  	p1 =	seq.s32 s10, $0x1;
	s10 =	sld [smem:$0x3FB6];
	_ =	sdelay $0x3  }
0x37: {  	[smem:$0x3FB6] =	sst s10  }
0x38: {  	s10 =	sld [smem:$0x3FB7]  }
0x39: {  	_ = 	snop;
	(pc) =	sbr.ind lr, $3  }
0x3a: {  	_ = 	snop  }
0x3b: {  	_ = 	snop  }
0x3c: {  	p2 =	seq.s32 s10, $0x1;
	s10 =	sld [smem:$0x3FB6]  }
0x3d: {  	_ =	shalt  }
0x3e: {  	_ =	shalt  }
0x3f: {  	_ =	shalt  }
0x40: {  	_ =	shalt  }
0x41: {  	_ =	shalt  }
0x42: {  	_ =	shalt  }
0x43: {  	_ =	shalt  }
0x44: {  	_ =	shalt  }
0x45: {  	_ =	shalt  }
0x46: {  	_ =	shalt  }
0x47: {  	_ =	shalt  }
0x48: {  	_ =	shalt  }
0x49: {  	_ =	shalt  }
0x4a: {  	_ =	shalt  }
0x4b: {  	_ =	shalt  }
0x4c: {  	_ =	shalt  }
0x4d: {  	_ =	shalt  }
0x4e: {  	_ =	shalt  }
0x4f: {  	_ =	shalt  }
0x50: {  	_ =	shalt  }
0x51: {  	_ =	shalt  }
0x52: {  	_ =	shalt  }
0x53: {  	_ =	shalt  }
0x54: {  	_ =	shalt  }
0x55: {  	_ =	shalt  }
0x56: {  	_ =	shalt  }
0x57: {  	_ =	shalt  }
0x58: {  	_ =	shalt  }
0x59: {  	_ =	shalt  }
0x5a: {  	_ =	shalt  }
0x5b: {  	_ =	shalt  }
0x5c: {  	_ =	shalt  }
0x5d: {  	_ =	shalt  }
0x5e: {  	_ =	shalt  }
0x5f: {  	_ =	shalt  }
0x60: {  	_ =	shalt  }
0x61: {  	_ =	shalt  }
0x62: {  	_ =	shalt  }
0x63: {  	_ =	shalt  }
0x64: {  	_ =	shalt  }
0x65: {  	_ =	shalt  }
0x66: {  	_ =	shalt  }
0x67: {  	_ =	shalt  }
0x68: {  	_ =	shalt  }
0x69: {  	_ =	shalt  }
0x6a: {  	_ =	shalt  }
0x6b: {  	_ =	shalt  }
0x6c: {  	_ =	shalt  }
0x6d: {  	_ =	shalt  }
0x6e: {  	_ =	shalt  }
0x6f: {  	_ =	shalt  }
0x70: {  	_ =	shalt  }
0x71: {  	_ =	shalt  }
0x72: {  	_ =	shalt  }
0x73: {  	_ =	shalt  }
0x74: {  	_ =	shalt  }
0x75: {  	_ =	shalt  }
0x76: {  	_ =	shalt  }
0x77: {  	_ =	shalt  }
0x78: {  	_ =	shalt  }
0x79: {  	_ =	shalt  }
0x7a: {  	_ =	shalt  }
0x7b: {  	_ =	shalt  }
0x7c: {  	_ =	shalt  }
0x7d: {  	_ =	shalt  }
0x7e: {  	_ =	shalt  }
0x7f: {  	_ =	shalt  }
0x80: {  	_ =	shalt  }
0x81: {  	_ =	shalt  }
0x82: {  	_ =	shalt  }
0x83: {  	_ =	shalt  }
0x84: {  	_ =	shalt  }
0x85: {  	_ =	shalt  }
0x86: {  	_ =	shalt  }
0x87: {  	_ =	shalt  }
.Lfunc_end0:
.L_simem_size_0:
called_computation.1_lowered:
.L_overlay_start_0:
0x88: {  	s2 =	sld [smem:$0x3FD9]  }
0x89: {  	s3 =	sld [smem:$0x3FFE];
	_ =	sdelay $0x1  }
0x8a: {  	s1 =	srdreg.scid  }
0x8b: {  	s0 =	sand.u32 $0x1, s1  }
0x8c: {  	s14 =	sshll.u32 s0, $0xA;
	s2 =	sadd.s32 s3, s2  }
0x8d: {  	s2 =	sadd.s32 s2, s14  }
0x8e: {  	[smem:$0x3FC2] =	sst s2  }
0x8f: {  	_ = 	snop  }
0x90: {  	s2 =	sld [smem:$0x3FD0];
	_ =	sdelay $0x2  }
0x91: {  	s15 =	simm.s32 $0xA;
	s4 =	simm.s32 $0x10  }
0x92: {  	[smem:s4], [sflag:s15] =	dma.local [hbm:s2], $0x1  }
0x93: {  	_ =	swait.eq [sflag:s15], $0x1  }
0x94: {  	[sflag:s15] =	ssyncset.done $0x0  }
0x95: {  	s16 =	sld [smem:$0x10];
	[sflag:s15] =	ssyncadd.s32 $0xFFFFFFFF  }
0x96: {  	s17 =	sld [smem:$0x11];
	(tm) =	ssettm $0x1  }
0x97: {  	s18 =	sld [smem:$0x3FFB];
	_ =	sdelay $0x3  }
0x98: {  	_ =	strace s18  }
0x99: {  	s4 =	sld [smem:$0x3FFC];
	_ =	sdelay $0x3  }
0x9a: {  	_ =	strace s4  }
0x9b: {  	s4 =	sld [smem:$0x3FFD];
	_ =	sdelay $0x3  }
0x9c: {  	_ =	strace s4  }
0x9d: {  	_ =	strace $0x8FFFFFFF  }
0x9e: {  	s19 =	sld [smem:$0x3FDB];
	_ =	sdelay $0x1  }
0x9f: {  	s5 =	simm.s32 $_scs_section_size  }
0xa0: {  	s6 =	simm.s32 $_size__tile_overlayer_lowered;
	s7 =	simm.s32 $_tile_overlayer_lowered  }
0xa1: {  	s22 =	simm.s32 $0x1BFF;
	s21 =	sshll.u32 s7, $0x1;
	s4 =	sadd.s32 s5, s19  }
0xa2: {  	s8 =	simm.s32 $0x0;
	s20 =	sshll.u32 s6, $0x1;
	s6 =	sadd.s32 s21, s4  }
0xa3: {  	[timem:s8], [sflag:s22] =	dma.local [hbm:s6], s20  }
0xa4: {  	_ =	swait.ge [sflag:s22], s20  }
0xa5: {  	s5 =	ssub.s32 $0x0, s20;
	[sflag:s22] =	ssyncset.done $0x0  }
0xa6: {  	[sflag:s22] =	ssyncadd.s32 s5;
	_ =	sdelay $0x1  }
0xa7: {  	s23 =	simm.s32 $0x1B8B  }
0xa8: {  	_ =	swait.ge [sflag:s23], $0x1  }
0xa9: {  	[sflag:s23] =	ssyncset.done $0x0  }
0xaa: {  	s25 =	simm.s32 $0x1B8E;
	s24 =	sld [smem:$0x3FFE];
	[sflag:s23] =	ssyncadd.s32 $0xFFFFFFFF  }
0xab: {  	s26 =	simm.s32 $execute0_lowered;
	[smem:$0x3FD2] =	sst s25  }
0xac: {  	s6 =	sshll.u32 s26, $0x1;
	_ =	strace $0x80000049;
	[dreg:$0x1] =	wrdreg $0xFFFFFFFF  }
0xad: {  	s28 =	simm.s32 $_size_execute0_lowered;
	s4 =	sadd.s32 s4, s6;
	[dreg:$0x0] =	wrdreg $0x0  }
0xae: {  	s6 =	sshll.u32 s28, $0x1;
	[dreg:$0x2] =	wrdreg s4  }
0xaf: {  	[dreg:$0x3] =	wrdreg s6  }
0xb0: {  	[dreg:$0x4] =	wrdreg $0xC0  }
0xb1: {  	_ =	task [dreg:s8], $0x5FFFF  }
0xb2: {  	[dreg:$0x1] =	wrdreg $0xFFFFFFFF  }
0xb3: {  	[dreg:$0x0] =	wrdreg $0x60  }
0xb4: {  	[dreg:$0x2] =	wrdreg s24  }
0xb5: {  	[dreg:$0x3] =	wrdreg s16  }
0xb6: {  	[dreg:$0x4] =	wrdreg s17  }
0xb7: {  	[dreg:$0x5] =	wrdreg $0x150000  }
0xb8: {  	[dreg:$0x6] =	wrdreg $0x9  }
0xb9: {  	_ =	task.clear_ibuf [dreg:s8], $0x7FFFF;
	_ =	strace $0x90000049  }
0xba: {  	s29 =	simm.s32 $0x9;
	_ =	strace $0x8000004B  }
0xbb: {  	_ =	swait.ge [sflag:s29], $0x1  }
0xbc: {  	[sflag:s29] =	ssyncadd.s32 $0xFFFFFFFF  }
0xbd: {  	_ =	strace $0x9000004B  }
0xbe: {  	_ =	sfence  }
0xbf: {  	s30 =	sld [smem:$0x0];
	_ =	sdelay $0x2  }
0xc0: {  	s31 =	sshll.u32 s1, $0xD;
	s1 =	sshrl.u32 s1, $0x2  }
0xc1: {  	s3 =	sand.u32 $0x4000, s31;
	s1 =	sadd.s32 s1, s30  }
0xc2: {  	s0 =	sor.u32 s3, s0;
	s1 =	sshll.u32 s1, $0x11  }
0xc3: {  	s0 =	sor.u32 s1, s0  }
0xc4: {  	s0 =	sadd.s32 $0x8F2B, s0  }
0xc5: {  	[sflag:s0] =	ssyncadd.remote.s32 $0x1  }
0xc6: {  	_ =	sfence.sel $0xFFFF  }
0xc7: {  	[dreg:$0x0] =	wrdreg $0xFFFFFFFF;
	(pc) =	sbr.abs _section_cstart, $3  }
0xc8: {  	[dreg:$0x1] =	wrdreg $0xFFFFFFFF  }
0xc9: {  	_ =	task.clear_ibuf [dreg:s8], $0x2FFFF;
	_ =	strace $0x9FFFFFFF  }
0xca: {  	(tm) =	ssettm $0x7FFFFFFF  }
0xcb: {  	_ =	shalt  }
tec
execute0_lowered:
.L_overlay_start_1:
0x0: {  	(tag) =	ssettag $0x1  }
0x1: {  	s0 =	rddreg [dreg:$0x0]  }
0x2: {  	s1 =	rddreg [dreg:$0x1]  }
0x3: {  	s2 =	rddreg [dreg:$0x2]  }
0x4: {  	s3 =	rddreg [dreg:$0x3];
	s4 =	simm.s32 $0x0  }
0x5: {  	s15 =	stileid.u32;
	s6 =	srdreg.scid;
	s28 =	simm.s32 $0x3  }
0x6: {  	s30 =	simm.s32 $0x50;
	s31 =	simm.s32 $0x10000;
	s29 =	simm.s32 $0x12800  }
0x7: {  	[smem:$0x7FF] =	sst s4;
	s5 =	sshll.u32 s15, $0xB;
	s11 =	smul.u32 $0x138, s15  }
0x8: {  	s6 =	sand.u32 $0x1, s6;
	s7 =	sadd.s32 $0x19C00, s0;
	s13 =	smul.u32 $0x27000, s15  }
0x9: {  	s23 =	smul.u32 $0x9C00, s15;
	p0 =	sne.s32 s15, $0x0;
	s15 =	simm.s32 $0x0  }
0xa: {  	_ =	strace $0x8000004A;
	s5 =	sadd.s32 s5, s0;
	s0 =	sadd.s32 $0x67E00, s0  }
0xb: {  	s9 =	smul.u32 $0x2710, s6;
	s8 =	ssub.s32 $0x2, s6;
	s10 =	sshll.u32 s6, $0xF  }
0xc: {  	s6 =	smul.u32 $0x138800, s6;
	s12 =	sshrl.u32 s8, $0x1;
	s10 =	sadd.s32 s10, s5  }
0xd: {  	s5 =	sadd.s32 $0x1C00, s5;
	s22 =	sshrl.u32 s13, $0x2;
	s12 =	ssub.s32 s8, s12  }
0xe: {  	s21 =	sadd.s32 $0x9C00, s10;
	[dreg:$0x6] =	wrdreg s5;
	s24 =	sadd.s32 s11, s9  }
0xf: {  	s25 =	sshrl.u32 s6, $0x3;
	s6 =	sadd.s32 s23, s6;
	s5 =	sshll.u32 s24, $0x4  }
0x10: {  	[dreg:$0x5] =	wrdreg s21;
	s26 =	sadd.s32 $0x13800, s25;
	s13 =	sadd.s32 s1, s5  }
0x11: {  	s6 =	sshrl.u32 s6, $0x3;
	s14 =	sadd.s32 s1, s26;
	[dreg:$0x7] =	wrdreg s13  }
0x12: {  	s8 =	sadd.s32 s22, s3;
	s16 =	sadd.s32 s7, s6;
	[dreg:$0x8] =	wrdreg s14  }
0x13: {  	s9 =	sadd.s32 $0x27080, s25;
	s17 =	sadd.s32 s7, s26;
	[dreg:$0x9] =	wrdreg s16  }
0x14: {  	s10 =	simm.s32 $0xBE00;
	s20 =	sadd.s32 s7, s9;
	[dreg:$0xa] =	wrdreg s17  }
0x15: {  	s11 =	simm.s32 $0xFD00;
	s21 =	sadd.s32 s2, s26;
	[dreg:$0xd] =	wrdreg s20  }
0x16: {  	s18 =	sadd.s32 $0x13880, s5;
	s22 =	sadd.s32 s0, s6;
	[dreg:$0xe] =	wrdreg s21  }
0x17: {  	s23 =	sadd.s32 s0, s26;
	s25 =	sadd.s32 s2, s9;
	[dreg:$0xf] =	wrdreg s22  }
0x18: {  	s26 =	smax.u32 s12, $0x1;
	s12 =	simm.s32 $0xFD80;
	[dreg:$0x10] =	wrdreg s23  }
0x19: {  	s13 =	sadd.s32 s1, s18;
	s14 =	sadd.s32 $0x13880, s6;
	[dreg:$0x13] =	wrdreg s25  }
0x1a: {  	s16 =	sadd.s32 s1, s9;
	s20 =	sadd.s32 s2, s18;
	[dreg:$0x14] =	wrdreg s26  }
0x1b: {  	s26 =	sadd.s32 $0x9C000, s3;
	s25 =	simm.s32 $0xBD00;
	[dreg:$0xb] =	wrdreg s16  }
0x1c: {  	s19 =	sadd.s32 s7, s14;
	s16 =	sadd.s32 s2, s5;
	s24 =	sadd.s32 s0, s14  }
0x1d: {  	s0 =	sadd.s32 s0, s9;
	s5 =	simm.s32 $0x2;
	[dreg:$0xc] =	wrdreg s19  }
0x1e: {  	s7 =	simm.s32 $0x3E00;
	s9 =	simm.s32 $0xBD80;
	[dreg:$0x11] =	wrdreg s24  }
0x1f: {  	s14 =	simm.s32 $0xFE00;
	[dreg:$0x12] =	wrdreg s0;
	s0 =	simm.s32 $0x1  }
.LBB2_1:
0x20: {  	s6 =	rddreg [dreg:$0x5]  }
0x21: {  	[tilespmem:s4], [sflag:$0x3] =	stream.linear.gather [hbm4b:s6+s4], $0x3E80, $0x38;
	[tilespmem:$0x1EC80] =	vst v63  }
0x22: {  	_ =	swait.ge [sflag:s28], $0x3E80  }
0x23: {  	[sflag:s28] =	ssyncset.done $0x0  }
0x24: {  	s17 =	simm.s32 $0x4000;
	s24 =	rddreg [dreg:$0x6];
	[sflag:s28] =	ssyncadd.s32 $0xFFFFC180  }
0x25: {  	[tilespmem:s17], [sflag:$0x3] =	stream.linear.gather [hbm4b:s24+s4], $0x3E80, $0x38;
	[tilespmem:$0x1EC80] =	vst v63  }
0x26: {  	_ =	swait.ge [sflag:s28], $0x3E80  }
0x27: {  	[sflag:s28] =	ssyncset.done $0x0  }
0x28: {  	s17 =	simm.s32 $0x0;
	[sflag:s28] =	ssyncadd.s32 $0xFFFFC180  }
0x29: {  	v0 =	vld [tilespmem:s17+$0x4040]  }
0x2a: {  	v3 =	vld [tilespmem:s17+$0x4000]  }
0x2b: {  	v5 =	vld [tilespmem:s17+$0x4010]  }
0x2c: {  	v1 =	vld [tilespmem:s17+$0x4030]  }
0x2d: {  	v2 =	vld [tilespmem:s17+$0x4020];
	_ =	sdelay $0x1  }
0x2e: {  	vm0 =	vlt.s32 v0, $0x1388;
	v4 =	vadd.s32 $0xFFFFEC78, v0  }
0x2f: {  	vm2 =	vlt.s32 v3, $0x1388;
	v6 =	vadd.s32 $0xFFFFEC78, v3;
	v4 =	vsel vm0, $0x1388, v4  }
0x30: {  	vm1 =	vlt.s32 v5, $0x1388;
	vm3 =	vlt.s32 v1, $0x1388;
	v7 =	vnsel vm2, $0x1388, v3;
	[tilespmem:s17+$0xC040] =	vst v4  }
0x31: {  	v3 =	vadd.s32 $0xFFFFEC78, v5;
	v6 =	vsel vm2, $0x1388, v6;
	vm2 =	vlt.s32 v2, $0x1388;
	[tilespmem:s17+$0x8000] =	vst v7  }
0x32: {  	s18 =	simm.s32 $0x80;
	s19 =	simm.s32 $0x400;
	v4 =	vadd.s32 $0xFFFFEC78, v2;
	[tilespmem:s17+$0xC000] =	vst v6;
	v6 =	vnsel vm1, $0x1388, v5;
	v5 =	vadd.s32 $0xFFFFEC78, v1  }
.LBB2_2:
0x33: {  	p1 =	sne.s32 s19, $0xF800;
	v7 =	vld [tilespmem:s18+$0x4040];
	[tilespmem:s17+$0x8010] =	vst v6;
	v3 =	vsel vm1, $0x1388, v3;
	v2 =	vnsel vm2, $0x1388, v2;
	v4 =	vsel vm2, $0x1388, v4  }
0x34: {  	v5 =	vsel vm3, $0x1388, v5;
	v8 =	vnsel vm0, $0x1388, v0;
	v6 =	vld [tilespmem:s18+$0x4000];
	[tilespmem:s17+$0xC010] =	vst v3;
	v3 =	vnsel vm3, $0x1388, v1  }
0x35: {  	v9 =	vld [tilespmem:s18+$0x4010];
	[tilespmem:s17+$0x8020] =	vst v2  }
0x36: {  	v2 =	vld [tilespmem:s18+$0x4020];
	[tilespmem:s17+$0xC020] =	vst v4  }
0x37: {  	v1 =	vld [tilespmem:s18+$0x4030];
	[tilespmem:s17+$0x8030] =	vst v3  }
.Ltmp0:
0x38: {  	vm0 =	vlt.s32 v7, $0x1388;
	v3 =	vadd.s32 $0xFFFFEC78, v7;
	[tilespmem:s17+$0xC030] =	vst v5;
	v0 =	vmov v7;
	(pc) =	sbr.rel @p1 .LBB2_2-.Ltmp0, $4  }
0x39: {  	vm2 =	vlt.s32 v6, $0x1388;
	v4 =	vadd.s32 $0xFFFFEC78, v6;
	v5 =	vsel vm0, $0x1388, v3;
	[tilespmem:s17+$0x8040] =	vst v8;
	s17 =	smov.u32 s18  }
0x3a: {  	v6 =	vnsel vm2, $0x1388, v6;
	vm1 =	vlt.s32 v9, $0x1388;
	v3 =	vadd.s32 $0xFFFFEC78, v9;
	[tilespmem:s17+$0xC040] =	vst v5  }
0x3b: {  	v5 =	vsel vm2, $0x1388, v4;
	[tilespmem:s17+$0x8000] =	vst v6;
	vm2 =	vlt.s32 v2, $0x1388;
	v4 =	vadd.s32 $0xFFFFEC78, v2  }
0x3c: {  	s18 =	sshra.s32 s19, $0x2;
	s19 =	sadd.s32 $0x200, s19;
	v6 =	vnsel vm1, $0x1388, v9;
	[tilespmem:s17+$0xC000] =	vst v5;
	vm3 =	vlt.s32 v1, $0x1388;
	v5 =	vadd.s32 $0xFFFFEC78, v1  }
0x3d: {  	v7 =	vld [tilespmem:s18+$0x4040];
	[tilespmem:s17+$0x8010] =	vst v6;
	v3 =	vsel vm1, $0x1388, v3  }
0x3e: {  	v2 =	vnsel vm2, $0x1388, v2;
	v6 =	vld [tilespmem:s18+$0x4000];
	[tilespmem:s17+$0xC010] =	vst v3  }
0x3f: {  	v50 =	vsel vm2, $0x1388, v4;
	v3 =	vld [tilespmem:s18+$0x4010];
	[tilespmem:s17+$0x8020] =	vst v2  }
0x40: {  	v1 =	vnsel vm3, $0x1388, v1;
	v51 =	vld [tilespmem:s18+$0x4020];
	[tilespmem:s17+$0xC020] =	vst v50  }
0x41: {  	v5 =	vsel vm3, $0x1388, v5;
	v2 =	vld [tilespmem:s18+$0x4030];
	[tilespmem:s17+$0x8030] =	vst v1  }
0x42: {  	v0 =	vnsel vm0, $0x1388, v0;
	[tilespmem:s17+$0xC030] =	vst v5;
	vm11 =	vlt.s32 v7, $0x1388;
	v52 =	vadd.s32 $0xFFFFEC78, v7  }
0x43: {  	[tilespmem:s17+$0x8040] =	vst v0;
	v1 =	vsel vm11, $0x1388, v52  }
0x44: {  	vm12 =	vlt.s32 v6, $0x1388;
	v63 =	vnsel vm11, $0x1388, v7;
	[tilespmem:s18+$0xC040] =	vst v1  }
0x45: {  	v53 =	vadd.s32 $0xFFFFEC78, v6;
	v54 =	vnsel vm12, $0x1388, v6;
	[tilespmem:s18+$0x8040] =	vst v63  }
0x46: {  	vm13 =	vlt.s32 v3, $0x1388;
	v0 =	vsel vm12, $0x1388, v53;
	[tilespmem:s18+$0x8000] =	vst v54  }
0x47: {  	v55 =	vadd.s32 $0xFFFFEC78, v3;
	[tilespmem:s18+$0xC000] =	vst v0;
	v56 =	vnsel vm13, $0x1388, v3  }
0x48: {  	vm14 =	vlt.s32 v51, $0x1388;
	v57 =	vsel vm13, $0x1388, v55;
	[tilespmem:s18+$0x8010] =	vst v56  }
0x49: {  	v58 =	vadd.s32 $0xFFFFEC78, v51;
	v59 =	vnsel vm14, $0x1388, v51;
	[tilespmem:s18+$0xC010] =	vst v57  }
0x4a: {  	vm15 =	vlt.s32 v2, $0x1388;
	v60 =	vsel vm14, $0x1388, v58;
	[tilespmem:s18+$0x8020] =	vst v59  }
0x4b: {  	v61 =	vadd.s32 $0xFFFFEC78, v2;
	v2 =	vnsel vm15, $0x1388, v2;
	[tilespmem:s18+$0xC020] =	vst v60  }
0x4c: {  	v62 =	vsel vm15, $0x1388, v61;
	[tilespmem:s18+$0x8030] =	vst v2  }
0x4d: {  	[tilespmem:s18+$0xC030] =	vst v62;
	s18 =	stileid.u32  }
0x4e: {  	[tilespmem:s31], [sflag:$0x1] =	stream.indirect.gather [hbm4b:s1+s30], $0x80, s4, s30, $0xb8;
	[tilespmem:$0x1EC80] =	vst v63  }
0x4f: {  	s6 =	simm.s32 $0x80;
	s19 =	sshll.u32 s18, $0x6  }
0x50: {  	s21 =	rddreg [dreg:$0x7];
	s18 =	sshrl.u32 s8, $0x3;
	s17 =	sor.u32 $0x1C03, s19  }
0x51: {  	[tilespmem:s29], [sflag:$0x2] =	stream.indirect.gather [hbm4b:s1+s30], $0x80, s6, s30, $0xb8;
	[tilespmem:$0x1EC80] =	vst v63  }
0x52: {  	[spmem:s18], [sflag:s17] =	dma.local [hbm:s21], $0x1380  }
0x53: {  	_ =	swait.ge [sflag:s28], $0x1380  }
0x54: {  	s19 =	sshrl.u32 @!p0 s26, $0x3;
	[sflag:s28] =	ssyncset.done $0x0  }
0x55: {  	s21 =	simm.s32 @!p0 $0x3;
	s6 =	rddreg [dreg:$0x8];
	[sflag:s28] =	ssyncadd.s32 $0xFFFFEC80  }
0x56: {  	[spmem:s19], [sflag:s17] =	dma.local @!p0 [hbm:s6], $0x80  }
0x57: {  	_ =	swait.ge @!p0 [sflag:s21], $0x80  }
0x58: {  	[sflag:s21] =	ssyncset.done @!p0 $0x0  }
0x59: {  	[sflag:s21] =	ssyncadd.s32 @!p0 $0xFFFFFF80  }
0x5a: {  	[bflag:$0x0] =	sbarrier.arrive $0xFFFF  }
0x5b: {  	_ =	swait.ge [sflag:s0], $0x2800  }
0x5c: {  	[sflag:s0] =	ssyncset.done $0x0  }
0x5d: {  	s22 =	simm.s32 $0x8000;
	[sflag:s0] =	ssyncadd.s32 $0xFFFFD800  }
0x5e: {  	[spmem:s3] =	stream.indirect.scatter.add.f32 [tilespmem:s31], [sflag:$0x3], $0x80, s22, s30, $0xb8;
	[tilespmem:$0x1EC80] =	vst v63  }
0x5f: {  	_ =	swait.ge [sflag:s28], $0x2800  }
0x60: {  	[sflag:s28] =	ssyncset.done $0x0  }
0x61: {  	s23 =	simm.s32 $0x100;
	[sflag:s28] =	ssyncadd.s32 $0xFFFFD800  }
0x62: {  	[tilespmem:s31], [sflag:$0x1] =	stream.indirect.gather [hbm4b:s1+s30], $0x80, s23, s30, $0xb8;
	[tilespmem:$0x1EC80] =	vst v63  }
0x63: {  	_ =	swait.ge [sflag:s5], $0x2800  }
0x64: {  	[sflag:s5] =	ssyncset.done $0x0  }
0x65: {  	s24 =	simm.s32 $0x8080;
	[sflag:s5] =	ssyncadd.s32 $0xFFFFD800  }
0x66: {  	[spmem:s3] =	stream.indirect.scatter.add.f32 [tilespmem:s29], [sflag:$0x3], $0x80, s24, s30, $0xb8;
	[tilespmem:$0x1EC80] =	vst v63  }
0x67: {  	_ =	swait.ge [sflag:s28], $0x2800  }
0x68: {  	[sflag:s28] =	ssyncset.done $0x0  }
0x69: {  	s21 =	simm.s32 $0x400;
	s22 =	simm.s32 $0x180;
	[sflag:s28] =	ssyncadd.s32 $0xFFFFD800  }
.LBB2_4:
0x6a: {  	[tilespmem:s29], [sflag:$0x2] =	stream.indirect.gather [hbm4b:s1+s30], $0x80, s22, s30, $0xb8;
	[tilespmem:$0x1EC80] =	vst v63  }
0x6b: {  	s22 =	smov.u32 s21  }
0x6c: {  	p1 =	sne.s32 s21, $0xF000;
	s21 =	sadd.s32 $0x400, s21;
	_ =	swait.ge [sflag:s0], $0x2800  }
0x6d: {  	s22 =	sshra.s32 s22, $0x2;
	[sflag:s0] =	ssyncset.done $0x0  }
0x6e: {  	s23 =	sadd.s32 $0x8000, s22;
	[sflag:s0] =	ssyncadd.s32 $0xFFFFD800  }
0x6f: {  	[spmem:s3] =	stream.indirect.scatter.add.f32 [tilespmem:s31], [sflag:$0x3], $0x80, s23, s30, $0xb8;
	[tilespmem:$0x1EC80] =	vst v63  }
0x70: {  	_ =	swait.ge [sflag:s28], $0x2800  }
0x71: {  	[sflag:s28] =	ssyncset.done $0x0  }
0x72: {  	s23 =	sadd.s32 $0x100, s22;
	[sflag:s28] =	ssyncadd.s32 $0xFFFFD800  }
0x73: {  	[tilespmem:s31], [sflag:$0x1] =	stream.indirect.gather [hbm4b:s1+s30], $0x80, s23, s30, $0xb8;
	[tilespmem:$0x1EC80] =	vst v63  }
0x74: {  	_ =	swait.ge [sflag:s5], $0x2800  }
0x75: {  	[sflag:s5] =	ssyncset.done $0x0  }
.Ltmp1:
0x76: {  	s23 =	sadd.s32 $0x8080, s22;
	[sflag:s5] =	ssyncadd.s32 $0xFFFFD800;
	(pc) =	sbr.rel @p1 .LBB2_4-.Ltmp1, $4  }
0x77: {  	[spmem:s3] =	stream.indirect.scatter.add.f32 [tilespmem:s29], [sflag:$0x3], $0x80, s23, s30, $0xb8;
	[tilespmem:$0x1EC80] =	vst v63  }
0x78: {  	_ =	swait.ge [sflag:s28], $0x2800  }
0x79: {  	[sflag:s28] =	ssyncset.done $0x0  }
0x7a: {  	s22 =	sadd.s32 $0x180, s22;
	[sflag:s28] =	ssyncadd.s32 $0xFFFFD800  }
0x7b: {  	[tilespmem:s29], [sflag:$0x2] =	stream.indirect.gather [hbm4b:s1+s30], $0x80, s22, s30, $0xb8;
	[tilespmem:$0x1EC80] =	vst v63  }
0x7c: {  	_ =	swait.ge [sflag:s0], $0x2800  }
0x7d: {  	[sflag:s0] =	ssyncset.done $0x0  }
0x7e: {  	[sflag:s0] =	ssyncadd.s32 $0xFFFFD800  }
0x7f: {  	[spmem:s3] =	stream.indirect.scatter.add.f32 [tilespmem:s31], [sflag:$0x3], $0x80, s25, s30, $0xb8;
	[tilespmem:$0x1EC80] =	vst v63  }
0x80: {  	_ =	swait.ge [sflag:s28], $0x2800  }
0x81: {  	[sflag:s28] =	ssyncset.done $0x0  }
0x82: {  	[sflag:s28] =	ssyncadd.s32 $0xFFFFD800  }
0x83: {  	[tilespmem:s31], [sflag:$0x1] =	stream.indirect.gather [hbm4b:s1+s30], $0x80, s7, s30, $0xb8;
	[tilespmem:$0x1EC80] =	vst v63  }
0x84: {  	_ =	swait.ge [sflag:s5], $0x2800  }
0x85: {  	[sflag:s5] =	ssyncset.done $0x0  }
0x86: {  	[sflag:s5] =	ssyncadd.s32 $0xFFFFD800  }
0x87: {  	[spmem:s3] =	stream.indirect.scatter.add.f32 [tilespmem:s29], [sflag:$0x3], $0x80, s9, s30, $0xb8;
	[tilespmem:$0x1EC80] =	vst v63  }
0x88: {  	_ =	swait.ge [sflag:s28], $0x2800  }
0x89: {  	[sflag:s28] =	ssyncset.done $0x0  }
0x8a: {  	[sflag:s28] =	ssyncadd.s32 $0xFFFFD800  }
0x8b: {  	_ =	swait.ge [sflag:s0], $0x2800  }
0x8c: {  	[sflag:s0] =	ssyncset.done $0x0  }
0x8d: {  	[sflag:s0] =	ssyncadd.s32 $0xFFFFD800  }
0x8e: {  	[spmem:s3] =	stream.indirect.scatter.add.f32 [tilespmem:s31], [sflag:$0x3], $0x80, s10, s30, $0xb8;
	[tilespmem:$0x1EC80] =	vst v63  }
0x8f: {  	_ =	swait.ge [sflag:s28], $0x2800  }
0x90: {  	[sflag:s28] =	ssyncset.done $0x0  }
0x91: {  	[sflag:s28] =	ssyncadd.s32 $0xFFFFD800  }
0x92: {  	[bflag:$0x0] =	sbarrier.arrive $0xFFFF  }
0x93: {  	s6 =	rddreg [dreg:$0x9]  }
0x94: {  	[hbm:s6], [sflag:s17] =	dma.local [spmem:s18], $0x1380  }
0x95: {  	_ =	swait.ge [sflag:s28], $0x1380  }
0x96: {  	s21 =	simm.s32 @p0 $0x50;
	[sflag:s28] =	ssyncset.done $0x0  }
0x97: {  	s22 =	simm.s32 @p0 $0x0;
	s23 =	simm.s32 @p0 $0x10000;
	[sflag:s28] =	ssyncadd.s32 $0xFFFFEC80  }
0x98: {  	[tilespmem:s23], [sflag:$0x1] =	stream.indirect.gather @p0 [hbm4b:s1+s21], $0x80, s22, s21, $0xb8;
	[tilespmem:$0x1EC80] =	vst v63  }
0x99: {  	s22 =	simm.s32 @p0 $0x80;
	s23 =	simm.s32 @p0 $0x12800  }
0x9a: {  	[tilespmem:s23], [sflag:$0x2] =	stream.indirect.gather @p0 [hbm4b:s1+s21], $0x80, s22, s21, $0xb8;
	[tilespmem:$0x1EC80] =	vst v63  }
0x9b: {  	s21 =	sshrl.u32 @p0 s8, $0x3;
	s22 =	simm.s32 @p0 $0x3  }
0x9c: {  	[spmem:s21], [sflag:s17] =	dma.local @p0 [hbm:s13], $0x1380  }
0x9d: {  	_ =	swait.ge @p0 [sflag:s22], $0x1380  }
0x9e: {  	[sflag:s22] =	ssyncset.done @p0 $0x0  }
0x9f: {  	s23 =	simm.s32 @!p0 $0x3;
	s6 =	rddreg [dreg:$0xa];
	[sflag:s22] =	ssyncadd.s32 @p0 $0xFFFFEC80  }
0xa0: {  	[hbm:s6], [sflag:s17] =	dma.local @!p0 [spmem:s19], $0x80  }
0xa1: {  	_ =	swait.ge @!p0 [sflag:s23], $0x80  }
0xa2: {  	s24 =	simm.s32 @!p0 $0x0;
	[sflag:s23] =	ssyncset.done @!p0 $0x0  }
0xa3: {  	s25 =	simm.s32 @!p0 $0x10000;
	s22 =	simm.s32 @!p0 $0x50;
	[sflag:s23] =	ssyncadd.s32 @!p0 $0xFFFFFF80  }
0xa4: {  	[tilespmem:s25], [sflag:$0x1] =	stream.indirect.gather @!p0 [hbm4b:s1+s22], $0x80, s24, s22, $0xb8;
	[tilespmem:$0x1EC80] =	vst v63  }
0xa5: {  	s24 =	simm.s32 @!p0 $0x80;
	s25 =	simm.s32 @!p0 $0x12800  }
0xa6: {  	[tilespmem:s25], [sflag:$0x2] =	stream.indirect.gather @!p0 [hbm4b:s1+s22], $0x80, s24, s22, $0xb8;
	[tilespmem:$0x1EC80] =	vst v63  }
0xa7: {  	s22 =	sshrl.u32 @!p0 s8, $0x3  }
0xa8: {  	[spmem:s22], [sflag:s17] =	dma.local @!p0 [hbm:s13], $0x1380  }
0xa9: {  	_ =	swait.ge @!p0 [sflag:s23], $0x1380  }
0xaa: {  	[sflag:s23] =	ssyncset.done @!p0 $0x0  }
0xab: {  	s6 =	rddreg [dreg:$0xb];
	[sflag:s23] =	ssyncadd.s32 @!p0 $0xFFFFEC80  }
0xac: {  	[spmem:s19], [sflag:s17] =	dma.local @!p0 [hbm:s6], $0x80  }
0xad: {  	_ =	swait.ge @!p0 [sflag:s23], $0x80  }
0xae: {  	[sflag:s23] =	ssyncset.done @!p0 $0x0  }
0xaf: {  	[sflag:s23] =	ssyncadd.s32 @!p0 $0xFFFFFF80  }
0xb0: {  	[bflag:$0x0] =	sbarrier.arrive $0xFFFF  }
0xb1: {  	_ =	swait.ge [sflag:s0], $0x2800  }
0xb2: {  	[sflag:s0] =	ssyncset.done $0x0  }
0xb3: {  	s6 =	simm.s32 $0xC000;
	[sflag:s0] =	ssyncadd.s32 $0xFFFFD800  }
0xb4: {  	[spmem:s3] =	stream.indirect.scatter.add.f32 [tilespmem:s31], [sflag:$0x3], $0x80, s6, s30, $0xb8;
	[tilespmem:$0x1EC80] =	vst v63  }
0xb5: {  	_ =	swait.ge [sflag:s28], $0x2800  }
0xb6: {  	[sflag:s28] =	ssyncset.done $0x0  }
0xb7: {  	s24 =	simm.s32 $0x100;
	[sflag:s28] =	ssyncadd.s32 $0xFFFFD800  }
0xb8: {  	[tilespmem:s31], [sflag:$0x1] =	stream.indirect.gather [hbm4b:s1+s30], $0x80, s24, s30, $0xb8;
	[tilespmem:$0x1EC80] =	vst v63  }
0xb9: {  	_ =	swait.ge [sflag:s5], $0x2800  }
0xba: {  	[sflag:s5] =	ssyncset.done $0x0  }
0xbb: {  	s25 =	simm.s32 $0xC080;
	[sflag:s5] =	ssyncadd.s32 $0xFFFFD800  }
0xbc: {  	[spmem:s3] =	stream.indirect.scatter.add.f32 [tilespmem:s29], [sflag:$0x3], $0x80, s25, s30, $0xb8;
	[tilespmem:$0x1EC80] =	vst v63  }
0xbd: {  	_ =	swait.ge [sflag:s28], $0x2800  }
0xbe: {  	[sflag:s28] =	ssyncset.done $0x0  }
0xbf: {  	s23 =	simm.s32 $0x400;
	s24 =	simm.s32 $0x180;
	[sflag:s28] =	ssyncadd.s32 $0xFFFFD800  }
.LBB2_6:
0xc0: {  	[tilespmem:s29], [sflag:$0x2] =	stream.indirect.gather [hbm4b:s1+s30], $0x80, s24, s30, $0xb8;
	[tilespmem:$0x1EC80] =	vst v63  }
0xc1: {  	s24 =	smov.u32 s23  }
0xc2: {  	p1 =	sne.s32 s23, $0xF000;
	s23 =	sadd.s32 $0x400, s23;
	_ =	swait.ge [sflag:s0], $0x2800  }
0xc3: {  	s24 =	sshra.s32 s24, $0x2;
	[sflag:s0] =	ssyncset.done $0x0  }
0xc4: {  	s25 =	sadd.s32 $0xC000, s24;
	[sflag:s0] =	ssyncadd.s32 $0xFFFFD800  }
0xc5: {  	[spmem:s3] =	stream.indirect.scatter.add.f32 [tilespmem:s31], [sflag:$0x3], $0x80, s25, s30, $0xb8;
	[tilespmem:$0x1EC80] =	vst v63  }
0xc6: {  	_ =	swait.ge [sflag:s28], $0x2800  }
0xc7: {  	[sflag:s28] =	ssyncset.done $0x0  }
0xc8: {  	s25 =	sadd.s32 $0x100, s24;
	[sflag:s28] =	ssyncadd.s32 $0xFFFFD800  }
0xc9: {  	[tilespmem:s31], [sflag:$0x1] =	stream.indirect.gather [hbm4b:s1+s30], $0x80, s25, s30, $0xb8;
	[tilespmem:$0x1EC80] =	vst v63  }
0xca: {  	_ =	swait.ge [sflag:s5], $0x2800  }
0xcb: {  	[sflag:s5] =	ssyncset.done $0x0  }
.Ltmp2:
0xcc: {  	s25 =	sadd.s32 $0xC080, s24;
	[sflag:s5] =	ssyncadd.s32 $0xFFFFD800;
	(pc) =	sbr.rel @p1 .LBB2_6-.Ltmp2, $4  }
0xcd: {  	[spmem:s3] =	stream.indirect.scatter.add.f32 [tilespmem:s29], [sflag:$0x3], $0x80, s25, s30, $0xb8;
	[tilespmem:$0x1EC80] =	vst v63  }
0xce: {  	_ =	swait.ge [sflag:s28], $0x2800  }
0xcf: {  	[sflag:s28] =	ssyncset.done $0x0  }
0xd0: {  	s24 =	sadd.s32 $0x180, s24;
	[sflag:s28] =	ssyncadd.s32 $0xFFFFD800  }
0xd1: {  	[tilespmem:s29], [sflag:$0x2] =	stream.indirect.gather [hbm4b:s1+s30], $0x80, s24, s30, $0xb8;
	[tilespmem:$0x1EC80] =	vst v63  }
0xd2: {  	_ =	swait.ge [sflag:s0], $0x2800  }
0xd3: {  	[sflag:s0] =	ssyncset.done $0x0  }
0xd4: {  	[sflag:s0] =	ssyncadd.s32 $0xFFFFD800  }
0xd5: {  	[spmem:s3] =	stream.indirect.scatter.add.f32 [tilespmem:s31], [sflag:$0x3], $0x80, s11, s30, $0xb8;
	[tilespmem:$0x1EC80] =	vst v63  }
0xd6: {  	_ =	swait.ge [sflag:s28], $0x2800  }
0xd7: {  	[sflag:s28] =	ssyncset.done $0x0  }
0xd8: {  	[sflag:s28] =	ssyncadd.s32 $0xFFFFD800  }
0xd9: {  	[tilespmem:s31], [sflag:$0x1] =	stream.indirect.gather [hbm4b:s1+s30], $0x80, s7, s30, $0xb8;
	[tilespmem:$0x1EC80] =	vst v63  }
0xda: {  	_ =	swait.ge [sflag:s5], $0x2800  }
0xdb: {  	[sflag:s5] =	ssyncset.done $0x0  }
0xdc: {  	[sflag:s5] =	ssyncadd.s32 $0xFFFFD800  }
0xdd: {  	[spmem:s3] =	stream.indirect.scatter.add.f32 [tilespmem:s29], [sflag:$0x3], $0x80, s12, s30, $0xb8;
	[tilespmem:$0x1EC80] =	vst v63  }
0xde: {  	_ =	swait.ge [sflag:s28], $0x2800  }
0xdf: {  	[sflag:s28] =	ssyncset.done $0x0  }
0xe0: {  	[sflag:s28] =	ssyncadd.s32 $0xFFFFD800  }
0xe1: {  	_ =	swait.ge [sflag:s0], $0x2800  }
0xe2: {  	[sflag:s0] =	ssyncset.done $0x0  }
0xe3: {  	[sflag:s0] =	ssyncadd.s32 $0xFFFFD800  }
0xe4: {  	[spmem:s3] =	stream.indirect.scatter.add.f32 [tilespmem:s31], [sflag:$0x3], $0x80, s14, s30, $0xb8;
	[tilespmem:$0x1EC80] =	vst v63  }
0xe5: {  	_ =	swait.ge [sflag:s28], $0x2800  }
0xe6: {  	[sflag:s28] =	ssyncset.done $0x0  }
0xe7: {  	[sflag:s28] =	ssyncadd.s32 $0xFFFFD800  }
0xe8: {  	[bflag:$0x0] =	sbarrier.arrive $0xFFFF  }
0xe9: {  	s6 =	rddreg [dreg:$0xc]  }
0xea: {  	[hbm:s6], [sflag:s17] =	dma.local [spmem:s18], $0x1380  }
0xeb: {  	_ =	swait.ge [sflag:s28], $0x1380  }
0xec: {  	s23 =	simm.s32 @p0 $0x50;
	[sflag:s28] =	ssyncset.done $0x0  }
0xed: {  	s24 =	simm.s32 @p0 $0x0;
	s25 =	simm.s32 @p0 $0x10000;
	[sflag:s28] =	ssyncadd.s32 $0xFFFFEC80  }
0xee: {  	[tilespmem:s25], [sflag:$0x1] =	stream.indirect.gather @p0 [hbm4b:s2+s23], $0x80, s24, s23, $0xb8;
	[tilespmem:$0x1EC80] =	vst v63  }
0xef: {  	s24 =	simm.s32 @p0 $0x80;
	s25 =	simm.s32 @p0 $0x12800  }
0xf0: {  	[tilespmem:s25], [sflag:$0x2] =	stream.indirect.gather @p0 [hbm4b:s2+s23], $0x80, s24, s23, $0xb8;
	[tilespmem:$0x1EC80] =	vst v63  }
0xf1: {  	s23 =	simm.s32 @p0 $0x3  }
0xf2: {  	[spmem:s21], [sflag:s17] =	dma.local @p0 [hbm:s16], $0x1380  }
0xf3: {  	_ =	swait.ge @p0 [sflag:s23], $0x1380  }
0xf4: {  	[sflag:s23] =	ssyncset.done @p0 $0x0  }
0xf5: {  	s6 =	rddreg [dreg:$0xd];
	[sflag:s23] =	ssyncadd.s32 @p0 $0xFFFFEC80;
	s23 =	simm.s32 @!p0 $0x3  }
0xf6: {  	[hbm:s6], [sflag:s17] =	dma.local @!p0 [spmem:s19], $0x80  }
0xf7: {  	_ =	swait.ge @!p0 [sflag:s23], $0x80  }
0xf8: {  	s24 =	simm.s32 @!p0 $0x50;
	[sflag:s23] =	ssyncset.done @!p0 $0x0  }
0xf9: {  	s25 =	simm.s32 @!p0 $0x0;
	s6 =	simm.s32 @!p0 $0x10000;
	[sflag:s23] =	ssyncadd.s32 @!p0 $0xFFFFFF80  }
0xfa: {  	[tilespmem:s6], [sflag:$0x1] =	stream.indirect.gather @!p0 [hbm4b:s2+s24], $0x80, s25, s24, $0xb8;
	[tilespmem:$0x1EC80] =	vst v63  }
0xfb: {  	s6 =	simm.s32 @!p0 $0x80;
	s25 =	simm.s32 @!p0 $0x12800  }
0xfc: {  	[tilespmem:s25], [sflag:$0x2] =	stream.indirect.gather @!p0 [hbm4b:s2+s24], $0x80, s6, s24, $0xb8;
	[tilespmem:$0x1EC80] =	vst v63  }
0xfd: {  	[spmem:s22], [sflag:s17] =	dma.local @!p0 [hbm:s16], $0x1380  }
0xfe: {  	_ =	swait.ge @!p0 [sflag:s23], $0x1380  }
0xff: {  	[sflag:s23] =	ssyncset.done @!p0 $0x0  }
0x100: {  	s6 =	rddreg [dreg:$0xe];
	[sflag:s23] =	ssyncadd.s32 @!p0 $0xFFFFEC80  }
0x101: {  	[spmem:s19], [sflag:s17] =	dma.local @!p0 [hbm:s6], $0x80  }
0x102: {  	_ =	swait.ge @!p0 [sflag:s23], $0x80  }
0x103: {  	[sflag:s23] =	ssyncset.done @!p0 $0x0  }
0x104: {  	[sflag:s23] =	ssyncadd.s32 @!p0 $0xFFFFFF80  }
0x105: {  	[bflag:$0x0] =	sbarrier.arrive $0xFFFF  }
0x106: {  	_ =	swait.ge [sflag:s0], $0x2800  }
0x107: {  	[sflag:s0] =	ssyncset.done $0x0  }
0x108: {  	s23 =	simm.s32 $0x8000;
	[sflag:s0] =	ssyncadd.s32 $0xFFFFD800  }
0x109: {  	[spmem:s3] =	stream.indirect.scatter.add.f32 [tilespmem:s31], [sflag:$0x3], $0x80, s23, s30, $0xb8;
	[tilespmem:$0x1EC80] =	vst v63  }
0x10a: {  	_ =	swait.ge [sflag:s28], $0x2800  }
0x10b: {  	[sflag:s28] =	ssyncset.done $0x0  }
0x10c: {  	s24 =	simm.s32 $0x100;
	[sflag:s28] =	ssyncadd.s32 $0xFFFFD800  }
0x10d: {  	[tilespmem:s31], [sflag:$0x1] =	stream.indirect.gather [hbm4b:s2+s30], $0x80, s24, s30, $0xb8;
	[tilespmem:$0x1EC80] =	vst v63  }
0x10e: {  	_ =	swait.ge [sflag:s5], $0x2800  }
0x10f: {  	[sflag:s5] =	ssyncset.done $0x0  }
0x110: {  	s25 =	simm.s32 $0x8080;
	[sflag:s5] =	ssyncadd.s32 $0xFFFFD800  }
0x111: {  	[spmem:s3] =	stream.indirect.scatter.add.f32 [tilespmem:s29], [sflag:$0x3], $0x80, s25, s30, $0xb8;
	[tilespmem:$0x1EC80] =	vst v63  }
0x112: {  	_ =	swait.ge [sflag:s28], $0x2800  }
0x113: {  	[sflag:s28] =	ssyncset.done $0x0  }
0x114: {  	s23 =	simm.s32 $0x400;
	s24 =	simm.s32 $0x180;
	[sflag:s28] =	ssyncadd.s32 $0xFFFFD800  }
.LBB2_8:
0x115: {  	[tilespmem:s29], [sflag:$0x2] =	stream.indirect.gather [hbm4b:s2+s30], $0x80, s24, s30, $0xb8;
	[tilespmem:$0x1EC80] =	vst v63  }
0x116: {  	s6 =	smov.u32 s23  }
0x117: {  	p1 =	sne.s32 s23, $0xF000;
	s23 =	sadd.s32 $0x400, s23;
	_ =	swait.ge [sflag:s0], $0x2800  }
0x118: {  	s6 =	sshra.s32 s6, $0x2;
	[sflag:s0] =	ssyncset.done $0x0  }
0x119: {  	s24 =	sadd.s32 $0x8000, s6;
	[sflag:s0] =	ssyncadd.s32 $0xFFFFD800  }
0x11a: {  	[spmem:s3] =	stream.indirect.scatter.add.f32 [tilespmem:s31], [sflag:$0x3], $0x80, s24, s30, $0xb8;
	[tilespmem:$0x1EC80] =	vst v63  }
0x11b: {  	_ =	swait.ge [sflag:s28], $0x2800  }
0x11c: {  	[sflag:s28] =	ssyncset.done $0x0  }
0x11d: {  	s24 =	sadd.s32 $0x100, s6;
	[sflag:s28] =	ssyncadd.s32 $0xFFFFD800  }
0x11e: {  	[tilespmem:s31], [sflag:$0x1] =	stream.indirect.gather [hbm4b:s2+s30], $0x80, s24, s30, $0xb8;
	[tilespmem:$0x1EC80] =	vst v63  }
0x11f: {  	_ =	swait.ge [sflag:s5], $0x2800  }
0x120: {  	[sflag:s5] =	ssyncset.done $0x0  }
.Ltmp3:
0x121: {  	s24 =	sadd.s32 $0x8080, s6;
	[sflag:s5] =	ssyncadd.s32 $0xFFFFD800;
	(pc) =	sbr.rel @p1 .LBB2_8-.Ltmp3, $4  }
0x122: {  	[spmem:s3] =	stream.indirect.scatter.add.f32 [tilespmem:s29], [sflag:$0x3], $0x80, s24, s30, $0xb8;
	[tilespmem:$0x1EC80] =	vst v63  }
0x123: {  	_ =	swait.ge [sflag:s28], $0x2800  }
0x124: {  	[sflag:s28] =	ssyncset.done $0x0  }
0x125: {  	s24 =	sadd.s32 $0x180, s6;
	[sflag:s28] =	ssyncadd.s32 $0xFFFFD800  }
0x126: {  	[tilespmem:s29], [sflag:$0x2] =	stream.indirect.gather [hbm4b:s2+s30], $0x80, s24, s30, $0xb8;
	[tilespmem:$0x1EC80] =	vst v63  }
0x127: {  	_ =	swait.ge [sflag:s0], $0x2800  }
0x128: {  	[sflag:s0] =	ssyncset.done $0x0  }
0x129: {  	s25 =	simm.s32 $0xBD00;
	[sflag:s0] =	ssyncadd.s32 $0xFFFFD800  }
0x12a: {  	[spmem:s3] =	stream.indirect.scatter.add.f32 [tilespmem:s31], [sflag:$0x3], $0x80, s25, s30, $0xb8;
	[tilespmem:$0x1EC80] =	vst v63  }
0x12b: {  	_ =	swait.ge [sflag:s28], $0x2800  }
0x12c: {  	[sflag:s28] =	ssyncset.done $0x0  }
0x12d: {  	[sflag:s28] =	ssyncadd.s32 $0xFFFFD800  }
0x12e: {  	[tilespmem:s31], [sflag:$0x1] =	stream.indirect.gather [hbm4b:s2+s30], $0x80, s7, s30, $0xb8;
	[tilespmem:$0x1EC80] =	vst v63  }
0x12f: {  	_ =	swait.ge [sflag:s5], $0x2800  }
0x130: {  	[sflag:s5] =	ssyncset.done $0x0  }
0x131: {  	[sflag:s5] =	ssyncadd.s32 $0xFFFFD800  }
0x132: {  	[spmem:s3] =	stream.indirect.scatter.add.f32 [tilespmem:s29], [sflag:$0x3], $0x80, s9, s30, $0xb8;
	[tilespmem:$0x1EC80] =	vst v63  }
0x133: {  	_ =	swait.ge [sflag:s28], $0x2800  }
0x134: {  	[sflag:s28] =	ssyncset.done $0x0  }
0x135: {  	[sflag:s28] =	ssyncadd.s32 $0xFFFFD800  }
0x136: {  	_ =	swait.ge [sflag:s0], $0x2800  }
0x137: {  	[sflag:s0] =	ssyncset.done $0x0  }
0x138: {  	[sflag:s0] =	ssyncadd.s32 $0xFFFFD800  }
0x139: {  	[spmem:s3] =	stream.indirect.scatter.add.f32 [tilespmem:s31], [sflag:$0x3], $0x80, s10, s30, $0xb8;
	[tilespmem:$0x1EC80] =	vst v63  }
0x13a: {  	_ =	swait.ge [sflag:s28], $0x2800  }
0x13b: {  	[sflag:s28] =	ssyncset.done $0x0  }
0x13c: {  	[sflag:s28] =	ssyncadd.s32 $0xFFFFD800  }
0x13d: {  	[bflag:$0x0] =	sbarrier.arrive $0xFFFF  }
0x13e: {  	s6 =	rddreg [dreg:$0xf]  }
0x13f: {  	[hbm:s6], [sflag:s17] =	dma.local [spmem:s18], $0x1380  }
0x140: {  	_ =	swait.ge [sflag:s28], $0x1380  }
0x141: {  	s23 =	simm.s32 @p0 $0x0;
	[sflag:s28] =	ssyncset.done $0x0  }
0x142: {  	s24 =	simm.s32 @p0 $0x10000;
	s6 =	simm.s32 @p0 $0x50;
	[sflag:s28] =	ssyncadd.s32 $0xFFFFEC80  }
0x143: {  	[tilespmem:s24], [sflag:$0x1] =	stream.indirect.gather @p0 [hbm4b:s2+s6], $0x80, s23, s6, $0xb8;
	[tilespmem:$0x1EC80] =	vst v63  }
0x144: {  	s23 =	simm.s32 @p0 $0x80;
	s24 =	simm.s32 @p0 $0x12800  }
0x145: {  	[tilespmem:s24], [sflag:$0x2] =	stream.indirect.gather @p0 [hbm4b:s2+s6], $0x80, s23, s6, $0xb8;
	[tilespmem:$0x1EC80] =	vst v63  }
0x146: {  	s6 =	simm.s32 @p0 $0x3  }
0x147: {  	[spmem:s21], [sflag:s17] =	dma.local @p0 [hbm:s20], $0x1380  }
0x148: {  	_ =	swait.ge @p0 [sflag:s6], $0x1380  }
0x149: {  	[sflag:s6] =	ssyncset.done @p0 $0x0  }
0x14a: {  	[sflag:s6] =	ssyncadd.s32 @p0 $0xFFFFEC80;
	s6 =	rddreg [dreg:$0x10]  }
0x14b: {  	[hbm:s6], [sflag:s17] =	dma.local @!p0 [spmem:s19], $0x80  }
0x14c: {  	s6 =	simm.s32 @!p0 $0x3  }
0x14d: {  	_ =	swait.ge @!p0 [sflag:s6], $0x80  }
0x14e: {  	s23 =	simm.s32 @!p0 $0x0;
	[sflag:s6] =	ssyncset.done @!p0 $0x0  }
0x14f: {  	s24 =	simm.s32 @!p0 $0x10000;
	s21 =	simm.s32 @!p0 $0x50;
	[sflag:s6] =	ssyncadd.s32 @!p0 $0xFFFFFF80  }
0x150: {  	[tilespmem:s24], [sflag:$0x1] =	stream.indirect.gather @!p0 [hbm4b:s2+s21], $0x80, s23, s21, $0xb8;
	[tilespmem:$0x1EC80] =	vst v63  }
0x151: {  	s23 =	simm.s32 @!p0 $0x80;
	s24 =	simm.s32 @!p0 $0x12800  }
0x152: {  	[tilespmem:s24], [sflag:$0x2] =	stream.indirect.gather @!p0 [hbm4b:s2+s21], $0x80, s23, s21, $0xb8;
	[tilespmem:$0x1EC80] =	vst v63  }
0x153: {  	[spmem:s22], [sflag:s17] =	dma.local @!p0 [hbm:s20], $0x1380  }
0x154: {  	_ =	swait.ge @!p0 [sflag:s6], $0x1380  }
0x155: {  	[sflag:s6] =	ssyncset.done @!p0 $0x0  }
0x156: {  	s21 =	rddreg [dreg:$0x13];
	[sflag:s6] =	ssyncadd.s32 @!p0 $0xFFFFEC80  }
0x157: {  	[spmem:s19], [sflag:s17] =	dma.local @!p0 [hbm:s21], $0x80  }
0x158: {  	_ =	swait.ge @!p0 [sflag:s6], $0x80  }
0x159: {  	[sflag:s6] =	ssyncset.done @!p0 $0x0  }
0x15a: {  	[sflag:s6] =	ssyncadd.s32 @!p0 $0xFFFFFF80  }
0x15b: {  	[bflag:$0x0] =	sbarrier.arrive $0xFFFF  }
0x15c: {  	_ =	swait.ge [sflag:s0], $0x2800  }
0x15d: {  	[sflag:s0] =	ssyncset.done $0x0  }
0x15e: {  	s22 =	simm.s32 $0xC000;
	[sflag:s0] =	ssyncadd.s32 $0xFFFFD800  }
0x15f: {  	[spmem:s3] =	stream.indirect.scatter.add.f32 [tilespmem:s31], [sflag:$0x3], $0x80, s22, s30, $0xb8;
	[tilespmem:$0x1EC80] =	vst v63  }
0x160: {  	_ =	swait.ge [sflag:s28], $0x2800  }
0x161: {  	[sflag:s28] =	ssyncset.done $0x0  }
0x162: {  	s23 =	simm.s32 $0x100;
	[sflag:s28] =	ssyncadd.s32 $0xFFFFD800  }
0x163: {  	[tilespmem:s31], [sflag:$0x1] =	stream.indirect.gather [hbm4b:s2+s30], $0x80, s23, s30, $0xb8;
	[tilespmem:$0x1EC80] =	vst v63  }
0x164: {  	_ =	swait.ge [sflag:s5], $0x2800  }
0x165: {  	[sflag:s5] =	ssyncset.done $0x0  }
0x166: {  	s24 =	simm.s32 $0xC080;
	[sflag:s5] =	ssyncadd.s32 $0xFFFFD800  }
0x167: {  	[spmem:s3] =	stream.indirect.scatter.add.f32 [tilespmem:s29], [sflag:$0x3], $0x80, s24, s30, $0xb8;
	[tilespmem:$0x1EC80] =	vst v63  }
0x168: {  	_ =	swait.ge [sflag:s28], $0x2800  }
0x169: {  	[sflag:s28] =	ssyncset.done $0x0  }
0x16a: {  	s21 =	simm.s32 $0x400;
	s22 =	simm.s32 $0x180;
	[sflag:s28] =	ssyncadd.s32 $0xFFFFD800  }
.LBB2_10:
0x16b: {  	[tilespmem:s29], [sflag:$0x2] =	stream.indirect.gather [hbm4b:s2+s30], $0x80, s22, s30, $0xb8;
	[tilespmem:$0x1EC80] =	vst v63  }
0x16c: {  	s6 =	smov.u32 s21  }
0x16d: {  	p1 =	sne.s32 s21, $0xF000;
	s21 =	sadd.s32 $0x400, s21;
	_ =	swait.ge [sflag:s0], $0x2800  }
0x16e: {  	s6 =	sshra.s32 s6, $0x2;
	[sflag:s0] =	ssyncset.done $0x0  }
0x16f: {  	s22 =	sadd.s32 $0xC000, s6;
	[sflag:s0] =	ssyncadd.s32 $0xFFFFD800  }
0x170: {  	[spmem:s3] =	stream.indirect.scatter.add.f32 [tilespmem:s31], [sflag:$0x3], $0x80, s22, s30, $0xb8;
	[tilespmem:$0x1EC80] =	vst v63  }
0x171: {  	_ =	swait.ge [sflag:s28], $0x2800  }
0x172: {  	[sflag:s28] =	ssyncset.done $0x0  }
0x173: {  	s22 =	sadd.s32 $0x100, s6;
	[sflag:s28] =	ssyncadd.s32 $0xFFFFD800  }
0x174: {  	[tilespmem:s31], [sflag:$0x1] =	stream.indirect.gather [hbm4b:s2+s30], $0x80, s22, s30, $0xb8;
	[tilespmem:$0x1EC80] =	vst v63  }
0x175: {  	_ =	swait.ge [sflag:s5], $0x2800  }
0x176: {  	[sflag:s5] =	ssyncset.done $0x0  }
.Ltmp4:
0x177: {  	s22 =	sadd.s32 $0xC080, s6;
	[sflag:s5] =	ssyncadd.s32 $0xFFFFD800;
	(pc) =	sbr.rel @p1 .LBB2_10-.Ltmp4, $4  }
0x178: {  	[spmem:s3] =	stream.indirect.scatter.add.f32 [tilespmem:s29], [sflag:$0x3], $0x80, s22, s30, $0xb8;
	[tilespmem:$0x1EC80] =	vst v63  }
0x179: {  	_ =	swait.ge [sflag:s28], $0x2800  }
0x17a: {  	[sflag:s28] =	ssyncset.done $0x0  }
0x17b: {  	s22 =	sadd.s32 $0x180, s6;
	[sflag:s28] =	ssyncadd.s32 $0xFFFFD800  }
0x17c: {  	[tilespmem:s29], [sflag:$0x2] =	stream.indirect.gather [hbm4b:s2+s30], $0x80, s22, s30, $0xb8;
	[tilespmem:$0x1EC80] =	vst v63  }
0x17d: {  	_ =	swait.ge [sflag:s0], $0x2800  }
0x17e: {  	[sflag:s0] =	ssyncset.done $0x0  }
0x17f: {  	[sflag:s0] =	ssyncadd.s32 $0xFFFFD800  }
0x180: {  	[spmem:s3] =	stream.indirect.scatter.add.f32 [tilespmem:s31], [sflag:$0x3], $0x80, s11, s30, $0xb8;
	[tilespmem:$0x1EC80] =	vst v63  }
0x181: {  	_ =	swait.ge [sflag:s28], $0x2800  }
0x182: {  	[sflag:s28] =	ssyncset.done $0x0  }
0x183: {  	[sflag:s28] =	ssyncadd.s32 $0xFFFFD800  }
0x184: {  	[tilespmem:s31], [sflag:$0x1] =	stream.indirect.gather [hbm4b:s2+s30], $0x80, s7, s30, $0xb8;
	[tilespmem:$0x1EC80] =	vst v63  }
0x185: {  	_ =	swait.ge [sflag:s5], $0x2800  }
0x186: {  	[sflag:s5] =	ssyncset.done $0x0  }
0x187: {  	[sflag:s5] =	ssyncadd.s32 $0xFFFFD800  }
0x188: {  	[spmem:s3] =	stream.indirect.scatter.add.f32 [tilespmem:s29], [sflag:$0x3], $0x80, s12, s30, $0xb8;
	[tilespmem:$0x1EC80] =	vst v63  }
0x189: {  	_ =	swait.ge [sflag:s28], $0x2800  }
0x18a: {  	[sflag:s28] =	ssyncset.done $0x0  }
0x18b: {  	[sflag:s28] =	ssyncadd.s32 $0xFFFFD800  }
0x18c: {  	_ =	swait.ge [sflag:s0], $0x2800  }
0x18d: {  	[sflag:s0] =	ssyncset.done $0x0  }
0x18e: {  	[sflag:s0] =	ssyncadd.s32 $0xFFFFD800  }
0x18f: {  	[spmem:s3] =	stream.indirect.scatter.add.f32 [tilespmem:s31], [sflag:$0x3], $0x80, s14, s30, $0xb8;
	[tilespmem:$0x1EC80] =	vst v63  }
0x190: {  	_ =	swait.ge [sflag:s28], $0x2800  }
0x191: {  	[sflag:s28] =	ssyncset.done $0x0  }
0x192: {  	[sflag:s28] =	ssyncadd.s32 $0xFFFFD800  }
0x193: {  	[bflag:$0x0] =	sbarrier.arrive $0xFFFF  }
0x194: {  	s6 =	rddreg [dreg:$0x11]  }
0x195: {  	[hbm:s6], [sflag:s17] =	dma.local [spmem:s18], $0x1380  }
0x196: {  	_ =	swait.ge [sflag:s28], $0x1380  }
0x197: {  	[sflag:s28] =	ssyncset.done $0x0  }
0x198: {  	s6 =	rddreg [dreg:$0x12];
	[sflag:s28] =	ssyncadd.s32 $0xFFFFEC80  }
0x199: {  	[hbm:s6], [sflag:s17] =	dma.local @!p0 [spmem:s19], $0x80  }
0x19a: {  	s6 =	simm.s32 @!p0 $0x3  }
0x19b: {  	_ =	swait.ge @!p0 [sflag:s6], $0x80  }
0x19c: {  	s15 =	sadd.s32 $0x1, s15;
	s24 =	rddreg [dreg:$0x14]  }
0x19d: {  	p1 =	sne.s32 s15, s24  }
.Ltmp5:
0x19e: {  	_ = 	snop;
	(pc) =	sbr.rel @p1 .LBB2_1-.Ltmp5, $3  }
0x19f: {  	_ =	sdelay $0x1  }
0x1a0: {  	[sflag:s6] =	ssyncset.done @!p0 $0x0  }
0x1a1: {  	[sflag:s6] =	ssyncadd.s32 @!p0 $0xFFFFFF80  }
0x1a2: {  	_ =	sfence.sel $0x180000  }
0x1a3: {  	[bflag:$0x0] =	sbarrier.arrive $0xFFFF  }
0x1a4: {  	_ =	strace $0x9000004A  }
0x1a5: {  	[bflag:$0x2] =	sbarrier.arrive $0xFFFF  }
0x1a6: {  	s0 =	rddreg [dreg:$0x4]  }
0x1a7: {  	s0 =	sadd.s32 @!p0 $0x100000, s0  }
0x1a8: {  	[sflag:s0] =	ssyncadd.tile.s32 @!p0 $0x1;
	_ =	shalt  }
.Lfunc_end2:
_tile_overlayer_lowered:
.L_overlay_start_2:
0x1a9: {  	(tag) =	ssettag $0x2  }
0x1aa: {  	s0 =	rddreg [dreg:$0x0];
	s2 =	stileid.u32  }
0x1ab: {  	s1 =	rddreg [dreg:$0x1];
	p0 =	sne.s32 s2, $0x0  }
0x1ac: {  	s3 =	rddreg [dreg:$0x2];
	[bflag:$0x3] =	sbarrier.arrive $0xFFFF;
	s2 =	simm.s32 @!p0 $0x1C03  }
0x1ad: {  	[timem:s3], [sflag:s2] =	dma.local @!p0 [hbm:s0], s1  }
0x1ae: {  	s0 =	simm.s32 @!p0 $0x3  }
0x1af: {  	_ =	swait.ge @!p0 [sflag:s0], s1  }
0x1b0: {  	s1 =	ssub.s32 @!p0 $0x0, s1;
	[sflag:s0] =	ssyncset.done @!p0 $0x0  }
0x1b1: {  	[sflag:s0] =	ssyncadd.s32 @!p0 s1  }
0x1b2: {  	[bflag:$0x3] =	sbarrier.arrive $0xFFFF  }
0x1b3: {  	_ =	shalt  }

</sc_bundles>
